<compile_context>
chip_gen: v7x
topology: tpu7x:2x2x1
jax: 0.10.2.dev20260603
libtpu: 0.0.44.dev20260713+nightly
codegen_flags: <defaults>
</compile_context>

<pallas_src>
import functools

import jax
import jax.numpy as jnp
from jax import lax
from jax.experimental import pallas as pl
from jax.experimental.pallas import tpu as pltpu
from jax.experimental.pallas import tpu_sc as plsc

_H = 16
_N = 2048
_TBL = 961
_TBL_PAD = 976
_NC = 2
_NS = 16
_NW = _NC * _NS
_ROWS_PER_W = _N // _NW
_UNIQ_PER_W = _ROWS_PER_W // 8


def _pos_bias_sc(table_pad):
    mesh = plsc.VectorSubcoreMesh(core_axis_name="c", subcore_axis_name="s")

    @functools.partial(
        pl.kernel,
        mesh=mesh,
        out_type=jax.ShapeDtypeStruct((_N, _N), jnp.float32),
        scratch_types=[
            pltpu.VMEM((_TBL_PAD,), jnp.float32),
            pltpu.VMEM((2, 8, _N), jnp.float32),
            pltpu.SemaphoreType.DMA,
        ],
        compiler_params=pltpu.CompilerParams(needs_layout_passes=False),
    )
    def k(table_hbm, out_hbm, tbl_v, blk_v, sem):
        wid = lax.axis_index("s") * _NC + lax.axis_index("c")
        pltpu.sync_copy(table_hbm, tbl_v)

        lane = lax.iota(jnp.int32, 16)
        pending = []
        for di in range(_UNIQ_PER_W):
            i = wid * _UNIQ_PER_W + di
            hi = i >> 4
            wi = i & 15
            buf = di & 1

            def body(kk, _):
                j = (kk * 16 + lane) >> 3
                hj = j >> 4
                wj = j & 15
                idx = (hi - hj + 15) * 31 + (wi - wj + 15)
                vals = plsc.load_gather(tbl_v, [idx])
                for dr in range(8):
                    blk_v[buf, dr, pl.ds(kk * 16, 16)] = vals
                return 0

            lax.fori_loop(0, _N // 16, body, 0, unroll=2)

            if di >= 2:
                pending[di - 2].wait()
            row0 = wid * _ROWS_PER_W + di * 8
            cp = pltpu.make_async_copy(
                blk_v.at[buf], out_hbm.at[pl.ds(row0, 8)], sem)
            cp.start()
            pending.append(cp)
        for h in pending[_UNIQ_PER_W - 2:]:
            h.wait()

    return k(table_pad)


def kernel(relative_position_bias_table, relative_position_index):
    del relative_position_index
    tbl = jnp.pad(relative_position_bias_table, (0, _TBL_PAD - _TBL))
    out = _pos_bias_sc(tbl)
    return out[None]

# --- scband reference (transcript-rebuilt; emitter-appended) ---
"""Pipeline reference for scband-position-bias-73246372266486 (READ-ONLY COPY).

The authoritative reference and input builder live on the scoring server;
editing this copy changes nothing except your own understanding.
"""

import jax, jax.numpy as jnp
import numpy as np

H, W, K = 16, 16, 8


def _build_relative_position_index(h, w, k):
    coords_h = jnp.arange(h)
    coords_w = jnp.arange(w)
    coords = jnp.stack(jnp.meshgrid(coords_h, coords_w, indexing='ij'))  # [2, h, w]
    coords_flatten = coords.reshape(2, -1)  # [2, h*w]
    relative_coords = coords_flatten[:, :, None] - coords_flatten[:, None, :]  # [2, hw, hw]
    relative_coords = jnp.transpose(relative_coords, (1, 2, 0))  # [hw, hw, 2]
    relative_coords = relative_coords.at[:, :, 0].add(h - 1)
    relative_coords = relative_coords.at[:, :, 1].add(w - 1)
    relative_coords = relative_coords.at[:, :, 0].multiply(2 * w - 1)
    relative_position_index = relative_coords.sum(-1)  # [h*w, h*w]  (h==w required)
    # block-expand each entry into a k x k block (same as the python double loop)
    rpi_large = jnp.repeat(jnp.repeat(relative_position_index, k, axis=0), k, axis=1)
    return rpi_large.astype(jnp.int32)


def setup_inputs(seed: int = 0) -> dict:
    key = jax.random.key(seed)
    table_size = (2 * H - 1) * (2 * W - 1)
    # trunc_normal_(std=0.02)
    relative_position_bias_table = jax.random.truncated_normal(
        key, -2.0, 2.0, (table_size,), dtype=jnp.float32) * 0.02
    relative_position_index = _build_relative_position_index(H, W, K)
    return {
        "relative_position_bias_table": relative_position_bias_table,
        "relative_position_index": relative_position_index,
    }


def reference(relative_position_bias_table, relative_position_index):
    n = H * W * K
    relative_position_bias = relative_position_bias_table[
        relative_position_index.reshape(-1)].reshape(n, n, -1)
    relative_position_bias = jnp.transpose(relative_position_bias, (2, 0, 1))
    return relative_position_bias

if __name__ == "__main__":
    import jax
    _d = setup_inputs()
    print(jax.jit(kernel)(*tuple(_d.values())))

</pallas_src>

<mosaic_0001>
#map = affine_map<(d0, d1) -> (0)>
#map1 = affine_map<(d0, d1) -> (0, 0)>
module attributes {stable_mosaic.version = 14 : i64} {
  func.func @k(%arg0: i32, %arg1: i32, %arg2: memref<976xf32, #tpu.memory_space<hbm>>, %arg3: memref<2048x2048xf32, #tpu.memory_space<hbm>>, %arg4: memref<976xf32, #tpu.memory_space<vmem>>, %arg5: memref<2x8x2048xf32, #tpu.memory_space<vmem>>, %arg6: memref<!tpu.dma_semaphore, #tpu.memory_space<semaphore_mem>>) attributes {dimension_semantics = [#tpu.dimension_semantics<core_parallel>, #tpu.dimension_semantics<subcore_parallel>], iteration_bounds = array<i64: 2, 16>, scalar_prefetch = 0 : i64, scratch_operands = 3 : i64, tpu.core_type = #tpu.core_type<sc_vector_subcore>, window_params = [{transform_indices = #map}, {transform_indices = #map1}]} {
    %mul3A = arith.constant 2 : i32
    %mul3A_0 = arith.muli %arg1, %mul3A : i32
    %add3A = arith.addi %mul3A_0, %arg0 : i32
    "tpu.region"() ({
      %run_scoped3A = tpu.sem_alloc : memref<!tpu.dma_semaphore, #tpu.memory_space<semaphore_mem>>
      tpu.enqueue_dma source(%arg2 : memref<976xf32, #tpu.memory_space<hbm>>) target(%arg4 : memref<976xf32, #tpu.memory_space<vmem>>) target_semaphore(%run_scoped3A : memref<!tpu.dma_semaphore, #tpu.memory_space<semaphore_mem>>)
      tpu.wait_dma2 semaphore(%run_scoped3A : memref<!tpu.dma_semaphore, #tpu.memory_space<semaphore_mem>>) src(%arg2 : memref<976xf32, #tpu.memory_space<hbm>>) dst(%arg4 : memref<976xf32, #tpu.memory_space<vmem>>)
      tpu.yield
    }) : () -> ()
    %iota3A = tpu.iota {dimensions = array<i32: 0>} : vector<16xi32>
    %mul3A_1 = arith.constant 8 : i32
    %mul3A_2 = arith.muli %add3A, %mul3A_1 : i32
    %add3A_3 = arith.constant 0 : i32
    %add3A_4 = arith.addi %mul3A_2, %add3A_3 : i32
    %shift_right_arithmetic3A = arith.constant 4 : i32
    %shift_right_arithmetic3A_5 = arith.shrsi %add3A_4, %shift_right_arithmetic3A : i32
    %and3A = arith.constant 15 : i32
    %and3A_6 = arith.andi %add3A_4, %and3A : i32
    %scan3A = arith.constant 0 : i32
    %scan3A_7 = arith.constant 0 : i32
    %scan3A_8 = arith.constant 128 : i32
    %scan3A_9 = arith.addi %scan3A_7, %scan3A_8 : i32
    %scan3A_10 = arith.constant 2 : i32
    %scan3A_11 = scf.for %scan3A_356 = %scan3A_7 to %scan3A_9 step %scan3A_10 iter_args(%scan3A_357 = %scan3A) -> (i32)  : i32 {
      %mul3A_358 = arith.constant 16 : i32
      %mul3A_359 = arith.muli %scan3A_356, %mul3A_358 : i32
      %add3A_360 = vector.broadcast %mul3A_359 : i32 to vector<16xi32>
      %add3A_361 = arith.addi %add3A_360, %iota3A : vector<16xi32>
      %shift_right_arithmetic3A_362 = arith.constant 3 : i32
      %shift_right_arithmetic3A_363 = vector.broadcast %shift_right_arithmetic3A_362 : i32 to vector<16xi32>
      %shift_right_arithmetic3A_364 = arith.shrsi %add3A_361, %shift_right_arithmetic3A_363 : vector<16xi32>
      %shift_right_arithmetic3A_365 = arith.constant 4 : i32
      %shift_right_arithmetic3A_366 = vector.broadcast %shift_right_arithmetic3A_365 : i32 to vector<16xi32>
      %shift_right_arithmetic3A_367 = arith.shrsi %shift_right_arithmetic3A_364, %shift_right_arithmetic3A_366 : vector<16xi32>
      %and3A_368 = arith.constant 15 : i32
      %and3A_369 = vector.broadcast %and3A_368 : i32 to vector<16xi32>
      %and3A_370 = arith.andi %shift_right_arithmetic3A_364, %and3A_369 : vector<16xi32>
      %sub3A = vector.broadcast %shift_right_arithmetic3A_5 : i32 to vector<16xi32>
      %sub3A_371 = arith.subi %sub3A, %shift_right_arithmetic3A_367 : vector<16xi32>
      %add3A_372 = arith.constant 15 : i32
      %add3A_373 = vector.broadcast %add3A_372 : i32 to vector<16xi32>
      %add3A_374 = arith.addi %sub3A_371, %add3A_373 : vector<16xi32>
      %mul3A_375 = arith.constant 31 : i32
      %mul3A_376 = vector.broadcast %mul3A_375 : i32 to vector<16xi32>
      %mul3A_377 = arith.muli %add3A_374, %mul3A_376 : vector<16xi32>
      %sub3A_378 = vector.broadcast %and3A_6 : i32 to vector<16xi32>
      %sub3A_379 = arith.subi %sub3A_378, %and3A_370 : vector<16xi32>
      %add3A_380 = arith.constant 15 : i32
      %add3A_381 = vector.broadcast %add3A_380 : i32 to vector<16xi32>
      %add3A_382 = arith.addi %sub3A_379, %add3A_381 : vector<16xi32>
      %add3A_383 = arith.addi %mul3A_377, %add3A_382 : vector<16xi32>
      %gather3A = tpu.vector_load_idx %arg4[%add3A_383] : memref<976xf32, #tpu.memory_space<vmem>>[vector<16xi32>], vector<16xf32>,
      %mul3A_384 = arith.constant 16 : i32
      %mul3A_385 = arith.muli %scan3A_356, %mul3A_384 : i32
      %swap3A = arith.constant 0 : i32
      %swap3A_386 = arith.constant 0 : i32
      %swap3A_387 = arith.index_cast %swap3A : i32 to index
      %swap3A_388 = arith.index_cast %swap3A_386 : i32 to index
      %swap3A_389 = arith.index_cast %mul3A_385 : i32 to index
      %swap3A_390 = tpu.vector_load %arg5[%swap3A_387, %swap3A_388, %swap3A_389] {strides = array<i32>} : memref<2x8x2048xf32, #tpu.memory_space<vmem>>, vector<16xf32>,
      tpu.vector_store %arg5[%swap3A_387, %swap3A_388, %swap3A_389], %gather3A {strides = array<i32>} : memref<2x8x2048xf32, #tpu.memory_space<vmem>>, vector<16xf32>,
      %mul3A_391 = arith.constant 16 : i32
      %mul3A_392 = arith.muli %scan3A_356, %mul3A_391 : i32
      %swap3A_393 = arith.constant 0 : i32
      %swap3A_394 = arith.constant 1 : i32
      %swap3A_395 = arith.index_cast %swap3A_393 : i32 to index
      %swap3A_396 = arith.index_cast %swap3A_394 : i32 to index
      %swap3A_397 = arith.index_cast %mul3A_392 : i32 to index
      %swap3A_398 = tpu.vector_load %arg5[%swap3A_395, %swap3A_396, %swap3A_397] {strides = array<i32>} : memref<2x8x2048xf32, #tpu.memory_space<vmem>>, vector<16xf32>,
      tpu.vector_store %arg5[%swap3A_395, %swap3A_396, %swap3A_397], %gather3A {strides = array<i32>} : memref<2x8x2048xf32, #tpu.memory_space<vmem>>, vector<16xf32>,
      %mul3A_399 = arith.constant 16 : i32
      %mul3A_400 = arith.muli %scan3A_356, %mul3A_399 : i32
      %swap3A_401 = arith.constant 0 : i32
      %swap3A_402 = arith.constant 2 : i32
      %swap3A_403 = arith.index_cast %swap3A_401 : i32 to index
      %swap3A_404 = arith.index_cast %swap3A_402 : i32 to index
      %swap3A_405 = arith.index_cast %mul3A_400 : i32 to index
      %swap3A_406 = tpu.vector_load %arg5[%swap3A_403, %swap3A_404, %swap3A_405] {strides = array<i32>} : memref<2x8x2048xf32, #tpu.memory_space<vmem>>, vector<16xf32>,
      tpu.vector_store %arg5[%swap3A_403, %swap3A_404, %swap3A_405], %gather3A {strides = array<i32>} : memref<2x8x2048xf32, #tpu.memory_space<vmem>>, vector<16xf32>,
      %mul3A_407 = arith.constant 16 : i32
      %mul3A_408 = arith.muli %scan3A_356, %mul3A_407 : i32
      %swap3A_409 = arith.constant 0 : i32
      %swap3A_410 = arith.constant 3 : i32
      %swap3A_411 = arith.index_cast %swap3A_409 : i32 to index
      %swap3A_412 = arith.index_cast %swap3A_410 : i32 to index
      %swap3A_413 = arith.index_cast %mul3A_408 : i32 to index
      %swap3A_414 = tpu.vector_load %arg5[%swap3A_411, %swap3A_412, %swap3A_413] {strides = array<i32>} : memref<2x8x2048xf32, #tpu.memory_space<vmem>>, vector<16xf32>,
      tpu.vector_store %arg5[%swap3A_411, %swap3A_412, %swap3A_413], %gather3A {strides = array<i32>} : memref<2x8x2048xf32, #tpu.memory_space<vmem>>, vector<16xf32>,
      %mul3A_415 = arith.constant 16 : i32
      %mul3A_416 = arith.muli %scan3A_356, %mul3A_415 : i32
      %swap3A_417 = arith.constant 0 : i32
      %swap3A_418 = arith.constant 4 : i32
      %swap3A_419 = arith.index_cast %swap3A_417 : i32 to index
      %swap3A_420 = arith.index_cast %swap3A_418 : i32 to index
      %swap3A_421 = arith.index_cast %mul3A_416 : i32 to index
      %swap3A_422 = tpu.vector_load %arg5[%swap3A_419, %swap3A_420, %swap3A_421] {strides = array<i32>} : memref<2x8x2048xf32, #tpu.memory_space<vmem>>, vector<16xf32>,
      tpu.vector_store %arg5[%swap3A_419, %swap3A_420, %swap3A_421], %gather3A {strides = array<i32>} : memref<2x8x2048xf32, #tpu.memory_space<vmem>>, vector<16xf32>,
      %mul3A_423 = arith.constant 16 : i32
      %mul3A_424 = arith.muli %scan3A_356, %mul3A_423 : i32
      %swap3A_425 = arith.constant 0 : i32
      %swap3A_426 = arith.constant 5 : i32
      %swap3A_427 = arith.index_cast %swap3A_425 : i32 to index
      %swap3A_428 = arith.index_cast %swap3A_426 : i32 to index
      %swap3A_429 = arith.index_cast %mul3A_424 : i32 to index
      %swap3A_430 = tpu.vector_load %arg5[%swap3A_427, %swap3A_428, %swap3A_429] {strides = array<i32>} : memref<2x8x2048xf32, #tpu.memory_space<vmem>>, vector<16xf32>,
      tpu.vector_store %arg5[%swap3A_427, %swap3A_428, %swap3A_429], %gather3A {strides = array<i32>} : memref<2x8x2048xf32, #tpu.memory_space<vmem>>, vector<16xf32>,
      %mul3A_431 = arith.constant 16 : i32
      %mul3A_432 = arith.muli %scan3A_356, %mul3A_431 : i32
      %swap3A_433 = arith.constant 0 : i32
      %swap3A_434 = arith.constant 6 : i32
      %swap3A_435 = arith.index_cast %swap3A_433 : i32 to index
      %swap3A_436 = arith.index_cast %swap3A_434 : i32 to index
      %swap3A_437 = arith.index_cast %mul3A_432 : i32 to index
      %swap3A_438 = tpu.vector_load %arg5[%swap3A_435, %swap3A_436, %swap3A_437] {strides = array<i32>} : memref<2x8x2048xf32, #tpu.memory_space<vmem>>, vector<16xf32>,
      tpu.vector_store %arg5[%swap3A_435, %swap3A_436, %swap3A_437], %gather3A {strides = array<i32>} : memref<2x8x2048xf32, #tpu.memory_space<vmem>>, vector<16xf32>,
      %mul3A_439 = arith.constant 16 : i32
      %mul3A_440 = arith.muli %scan3A_356, %mul3A_439 : i32
      %swap3A_441 = arith.constant 0 : i32
      %swap3A_442 = arith.constant 7 : i32
      %swap3A_443 = arith.index_cast %swap3A_441 : i32 to index
      %swap3A_444 = arith.index_cast %swap3A_442 : i32 to index
      %swap3A_445 = arith.index_cast %mul3A_440 : i32 to index
      %swap3A_446 = tpu.vector_load %arg5[%swap3A_443, %swap3A_444, %swap3A_445] {strides = array<i32>} : memref<2x8x2048xf32, #tpu.memory_space<vmem>>, vector<16xf32>,
      tpu.vector_store %arg5[%swap3A_443, %swap3A_444, %swap3A_445], %gather3A {strides = array<i32>} : memref<2x8x2048xf32, #tpu.memory_space<vmem>>, vector<16xf32>,
      %scan3A_447 = arith.constant 0 : i32
      %scan3A_448 = arith.constant 1 : i32
      %scan3A_449 = arith.addi %scan3A_356, %scan3A_448 : i32
      %mul3A_450 = arith.constant 16 : i32
      %mul3A_451 = arith.muli %scan3A_449, %mul3A_450 : i32
      %add3A_452 = vector.broadcast %mul3A_451 : i32 to vector<16xi32>
      %add3A_453 = arith.addi %add3A_452, %iota3A : vector<16xi32>
      %shift_right_arithmetic3A_454 = arith.constant 3 : i32
      %shift_right_arithmetic3A_455 = vector.broadcast %shift_right_arithmetic3A_454 : i32 to vector<16xi32>
      %shift_right_arithmetic3A_456 = arith.shrsi %add3A_453, %shift_right_arithmetic3A_455 : vector<16xi32>
      %shift_right_arithmetic3A_457 = arith.constant 4 : i32
      %shift_right_arithmetic3A_458 = vector.broadcast %shift_right_arithmetic3A_457 : i32 to vector<16xi32>
      %shift_right_arithmetic3A_459 = arith.shrsi %shift_right_arithmetic3A_456, %shift_right_arithmetic3A_458 : vector<16xi32>
      %and3A_460 = arith.constant 15 : i32
      %and3A_461 = vector.broadcast %and3A_460 : i32 to vector<16xi32>
      %and3A_462 = arith.andi %shift_right_arithmetic3A_456, %and3A_461 : vector<16xi32>
      %sub3A_463 = vector.broadcast %shift_right_arithmetic3A_5 : i32 to vector<16xi32>
      %sub3A_464 = arith.subi %sub3A_463, %shift_right_arithmetic3A_459 : vector<16xi32>
      %add3A_465 = arith.constant 15 : i32
      %add3A_466 = vector.broadcast %add3A_465 : i32 to vector<16xi32>
      %add3A_467 = arith.addi %sub3A_464, %add3A_466 : vector<16xi32>
      %mul3A_468 = arith.constant 31 : i32
      %mul3A_469 = vector.broadcast %mul3A_468 : i32 to vector<16xi32>
      %mul3A_470 = arith.muli %add3A_467, %mul3A_469 : vector<16xi32>
      %sub3A_471 = vector.broadcast %and3A_6 : i32 to vector<16xi32>
      %sub3A_472 = arith.subi %sub3A_471, %and3A_462 : vector<16xi32>
      %add3A_473 = arith.constant 15 : i32
      %add3A_474 = vector.broadcast %add3A_473 : i32 to vector<16xi32>
      %add3A_475 = arith.addi %sub3A_472, %add3A_474 : vector<16xi32>
      %add3A_476 = arith.addi %mul3A_470, %add3A_475 : vector<16xi32>
      %gather3A_477 = tpu.vector_load_idx %arg4[%add3A_476] : memref<976xf32, #tpu.memory_space<vmem>>[vector<16xi32>], vector<16xf32>,
      %mul3A_478 = arith.constant 16 : i32
      %mul3A_479 = arith.muli %scan3A_449, %mul3A_478 : i32
      %swap3A_480 = arith.constant 0 : i32
      %swap3A_481 = arith.constant 0 : i32
      %swap3A_482 = arith.index_cast %swap3A_480 : i32 to index
      %swap3A_483 = arith.index_cast %swap3A_481 : i32 to index
      %swap3A_484 = arith.index_cast %mul3A_479 : i32 to index
      %swap3A_485 = tpu.vector_load %arg5[%swap3A_482, %swap3A_483, %swap3A_484] {strides = array<i32>} : memref<2x8x2048xf32, #tpu.memory_space<vmem>>, vector<16xf32>,
      tpu.vector_store %arg5[%swap3A_482, %swap3A_483, %swap3A_484], %gather3A_477 {strides = array<i32>} : memref<2x8x2048xf32, #tpu.memory_space<vmem>>, vector<16xf32>,
      %mul3A_486 = arith.constant 16 : i32
      %mul3A_487 = arith.muli %scan3A_449, %mul3A_486 : i32
      %swap3A_488 = arith.constant 0 : i32
      %swap3A_489 = arith.constant 1 : i32
      %swap3A_490 = arith.index_cast %swap3A_488 : i32 to index
      %swap3A_491 = arith.index_cast %swap3A_489 : i32 to index
      %swap3A_492 = arith.index_cast %mul3A_487 : i32 to index
      %swap3A_493 = tpu.vector_load %arg5[%swap3A_490, %swap3A_491, %swap3A_492] {strides = array<i32>} : memref<2x8x2048xf32, #tpu.memory_space<vmem>>, vector<16xf32>,
      tpu.vector_store %arg5[%swap3A_490, %swap3A_491, %swap3A_492], %gather3A_477 {strides = array<i32>} : memref<2x8x2048xf32, #tpu.memory_space<vmem>>, vector<16xf32>,
      %mul3A_494 = arith.constant 16 : i32
      %mul3A_495 = arith.muli %scan3A_449, %mul3A_494 : i32
      %swap3A_496 = arith.constant 0 : i32
      %swap3A_497 = arith.constant 2 : i32
      %swap3A_498 = arith.index_cast %swap3A_496 : i32 to index
      %swap3A_499 = arith.index_cast %swap3A_497 : i32 to index
      %swap3A_500 = arith.index_cast %mul3A_495 : i32 to index
      %swap3A_501 = tpu.vector_load %arg5[%swap3A_498, %swap3A_499, %swap3A_500] {strides = array<i32>} : memref<2x8x2048xf32, #tpu.memory_space<vmem>>, vector<16xf32>,
      tpu.vector_store %arg5[%swap3A_498, %swap3A_499, %swap3A_500], %gather3A_477 {strides = array<i32>} : memref<2x8x2048xf32, #tpu.memory_space<vmem>>, vector<16xf32>,
      %mul3A_502 = arith.constant 16 : i32
      %mul3A_503 = arith.muli %scan3A_449, %mul3A_502 : i32
      %swap3A_504 = arith.constant 0 : i32
      %swap3A_505 = arith.constant 3 : i32
      %swap3A_506 = arith.index_cast %swap3A_504 : i32 to index
      %swap3A_507 = arith.index_cast %swap3A_505 : i32 to index
      %swap3A_508 = arith.index_cast %mul3A_503 : i32 to index
      %swap3A_509 = tpu.vector_load %arg5[%swap3A_506, %swap3A_507, %swap3A_508] {strides = array<i32>} : memref<2x8x2048xf32, #tpu.memory_space<vmem>>, vector<16xf32>,
      tpu.vector_store %arg5[%swap3A_506, %swap3A_507, %swap3A_508], %gather3A_477 {strides = array<i32>} : memref<2x8x2048xf32, #tpu.memory_space<vmem>>, vector<16xf32>,
      %mul3A_510 = arith.constant 16 : i32
      %mul3A_511 = arith.muli %scan3A_449, %mul3A_510 : i32
      %swap3A_512 = arith.constant 0 : i32
      %swap3A_513 = arith.constant 4 : i32
      %swap3A_514 = arith.index_cast %swap3A_512 : i32 to index
      %swap3A_515 = arith.index_cast %swap3A_513 : i32 to index
      %swap3A_516 = arith.index_cast %mul3A_511 : i32 to index
      %swap3A_517 = tpu.vector_load %arg5[%swap3A_514, %swap3A_515, %swap3A_516] {strides = array<i32>} : memref<2x8x2048xf32, #tpu.memory_space<vmem>>, vector<16xf32>,
      tpu.vector_store %arg5[%swap3A_514, %swap3A_515, %swap3A_516], %gather3A_477 {strides = array<i32>} : memref<2x8x2048xf32, #tpu.memory_space<vmem>>, vector<16xf32>,
      %mul3A_518 = arith.constant 16 : i32
      %mul3A_519 = arith.muli %scan3A_449, %mul3A_518 : i32
      %swap3A_520 = arith.constant 0 : i32
      %swap3A_521 = arith.constant 5 : i32
      %swap3A_522 = arith.index_cast %swap3A_520 : i32 to index
      %swap3A_523 = arith.index_cast %swap3A_521 : i32 to index
      %swap3A_524 = arith.index_cast %mul3A_519 : i32 to index
      %swap3A_525 = tpu.vector_load %arg5[%swap3A_522, %swap3A_523, %swap3A_524] {strides = array<i32>} : memref<2x8x2048xf32, #tpu.memory_space<vmem>>, vector<16xf32>,
      tpu.vector_store %arg5[%swap3A_522, %swap3A_523, %swap3A_524], %gather3A_477 {strides = array<i32>} : memref<2x8x2048xf32, #tpu.memory_space<vmem>>, vector<16xf32>,
      %mul3A_526 = arith.constant 16 : i32
      %mul3A_527 = arith.muli %scan3A_449, %mul3A_526 : i32
      %swap3A_528 = arith.constant 0 : i32
      %swap3A_529 = arith.constant 6 : i32
      %swap3A_530 = arith.index_cast %swap3A_528 : i32 to index
      %swap3A_531 = arith.index_cast %swap3A_529 : i32 to index
      %swap3A_532 = arith.index_cast %mul3A_527 : i32 to index
      %swap3A_533 = tpu.vector_load %arg5[%swap3A_530, %swap3A_531, %swap3A_532] {strides = array<i32>} : memref<2x8x2048xf32, #tpu.memory_space<vmem>>, vector<16xf32>,
      tpu.vector_store %arg5[%swap3A_530, %swap3A_531, %swap3A_532], %gather3A_477 {strides = array<i32>} : memref<2x8x2048xf32, #tpu.memory_space<vmem>>, vector<16xf32>,
      %mul3A_534 = arith.constant 16 : i32
      %mul3A_535 = arith.muli %scan3A_449, %mul3A_534 : i32
      %swap3A_536 = arith.constant 0 : i32
      %swap3A_537 = arith.constant 7 : i32
      %swap3A_538 = arith.index_cast %swap3A_536 : i32 to index
      %swap3A_539 = arith.index_cast %swap3A_537 : i32 to index
      %swap3A_540 = arith.index_cast %mul3A_535 : i32 to index
      %swap3A_541 = tpu.vector_load %arg5[%swap3A_538, %swap3A_539, %swap3A_540] {strides = array<i32>} : memref<2x8x2048xf32, #tpu.memory_space<vmem>>, vector<16xf32>,
      tpu.vector_store %arg5[%swap3A_538, %swap3A_539, %swap3A_540], %gather3A_477 {strides = array<i32>} : memref<2x8x2048xf32, #tpu.memory_space<vmem>>, vector<16xf32>,
      %scan3A_542 = arith.constant 0 : i32
      scf.yield %scan3A_542 : i32
    }
    %scan3A_12 = arith.constant 128 : i32
    %mul3A_13 = arith.constant 64 : i32
    %mul3A_14 = arith.muli %add3A, %mul3A_13 : i32
    %add3A_15 = arith.constant 0 : i32
    %add3A_16 = arith.addi %mul3A_14, %add3A_15 : i32
    %dma_start3A = arith.constant 0 : i32
    %dma_start3A_17 = arith.constant 0 : i32
    %dma_start3A_18 = arith.constant 0 : i32
    %dma_start3A_19 = tpu.memref_slice %arg5[%dma_start3A, %dma_start3A_17, %dma_start3A_18] : memref<2x8x2048xf32, #tpu.memory_space<vmem>> -> memref<1x8x2048xf32, #tpu.memory_space<vmem>>
    %dma_start3A_20 = tpu.memref_squeeze %dma_start3A_19 : memref<1x8x2048xf32, #tpu.memory_space<vmem>> -> memref<8x2048xf32, #tpu.memory_space<vmem>>
    %dma_start3A_21 = arith.constant 0 : i32
    %dma_start3A_22 = tpu.memref_slice %arg3[%add3A_16, %dma_start3A_21] : memref<2048x2048xf32, #tpu.memory_space<hbm>> -> memref<8x2048xf32, #tpu.memory_space<hbm>>
    %dma_start3A_23 = arith.constant 0 : i32
    %dma_start3A_24 = tpu.memref_slice %arg3[%add3A_16, %dma_start3A_23] : memref<2048x2048xf32, #tpu.memory_space<hbm>> -> memref<8x2048xf32, #tpu.memory_space<hbm>>
    %dma_start3A_25 = arith.constant 0 : i32
    %dma_start3A_26 = arith.constant 0 : i32
    %dma_start3A_27 = tpu.memref_slice %arg5[%dma_start3A, %dma_start3A_25, %dma_start3A_26] : memref<2x8x2048xf32, #tpu.memory_space<vmem>> -> memref<1x8x2048xf32, #tpu.memory_space<vmem>>
    %dma_start3A_28 = tpu.memref_squeeze %dma_start3A_27 : memref<1x8x2048xf32, #tpu.memory_space<vmem>> -> memref<8x2048xf32, #tpu.memory_space<vmem>>
    tpu.enqueue_dma source(%dma_start3A_28 : memref<8x2048xf32, #tpu.memory_space<vmem>>) target(%dma_start3A_24 : memref<8x2048xf32, #tpu.memory_space<hbm>>) target_semaphore(%arg6 : memref<!tpu.dma_semaphore, #tpu.memory_space<semaphore_mem>>)
    %mul3A_29 = arith.constant 8 : i32
    %mul3A_30 = arith.muli %add3A, %mul3A_29 : i32
    %add3A_31 = arith.constant 1 : i32
    %add3A_32 = arith.addi %mul3A_30, %add3A_31 : i32
    %shift_right_arithmetic3A_33 = arith.constant 4 : i32
    %shift_right_arithmetic3A_34 = arith.shrsi %add3A_32, %shift_right_arithmetic3A_33 : i32
    %and3A_35 = arith.constant 15 : i32
    %and3A_36 = arith.andi %add3A_32, %and3A_35 : i32
    %scan3A_37 = arith.constant 0 : i32
    %scan3A_38 = arith.constant 0 : i32
    %scan3A_39 = arith.constant 128 : i32
    %scan3A_40 = arith.addi %scan3A_38, %scan3A_39 : i32
    %scan3A_41 = arith.constant 2 : i32
    %scan3A_42 = scf.for %scan3A_356 = %scan3A_38 to %scan3A_40 step %scan3A_41 iter_args(%scan3A_357 = %scan3A_37) -> (i32)  : i32 {
      %mul3A_358 = arith.constant 16 : i32
      %mul3A_359 = arith.muli %scan3A_356, %mul3A_358 : i32
      %add3A_360 = vector.broadcast %mul3A_359 : i32 to vector<16xi32>
      %add3A_361 = arith.addi %add3A_360, %iota3A : vector<16xi32>
      %shift_right_arithmetic3A_362 = arith.constant 3 : i32
      %shift_right_arithmetic3A_363 = vector.broadcast %shift_right_arithmetic3A_362 : i32 to vector<16xi32>
      %shift_right_arithmetic3A_364 = arith.shrsi %add3A_361, %shift_right_arithmetic3A_363 : vector<16xi32>
      %shift_right_arithmetic3A_365 = arith.constant 4 : i32
      %shift_right_arithmetic3A_366 = vector.broadcast %shift_right_arithmetic3A_365 : i32 to vector<16xi32>
      %shift_right_arithmetic3A_367 = arith.shrsi %shift_right_arithmetic3A_364, %shift_right_arithmetic3A_366 : vector<16xi32>
      %and3A_368 = arith.constant 15 : i32
      %and3A_369 = vector.broadcast %and3A_368 : i32 to vector<16xi32>
      %and3A_370 = arith.andi %shift_right_arithmetic3A_364, %and3A_369 : vector<16xi32>
      %sub3A = vector.broadcast %shift_right_arithmetic3A_34 : i32 to vector<16xi32>
      %sub3A_371 = arith.subi %sub3A, %shift_right_arithmetic3A_367 : vector<16xi32>
      %add3A_372 = arith.constant 15 : i32
      %add3A_373 = vector.broadcast %add3A_372 : i32 to vector<16xi32>
      %add3A_374 = arith.addi %sub3A_371, %add3A_373 : vector<16xi32>
      %mul3A_375 = arith.constant 31 : i32
      %mul3A_376 = vector.broadcast %mul3A_375 : i32 to vector<16xi32>
      %mul3A_377 = arith.muli %add3A_374, %mul3A_376 : vector<16xi32>
      %sub3A_378 = vector.broadcast %and3A_36 : i32 to vector<16xi32>
      %sub3A_379 = arith.subi %sub3A_378, %and3A_370 : vector<16xi32>
      %add3A_380 = arith.constant 15 : i32
      %add3A_381 = vector.broadcast %add3A_380 : i32 to vector<16xi32>
      %add3A_382 = arith.addi %sub3A_379, %add3A_381 : vector<16xi32>
      %add3A_383 = arith.addi %mul3A_377, %add3A_382 : vector<16xi32>
      %gather3A = tpu.vector_load_idx %arg4[%add3A_383] : memref<976xf32, #tpu.memory_space<vmem>>[vector<16xi32>], vector<16xf32>,
      %mul3A_384 = arith.constant 16 : i32
      %mul3A_385 = arith.muli %scan3A_356, %mul3A_384 : i32
      %swap3A = arith.constant 1 : i32
      %swap3A_386 = arith.constant 0 : i32
      %swap3A_387 = arith.index_cast %swap3A : i32 to index
      %swap3A_388 = arith.index_cast %swap3A_386 : i32 to index
      %swap3A_389 = arith.index_cast %mul3A_385 : i32 to index
      %swap3A_390 = tpu.vector_load %arg5[%swap3A_387, %swap3A_388, %swap3A_389] {strides = array<i32>} : memref<2x8x2048xf32, #tpu.memory_space<vmem>>, vector<16xf32>,
      tpu.vector_store %arg5[%swap3A_387, %swap3A_388, %swap3A_389], %gather3A {strides = array<i32>} : memref<2x8x2048xf32, #tpu.memory_space<vmem>>, vector<16xf32>,
      %mul3A_391 = arith.constant 16 : i32
      %mul3A_392 = arith.muli %scan3A_356, %mul3A_391 : i32
      %swap3A_393 = arith.constant 1 : i32
      %swap3A_394 = arith.constant 1 : i32
      %swap3A_395 = arith.index_cast %swap3A_393 : i32 to index
      %swap3A_396 = arith.index_cast %swap3A_394 : i32 to index
      %swap3A_397 = arith.index_cast %mul3A_392 : i32 to index
      %swap3A_398 = tpu.vector_load %arg5[%swap3A_395, %swap3A_396, %swap3A_397] {strides = array<i32>} : memref<2x8x2048xf32, #tpu.memory_space<vmem>>, vector<16xf32>,
      tpu.vector_store %arg5[%swap3A_395, %swap3A_396, %swap3A_397], %gather3A {strides = array<i32>} : memref<2x8x2048xf32, #tpu.memory_space<vmem>>, vector<16xf32>,
      %mul3A_399 = arith.constant 16 : i32
      %mul3A_400 = arith.muli %scan3A_356, %mul3A_399 : i32
      %swap3A_401 = arith.constant 1 : i32
      %swap3A_402 = arith.constant 2 : i32
      %swap3A_403 = arith.index_cast %swap3A_401 : i32 to index
      %swap3A_404 = arith.index_cast %swap3A_402 : i32 to index
      %swap3A_405 = arith.index_cast %mul3A_400 : i32 to index
      %swap3A_406 = tpu.vector_load %arg5[%swap3A_403, %swap3A_404, %swap3A_405] {strides = array<i32>} : memref<2x8x2048xf32, #tpu.memory_space<vmem>>, vector<16xf32>,
      tpu.vector_store %arg5[%swap3A_403, %swap3A_404, %swap3A_405], %gather3A {strides = array<i32>} : memref<2x8x2048xf32, #tpu.memory_space<vmem>>, vector<16xf32>,
      %mul3A_407 = arith.constant 16 : i32
      %mul3A_408 = arith.muli %scan3A_356, %mul3A_407 : i32
      %swap3A_409 = arith.constant 1 : i32
      %swap3A_410 = arith.constant 3 : i32
      %swap3A_411 = arith.index_cast %swap3A_409 : i32 to index
      %swap3A_412 = arith.index_cast %swap3A_410 : i32 to index
      %swap3A_413 = arith.index_cast %mul3A_408 : i32 to index
      %swap3A_414 = tpu.vector_load %arg5[%swap3A_411, %swap3A_412, %swap3A_413] {strides = array<i32>} : memref<2x8x2048xf32, #tpu.memory_space<vmem>>, vector<16xf32>,
      tpu.vector_store %arg5[%swap3A_411, %swap3A_412, %swap3A_413], %gather3A {strides = array<i32>} : memref<2x8x2048xf32, #tpu.memory_space<vmem>>, vector<16xf32>,
      %mul3A_415 = arith.constant 16 : i32
      %mul3A_416 = arith.muli %scan3A_356, %mul3A_415 : i32
      %swap3A_417 = arith.constant 1 : i32
      %swap3A_418 = arith.constant 4 : i32
      %swap3A_419 = arith.index_cast %swap3A_417 : i32 to index
      %swap3A_420 = arith.index_cast %swap3A_418 : i32 to index
      %swap3A_421 = arith.index_cast %mul3A_416 : i32 to index
      %swap3A_422 = tpu.vector_load %arg5[%swap3A_419, %swap3A_420, %swap3A_421] {strides = array<i32>} : memref<2x8x2048xf32, #tpu.memory_space<vmem>>, vector<16xf32>,
      tpu.vector_store %arg5[%swap3A_419, %swap3A_420, %swap3A_421], %gather3A {strides = array<i32>} : memref<2x8x2048xf32, #tpu.memory_space<vmem>>, vector<16xf32>,
      %mul3A_423 = arith.constant 16 : i32
      %mul3A_424 = arith.muli %scan3A_356, %mul3A_423 : i32
      %swap3A_425 = arith.constant 1 : i32
      %swap3A_426 = arith.constant 5 : i32
      %swap3A_427 = arith.index_cast %swap3A_425 : i32 to index
      %swap3A_428 = arith.index_cast %swap3A_426 : i32 to index
      %swap3A_429 = arith.index_cast %mul3A_424 : i32 to index
      %swap3A_430 = tpu.vector_load %arg5[%swap3A_427, %swap3A_428, %swap3A_429] {strides = array<i32>} : memref<2x8x2048xf32, #tpu.memory_space<vmem>>, vector<16xf32>,
      tpu.vector_store %arg5[%swap3A_427, %swap3A_428, %swap3A_429], %gather3A {strides = array<i32>} : memref<2x8x2048xf32, #tpu.memory_space<vmem>>, vector<16xf32>,
      %mul3A_431 = arith.constant 16 : i32
      %mul3A_432 = arith.muli %scan3A_356, %mul3A_431 : i32
      %swap3A_433 = arith.constant 1 : i32
      %swap3A_434 = arith.constant 6 : i32
      %swap3A_435 = arith.index_cast %swap3A_433 : i32 to index
      %swap3A_436 = arith.index_cast %swap3A_434 : i32 to index
      %swap3A_437 = arith.index_cast %mul3A_432 : i32 to index
      %swap3A_438 = tpu.vector_load %arg5[%swap3A_435, %swap3A_436, %swap3A_437] {strides = array<i32>} : memref<2x8x2048xf32, #tpu.memory_space<vmem>>, vector<16xf32>,
      tpu.vector_store %arg5[%swap3A_435, %swap3A_436, %swap3A_437], %gather3A {strides = array<i32>} : memref<2x8x2048xf32, #tpu.memory_space<vmem>>, vector<16xf32>,
      %mul3A_439 = arith.constant 16 : i32
      %mul3A_440 = arith.muli %scan3A_356, %mul3A_439 : i32
      %swap3A_441 = arith.constant 1 : i32
      %swap3A_442 = arith.constant 7 : i32
      %swap3A_443 = arith.index_cast %swap3A_441 : i32 to index
      %swap3A_444 = arith.index_cast %swap3A_442 : i32 to index
      %swap3A_445 = arith.index_cast %mul3A_440 : i32 to index
      %swap3A_446 = tpu.vector_load %arg5[%swap3A_443, %swap3A_444, %swap3A_445] {strides = array<i32>} : memref<2x8x2048xf32, #tpu.memory_space<vmem>>, vector<16xf32>,
      tpu.vector_store %arg5[%swap3A_443, %swap3A_444, %swap3A_445], %gather3A {strides = array<i32>} : memref<2x8x2048xf32, #tpu.memory_space<vmem>>, vector<16xf32>,
      %scan3A_447 = arith.constant 0 : i32
      %scan3A_448 = arith.constant 1 : i32
      %scan3A_449 = arith.addi %scan3A_356, %scan3A_448 : i32
      %mul3A_450 = arith.constant 16 : i32
      %mul3A_451 = arith.muli %scan3A_449, %mul3A_450 : i32
      %add3A_452 = vector.broadcast %mul3A_451 : i32 to vector<16xi32>
      %add3A_453 = arith.addi %add3A_452, %iota3A : vector<16xi32>
      %shift_right_arithmetic3A_454 = arith.constant 3 : i32
      %shift_right_arithmetic3A_455 = vector.broadcast %shift_right_arithmetic3A_454 : i32 to vector<16xi32>
      %shift_right_arithmetic3A_456 = arith.shrsi %add3A_453, %shift_right_arithmetic3A_455 : vector<16xi32>
      %shift_right_arithmetic3A_457 = arith.constant 4 : i32
      %shift_right_arithmetic3A_458 = vector.broadcast %shift_right_arithmetic3A_457 : i32 to vector<16xi32>
      %shift_right_arithmetic3A_459 = arith.shrsi %shift_right_arithmetic3A_456, %shift_right_arithmetic3A_458 : vector<16xi32>
      %and3A_460 = arith.constant 15 : i32
      %and3A_461 = vector.broadcast %and3A_460 : i32 to vector<16xi32>
      %and3A_462 = arith.andi %shift_right_arithmetic3A_456, %and3A_461 : vector<16xi32>
      %sub3A_463 = vector.broadcast %shift_right_arithmetic3A_34 : i32 to vector<16xi32>
      %sub3A_464 = arith.subi %sub3A_463, %shift_right_arithmetic3A_459 : vector<16xi32>
      %add3A_465 = arith.constant 15 : i32
      %add3A_466 = vector.broadcast %add3A_465 : i32 to vector<16xi32>
      %add3A_467 = arith.addi %sub3A_464, %add3A_466 : vector<16xi32>
      %mul3A_468 = arith.constant 31 : i32
      %mul3A_469 = vector.broadcast %mul3A_468 : i32 to vector<16xi32>
      %mul3A_470 = arith.muli %add3A_467, %mul3A_469 : vector<16xi32>
      %sub3A_471 = vector.broadcast %and3A_36 : i32 to vector<16xi32>
      %sub3A_472 = arith.subi %sub3A_471, %and3A_462 : vector<16xi32>
      %add3A_473 = arith.constant 15 : i32
      %add3A_474 = vector.broadcast %add3A_473 : i32 to vector<16xi32>
      %add3A_475 = arith.addi %sub3A_472, %add3A_474 : vector<16xi32>
      %add3A_476 = arith.addi %mul3A_470, %add3A_475 : vector<16xi32>
      %gather3A_477 = tpu.vector_load_idx %arg4[%add3A_476] : memref<976xf32, #tpu.memory_space<vmem>>[vector<16xi32>], vector<16xf32>,
      %mul3A_478 = arith.constant 16 : i32
      %mul3A_479 = arith.muli %scan3A_449, %mul3A_478 : i32
      %swap3A_480 = arith.constant 1 : i32
      %swap3A_481 = arith.constant 0 : i32
      %swap3A_482 = arith.index_cast %swap3A_480 : i32 to index
      %swap3A_483 = arith.index_cast %swap3A_481 : i32 to index
      %swap3A_484 = arith.index_cast %mul3A_479 : i32 to index
      %swap3A_485 = tpu.vector_load %arg5[%swap3A_482, %swap3A_483, %swap3A_484] {strides = array<i32>} : memref<2x8x2048xf32, #tpu.memory_space<vmem>>, vector<16xf32>,
      tpu.vector_store %arg5[%swap3A_482, %swap3A_483, %swap3A_484], %gather3A_477 {strides = array<i32>} : memref<2x8x2048xf32, #tpu.memory_space<vmem>>, vector<16xf32>,
      %mul3A_486 = arith.constant 16 : i32
      %mul3A_487 = arith.muli %scan3A_449, %mul3A_486 : i32
      %swap3A_488 = arith.constant 1 : i32
      %swap3A_489 = arith.constant 1 : i32
      %swap3A_490 = arith.index_cast %swap3A_488 : i32 to index
      %swap3A_491 = arith.index_cast %swap3A_489 : i32 to index
      %swap3A_492 = arith.index_cast %mul3A_487 : i32 to index
      %swap3A_493 = tpu.vector_load %arg5[%swap3A_490, %swap3A_491, %swap3A_492] {strides = array<i32>} : memref<2x8x2048xf32, #tpu.memory_space<vmem>>, vector<16xf32>,
      tpu.vector_store %arg5[%swap3A_490, %swap3A_491, %swap3A_492], %gather3A_477 {strides = array<i32>} : memref<2x8x2048xf32, #tpu.memory_space<vmem>>, vector<16xf32>,
      %mul3A_494 = arith.constant 16 : i32
      %mul3A_495 = arith.muli %scan3A_449, %mul3A_494 : i32
      %swap3A_496 = arith.constant 1 : i32
      %swap3A_497 = arith.constant 2 : i32
      %swap3A_498 = arith.index_cast %swap3A_496 : i32 to index
      %swap3A_499 = arith.index_cast %swap3A_497 : i32 to index
      %swap3A_500 = arith.index_cast %mul3A_495 : i32 to index
      %swap3A_501 = tpu.vector_load %arg5[%swap3A_498, %swap3A_499, %swap3A_500] {strides = array<i32>} : memref<2x8x2048xf32, #tpu.memory_space<vmem>>, vector<16xf32>,
      tpu.vector_store %arg5[%swap3A_498, %swap3A_499, %swap3A_500], %gather3A_477 {strides = array<i32>} : memref<2x8x2048xf32, #tpu.memory_space<vmem>>, vector<16xf32>,
      %mul3A_502 = arith.constant 16 : i32
      %mul3A_503 = arith.muli %scan3A_449, %mul3A_502 : i32
      %swap3A_504 = arith.constant 1 : i32
      %swap3A_505 = arith.constant 3 : i32
      %swap3A_506 = arith.index_cast %swap3A_504 : i32 to index
      %swap3A_507 = arith.index_cast %swap3A_505 : i32 to index
      %swap3A_508 = arith.index_cast %mul3A_503 : i32 to index
      %swap3A_509 = tpu.vector_load %arg5[%swap3A_506, %swap3A_507, %swap3A_508] {strides = array<i32>} : memref<2x8x2048xf32, #tpu.memory_space<vmem>>, vector<16xf32>,
      tpu.vector_store %arg5[%swap3A_506, %swap3A_507, %swap3A_508], %gather3A_477 {strides = array<i32>} : memref<2x8x2048xf32, #tpu.memory_space<vmem>>, vector<16xf32>,
      %mul3A_510 = arith.constant 16 : i32
      %mul3A_511 = arith.muli %scan3A_449, %mul3A_510 : i32
      %swap3A_512 = arith.constant 1 : i32
      %swap3A_513 = arith.constant 4 : i32
      %swap3A_514 = arith.index_cast %swap3A_512 : i32 to index
      %swap3A_515 = arith.index_cast %swap3A_513 : i32 to index
      %swap3A_516 = arith.index_cast %mul3A_511 : i32 to index
      %swap3A_517 = tpu.vector_load %arg5[%swap3A_514, %swap3A_515, %swap3A_516] {strides = array<i32>} : memref<2x8x2048xf32, #tpu.memory_space<vmem>>, vector<16xf32>,
      tpu.vector_store %arg5[%swap3A_514, %swap3A_515, %swap3A_516], %gather3A_477 {strides = array<i32>} : memref<2x8x2048xf32, #tpu.memory_space<vmem>>, vector<16xf32>,
      %mul3A_518 = arith.constant 16 : i32
      %mul3A_519 = arith.muli %scan3A_449, %mul3A_518 : i32
      %swap3A_520 = arith.constant 1 : i32
      %swap3A_521 = arith.constant 5 : i32
      %swap3A_522 = arith.index_cast %swap3A_520 : i32 to index
      %swap3A_523 = arith.index_cast %swap3A_521 : i32 to index
      %swap3A_524 = arith.index_cast %mul3A_519 : i32 to index
      %swap3A_525 = tpu.vector_load %arg5[%swap3A_522, %swap3A_523, %swap3A_524] {strides = array<i32>} : memref<2x8x2048xf32, #tpu.memory_space<vmem>>, vector<16xf32>,
      tpu.vector_store %arg5[%swap3A_522, %swap3A_523, %swap3A_524], %gather3A_477 {strides = array<i32>} : memref<2x8x2048xf32, #tpu.memory_space<vmem>>, vector<16xf32>,
      %mul3A_526 = arith.constant 16 : i32
      %mul3A_527 = arith.muli %scan3A_449, %mul3A_526 : i32
      %swap3A_528 = arith.constant 1 : i32
      %swap3A_529 = arith.constant 6 : i32
      %swap3A_530 = arith.index_cast %swap3A_528 : i32 to index
      %swap3A_531 = arith.index_cast %swap3A_529 : i32 to index
      %swap3A_532 = arith.index_cast %mul3A_527 : i32 to index
      %swap3A_533 = tpu.vector_load %arg5[%swap3A_530, %swap3A_531, %swap3A_532] {strides = array<i32>} : memref<2x8x2048xf32, #tpu.memory_space<vmem>>, vector<16xf32>,
      tpu.vector_store %arg5[%swap3A_530, %swap3A_531, %swap3A_532], %gather3A_477 {strides = array<i32>} : memref<2x8x2048xf32, #tpu.memory_space<vmem>>, vector<16xf32>,
      %mul3A_534 = arith.constant 16 : i32
      %mul3A_535 = arith.muli %scan3A_449, %mul3A_534 : i32
      %swap3A_536 = arith.constant 1 : i32
      %swap3A_537 = arith.constant 7 : i32
      %swap3A_538 = arith.index_cast %swap3A_536 : i32 to index
      %swap3A_539 = arith.index_cast %swap3A_537 : i32 to index
      %swap3A_540 = arith.index_cast %mul3A_535 : i32 to index
      %swap3A_541 = tpu.vector_load %arg5[%swap3A_538, %swap3A_539, %swap3A_540] {strides = array<i32>} : memref<2x8x2048xf32, #tpu.memory_space<vmem>>, vector<16xf32>,
      tpu.vector_store %arg5[%swap3A_538, %swap3A_539, %swap3A_540], %gather3A_477 {strides = array<i32>} : memref<2x8x2048xf32, #tpu.memory_space<vmem>>, vector<16xf32>,
      %scan3A_542 = arith.constant 0 : i32
      scf.yield %scan3A_542 : i32
    }
    %scan3A_43 = arith.constant 128 : i32
    %mul3A_44 = arith.constant 64 : i32
    %mul3A_45 = arith.muli %add3A, %mul3A_44 : i32
    %add3A_46 = arith.constant 8 : i32
    %add3A_47 = arith.addi %mul3A_45, %add3A_46 : i32
    %dma_start3A_48 = arith.constant 1 : i32
    %dma_start3A_49 = arith.constant 0 : i32
    %dma_start3A_50 = arith.constant 0 : i32
    %dma_start3A_51 = tpu.memref_slice %arg5[%dma_start3A_48, %dma_start3A_49, %dma_start3A_50] : memref<2x8x2048xf32, #tpu.memory_space<vmem>> -> memref<1x8x2048xf32, #tpu.memory_space<vmem>>
    %dma_start3A_52 = tpu.memref_squeeze %dma_start3A_51 : memref<1x8x2048xf32, #tpu.memory_space<vmem>> -> memref<8x2048xf32, #tpu.memory_space<vmem>>
    %dma_start3A_53 = arith.constant 0 : i32
    %dma_start3A_54 = tpu.memref_slice %arg3[%add3A_47, %dma_start3A_53] : memref<2048x2048xf32, #tpu.memory_space<hbm>> -> memref<8x2048xf32, #tpu.memory_space<hbm>>
    %dma_start3A_55 = arith.constant 0 : i32
    %dma_start3A_56 = tpu.memref_slice %arg3[%add3A_47, %dma_start3A_55] : memref<2048x2048xf32, #tpu.memory_space<hbm>> -> memref<8x2048xf32, #tpu.memory_space<hbm>>
    %dma_start3A_57 = arith.constant 0 : i32
    %dma_start3A_58 = arith.constant 0 : i32
    %dma_start3A_59 = tpu.memref_slice %arg5[%dma_start3A_48, %dma_start3A_57, %dma_start3A_58] : memref<2x8x2048xf32, #tpu.memory_space<vmem>> -> memref<1x8x2048xf32, #tpu.memory_space<vmem>>
    %dma_start3A_60 = tpu.memref_squeeze %dma_start3A_59 : memref<1x8x2048xf32, #tpu.memory_space<vmem>> -> memref<8x2048xf32, #tpu.memory_space<vmem>>
    tpu.enqueue_dma source(%dma_start3A_60 : memref<8x2048xf32, #tpu.memory_space<vmem>>) target(%dma_start3A_56 : memref<8x2048xf32, #tpu.memory_space<hbm>>) target_semaphore(%arg6 : memref<!tpu.dma_semaphore, #tpu.memory_space<semaphore_mem>>)
    %mul3A_61 = arith.constant 8 : i32
    %mul3A_62 = arith.muli %add3A, %mul3A_61 : i32
    %add3A_63 = arith.constant 2 : i32
    %add3A_64 = arith.addi %mul3A_62, %add3A_63 : i32
    %shift_right_arithmetic3A_65 = arith.constant 4 : i32
    %shift_right_arithmetic3A_66 = arith.shrsi %add3A_64, %shift_right_arithmetic3A_65 : i32
    %and3A_67 = arith.constant 15 : i32
    %and3A_68 = arith.andi %add3A_64, %and3A_67 : i32
    %scan3A_69 = arith.constant 0 : i32
    %scan3A_70 = arith.constant 0 : i32
    %scan3A_71 = arith.constant 128 : i32
    %scan3A_72 = arith.addi %scan3A_70, %scan3A_71 : i32
    %scan3A_73 = arith.constant 2 : i32
    %scan3A_74 = scf.for %scan3A_356 = %scan3A_70 to %scan3A_72 step %scan3A_73 iter_args(%scan3A_357 = %scan3A_69) -> (i32)  : i32 {
      %mul3A_358 = arith.constant 16 : i32
      %mul3A_359 = arith.muli %scan3A_356, %mul3A_358 : i32
      %add3A_360 = vector.broadcast %mul3A_359 : i32 to vector<16xi32>
      %add3A_361 = arith.addi %add3A_360, %iota3A : vector<16xi32>
      %shift_right_arithmetic3A_362 = arith.constant 3 : i32
      %shift_right_arithmetic3A_363 = vector.broadcast %shift_right_arithmetic3A_362 : i32 to vector<16xi32>
      %shift_right_arithmetic3A_364 = arith.shrsi %add3A_361, %shift_right_arithmetic3A_363 : vector<16xi32>
      %shift_right_arithmetic3A_365 = arith.constant 4 : i32
      %shift_right_arithmetic3A_366 = vector.broadcast %shift_right_arithmetic3A_365 : i32 to vector<16xi32>
      %shift_right_arithmetic3A_367 = arith.shrsi %shift_right_arithmetic3A_364, %shift_right_arithmetic3A_366 : vector<16xi32>
      %and3A_368 = arith.constant 15 : i32
      %and3A_369 = vector.broadcast %and3A_368 : i32 to vector<16xi32>
      %and3A_370 = arith.andi %shift_right_arithmetic3A_364, %and3A_369 : vector<16xi32>
      %sub3A = vector.broadcast %shift_right_arithmetic3A_66 : i32 to vector<16xi32>
      %sub3A_371 = arith.subi %sub3A, %shift_right_arithmetic3A_367 : vector<16xi32>
      %add3A_372 = arith.constant 15 : i32
      %add3A_373 = vector.broadcast %add3A_372 : i32 to vector<16xi32>
      %add3A_374 = arith.addi %sub3A_371, %add3A_373 : vector<16xi32>
      %mul3A_375 = arith.constant 31 : i32
      %mul3A_376 = vector.broadcast %mul3A_375 : i32 to vector<16xi32>
      %mul3A_377 = arith.muli %add3A_374, %mul3A_376 : vector<16xi32>
      %sub3A_378 = vector.broadcast %and3A_68 : i32 to vector<16xi32>
      %sub3A_379 = arith.subi %sub3A_378, %and3A_370 : vector<16xi32>
      %add3A_380 = arith.constant 15 : i32
      %add3A_381 = vector.broadcast %add3A_380 : i32 to vector<16xi32>
      %add3A_382 = arith.addi %sub3A_379, %add3A_381 : vector<16xi32>
      %add3A_383 = arith.addi %mul3A_377, %add3A_382 : vector<16xi32>
      %gather3A = tpu.vector_load_idx %arg4[%add3A_383] : memref<976xf32, #tpu.memory_space<vmem>>[vector<16xi32>], vector<16xf32>,
      %mul3A_384 = arith.constant 16 : i32
      %mul3A_385 = arith.muli %scan3A_356, %mul3A_384 : i32
      %swap3A = arith.constant 0 : i32
      %swap3A_386 = arith.constant 0 : i32
      %swap3A_387 = arith.index_cast %swap3A : i32 to index
      %swap3A_388 = arith.index_cast %swap3A_386 : i32 to index
      %swap3A_389 = arith.index_cast %mul3A_385 : i32 to index
      %swap3A_390 = tpu.vector_load %arg5[%swap3A_387, %swap3A_388, %swap3A_389] {strides = array<i32>} : memref<2x8x2048xf32, #tpu.memory_space<vmem>>, vector<16xf32>,
      tpu.vector_store %arg5[%swap3A_387, %swap3A_388, %swap3A_389], %gather3A {strides = array<i32>} : memref<2x8x2048xf32, #tpu.memory_space<vmem>>, vector<16xf32>,
      %mul3A_391 = arith.constant 16 : i32
      %mul3A_392 = arith.muli %scan3A_356, %mul3A_391 : i32
      %swap3A_393 = arith.constant 0 : i32
      %swap3A_394 = arith.constant 1 : i32
      %swap3A_395 = arith.index_cast %swap3A_393 : i32 to index
      %swap3A_396 = arith.index_cast %swap3A_394 : i32 to index
      %swap3A_397 = arith.index_cast %mul3A_392 : i32 to index
      %swap3A_398 = tpu.vector_load %arg5[%swap3A_395, %swap3A_396, %swap3A_397] {strides = array<i32>} : memref<2x8x2048xf32, #tpu.memory_space<vmem>>, vector<16xf32>,
      tpu.vector_store %arg5[%swap3A_395, %swap3A_396, %swap3A_397], %gather3A {strides = array<i32>} : memref<2x8x2048xf32, #tpu.memory_space<vmem>>, vector<16xf32>,
      %mul3A_399 = arith.constant 16 : i32
      %mul3A_400 = arith.muli %scan3A_356, %mul3A_399 : i32
      %swap3A_401 = arith.constant 0 : i32
      %swap3A_402 = arith.constant 2 : i32
      %swap3A_403 = arith.index_cast %swap3A_401 : i32 to index
      %swap3A_404 = arith.index_cast %swap3A_402 : i32 to index
      %swap3A_405 = arith.index_cast %mul3A_400 : i32 to index
      %swap3A_406 = tpu.vector_load %arg5[%swap3A_403, %swap3A_404, %swap3A_405] {strides = array<i32>} : memref<2x8x2048xf32, #tpu.memory_space<vmem>>, vector<16xf32>,
      tpu.vector_store %arg5[%swap3A_403, %swap3A_404, %swap3A_405], %gather3A {strides = array<i32>} : memref<2x8x2048xf32, #tpu.memory_space<vmem>>, vector<16xf32>,
      %mul3A_407 = arith.constant 16 : i32
      %mul3A_408 = arith.muli %scan3A_356, %mul3A_407 : i32
      %swap3A_409 = arith.constant 0 : i32
      %swap3A_410 = arith.constant 3 : i32
      %swap3A_411 = arith.index_cast %swap3A_409 : i32 to index
      %swap3A_412 = arith.index_cast %swap3A_410 : i32 to index
      %swap3A_413 = arith.index_cast %mul3A_408 : i32 to index
      %swap3A_414 = tpu.vector_load %arg5[%swap3A_411, %swap3A_412, %swap3A_413] {strides = array<i32>} : memref<2x8x2048xf32, #tpu.memory_space<vmem>>, vector<16xf32>,
      tpu.vector_store %arg5[%swap3A_411, %swap3A_412, %swap3A_413], %gather3A {strides = array<i32>} : memref<2x8x2048xf32, #tpu.memory_space<vmem>>, vector<16xf32>,
      %mul3A_415 = arith.constant 16 : i32
      %mul3A_416 = arith.muli %scan3A_356, %mul3A_415 : i32
      %swap3A_417 = arith.constant 0 : i32
      %swap3A_418 = arith.constant 4 : i32
      %swap3A_419 = arith.index_cast %swap3A_417 : i32 to index
      %swap3A_420 = arith.index_cast %swap3A_418 : i32 to index
      %swap3A_421 = arith.index_cast %mul3A_416 : i32 to index
      %swap3A_422 = tpu.vector_load %arg5[%swap3A_419, %swap3A_420, %swap3A_421] {strides = array<i32>} : memref<2x8x2048xf32, #tpu.memory_space<vmem>>, vector<16xf32>,
      tpu.vector_store %arg5[%swap3A_419, %swap3A_420, %swap3A_421], %gather3A {strides = array<i32>} : memref<2x8x2048xf32, #tpu.memory_space<vmem>>, vector<16xf32>,
      %mul3A_423 = arith.constant 16 : i32
      %mul3A_424 = arith.muli %scan3A_356, %mul3A_423 : i32
      %swap3A_425 = arith.constant 0 : i32
      %swap3A_426 = arith.constant 5 : i32
      %swap3A_427 = arith.index_cast %swap3A_425 : i32 to index
      %swap3A_428 = arith.index_cast %swap3A_426 : i32 to index
      %swap3A_429 = arith.index_cast %mul3A_424 : i32 to index
      %swap3A_430 = tpu.vector_load %arg5[%swap3A_427, %swap3A_428, %swap3A_429] {strides = array<i32>} : memref<2x8x2048xf32, #tpu.memory_space<vmem>>, vector<16xf32>,
      tpu.vector_store %arg5[%swap3A_427, %swap3A_428, %swap3A_429], %gather3A {strides = array<i32>} : memref<2x8x2048xf32, #tpu.memory_space<vmem>>, vector<16xf32>,
      %mul3A_431 = arith.constant 16 : i32
      %mul3A_432 = arith.muli %scan3A_356, %mul3A_431 : i32
      %swap3A_433 = arith.constant 0 : i32
      %swap3A_434 = arith.constant 6 : i32
      %swap3A_435 = arith.index_cast %swap3A_433 : i32 to index
      %swap3A_436 = arith.index_cast %swap3A_434 : i32 to index
      %swap3A_437 = arith.index_cast %mul3A_432 : i32 to index
      %swap3A_438 = tpu.vector_load %arg5[%swap3A_435, %swap3A_436, %swap3A_437] {strides = array<i32>} : memref<2x8x2048xf32, #tpu.memory_space<vmem>>, vector<16xf32>,
      tpu.vector_store %arg5[%swap3A_435, %swap3A_436, %swap3A_437], %gather3A {strides = array<i32>} : memref<2x8x2048xf32, #tpu.memory_space<vmem>>, vector<16xf32>,
      %mul3A_439 = arith.constant 16 : i32
      %mul3A_440 = arith.muli %scan3A_356, %mul3A_439 : i32
      %swap3A_441 = arith.constant 0 : i32
      %swap3A_442 = arith.constant 7 : i32
      %swap3A_443 = arith.index_cast %swap3A_441 : i32 to index
      %swap3A_444 = arith.index_cast %swap3A_442 : i32 to index
      %swap3A_445 = arith.index_cast %mul3A_440 : i32 to index
      %swap3A_446 = tpu.vector_load %arg5[%swap3A_443, %swap3A_444, %swap3A_445] {strides = array<i32>} : memref<2x8x2048xf32, #tpu.memory_space<vmem>>, vector<16xf32>,
      tpu.vector_store %arg5[%swap3A_443, %swap3A_444, %swap3A_445], %gather3A {strides = array<i32>} : memref<2x8x2048xf32, #tpu.memory_space<vmem>>, vector<16xf32>,
      %scan3A_447 = arith.constant 0 : i32
      %scan3A_448 = arith.constant 1 : i32
      %scan3A_449 = arith.addi %scan3A_356, %scan3A_448 : i32
      %mul3A_450 = arith.constant 16 : i32
      %mul3A_451 = arith.muli %scan3A_449, %mul3A_450 : i32
      %add3A_452 = vector.broadcast %mul3A_451 : i32 to vector<16xi32>
      %add3A_453 = arith.addi %add3A_452, %iota3A : vector<16xi32>
      %shift_right_arithmetic3A_454 = arith.constant 3 : i32
      %shift_right_arithmetic3A_455 = vector.broadcast %shift_right_arithmetic3A_454 : i32 to vector<16xi32>
      %shift_right_arithmetic3A_456 = arith.shrsi %add3A_453, %shift_right_arithmetic3A_455 : vector<16xi32>
      %shift_right_arithmetic3A_457 = arith.constant 4 : i32
      %shift_right_arithmetic3A_458 = vector.broadcast %shift_right_arithmetic3A_457 : i32 to vector<16xi32>
      %shift_right_arithmetic3A_459 = arith.shrsi %shift_right_arithmetic3A_456, %shift_right_arithmetic3A_458 : vector<16xi32>
      %and3A_460 = arith.constant 15 : i32
      %and3A_461 = vector.broadcast %and3A_460 : i32 to vector<16xi32>
      %and3A_462 = arith.andi %shift_right_arithmetic3A_456, %and3A_461 : vector<16xi32>
      %sub3A_463 = vector.broadcast %shift_right_arithmetic3A_66 : i32 to vector<16xi32>
      %sub3A_464 = arith.subi %sub3A_463, %shift_right_arithmetic3A_459 : vector<16xi32>
      %add3A_465 = arith.constant 15 : i32
      %add3A_466 = vector.broadcast %add3A_465 : i32 to vector<16xi32>
      %add3A_467 = arith.addi %sub3A_464, %add3A_466 : vector<16xi32>
      %mul3A_468 = arith.constant 31 : i32
      %mul3A_469 = vector.broadcast %mul3A_468 : i32 to vector<16xi32>
      %mul3A_470 = arith.muli %add3A_467, %mul3A_469 : vector<16xi32>
      %sub3A_471 = vector.broadcast %and3A_68 : i32 to vector<16xi32>
      %sub3A_472 = arith.subi %sub3A_471, %and3A_462 : vector<16xi32>
      %add3A_473 = arith.constant 15 : i32
      %add3A_474 = vector.broadcast %add3A_473 : i32 to vector<16xi32>
      %add3A_475 = arith.addi %sub3A_472, %add3A_474 : vector<16xi32>
      %add3A_476 = arith.addi %mul3A_470, %add3A_475 : vector<16xi32>
      %gather3A_477 = tpu.vector_load_idx %arg4[%add3A_476] : memref<976xf32, #tpu.memory_space<vmem>>[vector<16xi32>], vector<16xf32>,
      %mul3A_478 = arith.constant 16 : i32
      %mul3A_479 = arith.muli %scan3A_449, %mul3A_478 : i32
      %swap3A_480 = arith.constant 0 : i32
      %swap3A_481 = arith.constant 0 : i32
      %swap3A_482 = arith.index_cast %swap3A_480 : i32 to index
      %swap3A_483 = arith.index_cast %swap3A_481 : i32 to index
      %swap3A_484 = arith.index_cast %mul3A_479 : i32 to index
      %swap3A_485 = tpu.vector_load %arg5[%swap3A_482, %swap3A_483, %swap3A_484] {strides = array<i32>} : memref<2x8x2048xf32, #tpu.memory_space<vmem>>, vector<16xf32>,
      tpu.vector_store %arg5[%swap3A_482, %swap3A_483, %swap3A_484], %gather3A_477 {strides = array<i32>} : memref<2x8x2048xf32, #tpu.memory_space<vmem>>, vector<16xf32>,
      %mul3A_486 = arith.constant 16 : i32
      %mul3A_487 = arith.muli %scan3A_449, %mul3A_486 : i32
      %swap3A_488 = arith.constant 0 : i32
      %swap3A_489 = arith.constant 1 : i32
      %swap3A_490 = arith.index_cast %swap3A_488 : i32 to index
      %swap3A_491 = arith.index_cast %swap3A_489 : i32 to index
      %swap3A_492 = arith.index_cast %mul3A_487 : i32 to index
      %swap3A_493 = tpu.vector_load %arg5[%swap3A_490, %swap3A_491, %swap3A_492] {strides = array<i32>} : memref<2x8x2048xf32, #tpu.memory_space<vmem>>, vector<16xf32>,
      tpu.vector_store %arg5[%swap3A_490, %swap3A_491, %swap3A_492], %gather3A_477 {strides = array<i32>} : memref<2x8x2048xf32, #tpu.memory_space<vmem>>, vector<16xf32>,
      %mul3A_494 = arith.constant 16 : i32
      %mul3A_495 = arith.muli %scan3A_449, %mul3A_494 : i32
      %swap3A_496 = arith.constant 0 : i32
      %swap3A_497 = arith.constant 2 : i32
      %swap3A_498 = arith.index_cast %swap3A_496 : i32 to index
      %swap3A_499 = arith.index_cast %swap3A_497 : i32 to index
      %swap3A_500 = arith.index_cast %mul3A_495 : i32 to index
      %swap3A_501 = tpu.vector_load %arg5[%swap3A_498, %swap3A_499, %swap3A_500] {strides = array<i32>} : memref<2x8x2048xf32, #tpu.memory_space<vmem>>, vector<16xf32>,
      tpu.vector_store %arg5[%swap3A_498, %swap3A_499, %swap3A_500], %gather3A_477 {strides = array<i32>} : memref<2x8x2048xf32, #tpu.memory_space<vmem>>, vector<16xf32>,
      %mul3A_502 = arith.constant 16 : i32
      %mul3A_503 = arith.muli %scan3A_449, %mul3A_502 : i32
      %swap3A_504 = arith.constant 0 : i32
      %swap3A_505 = arith.constant 3 : i32
      %swap3A_506 = arith.index_cast %swap3A_504 : i32 to index
      %swap3A_507 = arith.index_cast %swap3A_505 : i32 to index
      %swap3A_508 = arith.index_cast %mul3A_503 : i32 to index
      %swap3A_509 = tpu.vector_load %arg5[%swap3A_506, %swap3A_507, %swap3A_508] {strides = array<i32>} : memref<2x8x2048xf32, #tpu.memory_space<vmem>>, vector<16xf32>,
      tpu.vector_store %arg5[%swap3A_506, %swap3A_507, %swap3A_508], %gather3A_477 {strides = array<i32>} : memref<2x8x2048xf32, #tpu.memory_space<vmem>>, vector<16xf32>,
      %mul3A_510 = arith.constant 16 : i32
      %mul3A_511 = arith.muli %scan3A_449, %mul3A_510 : i32
      %swap3A_512 = arith.constant 0 : i32
      %swap3A_513 = arith.constant 4 : i32
      %swap3A_514 = arith.index_cast %swap3A_512 : i32 to index
      %swap3A_515 = arith.index_cast %swap3A_513 : i32 to index
      %swap3A_516 = arith.index_cast %mul3A_511 : i32 to index
      %swap3A_517 = tpu.vector_load %arg5[%swap3A_514, %swap3A_515, %swap3A_516] {strides = array<i32>} : memref<2x8x2048xf32, #tpu.memory_space<vmem>>, vector<16xf32>,
      tpu.vector_store %arg5[%swap3A_514, %swap3A_515, %swap3A_516], %gather3A_477 {strides = array<i32>} : memref<2x8x2048xf32, #tpu.memory_space<vmem>>, vector<16xf32>,
      %mul3A_518 = arith.constant 16 : i32
      %mul3A_519 = arith.muli %scan3A_449, %mul3A_518 : i32
      %swap3A_520 = arith.constant 0 : i32
      %swap3A_521 = arith.constant 5 : i32
      %swap3A_522 = arith.index_cast %swap3A_520 : i32 to index
      %swap3A_523 = arith.index_cast %swap3A_521 : i32 to index
      %swap3A_524 = arith.index_cast %mul3A_519 : i32 to index
      %swap3A_525 = tpu.vector_load %arg5[%swap3A_522, %swap3A_523, %swap3A_524] {strides = array<i32>} : memref<2x8x2048xf32, #tpu.memory_space<vmem>>, vector<16xf32>,
      tpu.vector_store %arg5[%swap3A_522, %swap3A_523, %swap3A_524], %gather3A_477 {strides = array<i32>} : memref<2x8x2048xf32, #tpu.memory_space<vmem>>, vector<16xf32>,
      %mul3A_526 = arith.constant 16 : i32
      %mul3A_527 = arith.muli %scan3A_449, %mul3A_526 : i32
      %swap3A_528 = arith.constant 0 : i32
      %swap3A_529 = arith.constant 6 : i32
      %swap3A_530 = arith.index_cast %swap3A_528 : i32 to index
      %swap3A_531 = arith.index_cast %swap3A_529 : i32 to index
      %swap3A_532 = arith.index_cast %mul3A_527 : i32 to index
      %swap3A_533 = tpu.vector_load %arg5[%swap3A_530, %swap3A_531, %swap3A_532] {strides = array<i32>} : memref<2x8x2048xf32, #tpu.memory_space<vmem>>, vector<16xf32>,
      tpu.vector_store %arg5[%swap3A_530, %swap3A_531, %swap3A_532], %gather3A_477 {strides = array<i32>} : memref<2x8x2048xf32, #tpu.memory_space<vmem>>, vector<16xf32>,
      %mul3A_534 = arith.constant 16 : i32
      %mul3A_535 = arith.muli %scan3A_449, %mul3A_534 : i32
      %swap3A_536 = arith.constant 0 : i32
      %swap3A_537 = arith.constant 7 : i32
      %swap3A_538 = arith.index_cast %swap3A_536 : i32 to index
      %swap3A_539 = arith.index_cast %swap3A_537 : i32 to index
      %swap3A_540 = arith.index_cast %mul3A_535 : i32 to index
      %swap3A_541 = tpu.vector_load %arg5[%swap3A_538, %swap3A_539, %swap3A_540] {strides = array<i32>} : memref<2x8x2048xf32, #tpu.memory_space<vmem>>, vector<16xf32>,
      tpu.vector_store %arg5[%swap3A_538, %swap3A_539, %swap3A_540], %gather3A_477 {strides = array<i32>} : memref<2x8x2048xf32, #tpu.memory_space<vmem>>, vector<16xf32>,
      %scan3A_542 = arith.constant 0 : i32
      scf.yield %scan3A_542 : i32
    }
    %scan3A_75 = arith.constant 128 : i32
    %dma_wait3A = arith.constant 0 : i32
    %dma_wait3A_76 = arith.constant 0 : i32
    %dma_wait3A_77 = arith.constant 0 : i32
    %dma_wait3A_78 = tpu.memref_slice %arg5[%dma_wait3A, %dma_wait3A_76, %dma_wait3A_77] : memref<2x8x2048xf32, #tpu.memory_space<vmem>> -> memref<1x8x2048xf32, #tpu.memory_space<vmem>>
    %dma_wait3A_79 = tpu.memref_squeeze %dma_wait3A_78 : memref<1x8x2048xf32, #tpu.memory_space<vmem>> -> memref<8x2048xf32, #tpu.memory_space<vmem>>
    %dma_wait3A_80 = arith.constant 0 : i32
    %dma_wait3A_81 = tpu.memref_slice %arg3[%add3A_16, %dma_wait3A_80] : memref<2048x2048xf32, #tpu.memory_space<hbm>> -> memref<8x2048xf32, #tpu.memory_space<hbm>>
    %dma_wait3A_82 = arith.constant 0 : i32
    %dma_wait3A_83 = tpu.memref_slice %arg3[%add3A_16, %dma_wait3A_82] : memref<2048x2048xf32, #tpu.memory_space<hbm>> -> memref<8x2048xf32, #tpu.memory_space<hbm>>
    %dma_wait3A_84 = arith.constant 0 : i32
    %dma_wait3A_85 = arith.constant 0 : i32
    %dma_wait3A_86 = tpu.memref_slice %arg5[%dma_wait3A, %dma_wait3A_84, %dma_wait3A_85] : memref<2x8x2048xf32, #tpu.memory_space<vmem>> -> memref<1x8x2048xf32, #tpu.memory_space<vmem>>
    %dma_wait3A_87 = tpu.memref_squeeze %dma_wait3A_86 : memref<1x8x2048xf32, #tpu.memory_space<vmem>> -> memref<8x2048xf32, #tpu.memory_space<vmem>>
    tpu.wait_dma2 semaphore(%arg6 : memref<!tpu.dma_semaphore, #tpu.memory_space<semaphore_mem>>) src(%dma_wait3A_87 : memref<8x2048xf32, #tpu.memory_space<vmem>>) dst(%dma_wait3A_83 : memref<8x2048xf32, #tpu.memory_space<hbm>>)
    %mul3A_88 = arith.constant 64 : i32
    %mul3A_89 = arith.muli %add3A, %mul3A_88 : i32
    %add3A_90 = arith.constant 16 : i32
    %add3A_91 = arith.addi %mul3A_89, %add3A_90 : i32
    %dma_start3A_92 = arith.constant 0 : i32
    %dma_start3A_93 = arith.constant 0 : i32
    %dma_start3A_94 = arith.constant 0 : i32
    %dma_start3A_95 = tpu.memref_slice %arg5[%dma_start3A_92, %dma_start3A_93, %dma_start3A_94] : memref<2x8x2048xf32, #tpu.memory_space<vmem>> -> memref<1x8x2048xf32, #tpu.memory_space<vmem>>
    %dma_start3A_96 = tpu.memref_squeeze %dma_start3A_95 : memref<1x8x2048xf32, #tpu.memory_space<vmem>> -> memref<8x2048xf32, #tpu.memory_space<vmem>>
    %dma_start3A_97 = arith.constant 0 : i32
    %dma_start3A_98 = tpu.memref_slice %arg3[%add3A_91, %dma_start3A_97] : memref<2048x2048xf32, #tpu.memory_space<hbm>> -> memref<8x2048xf32, #tpu.memory_space<hbm>>
    %dma_start3A_99 = arith.constant 0 : i32
    %dma_start3A_100 = tpu.memref_slice %arg3[%add3A_91, %dma_start3A_99] : memref<2048x2048xf32, #tpu.memory_space<hbm>> -> memref<8x2048xf32, #tpu.memory_space<hbm>>
    %dma_start3A_101 = arith.constant 0 : i32
    %dma_start3A_102 = arith.constant 0 : i32
    %dma_start3A_103 = tpu.memref_slice %arg5[%dma_start3A_92, %dma_start3A_101, %dma_start3A_102] : memref<2x8x2048xf32, #tpu.memory_space<vmem>> -> memref<1x8x2048xf32, #tpu.memory_space<vmem>>
    %dma_start3A_104 = tpu.memref_squeeze %dma_start3A_103 : memref<1x8x2048xf32, #tpu.memory_space<vmem>> -> memref<8x2048xf32, #tpu.memory_space<vmem>>
    tpu.enqueue_dma source(%dma_start3A_104 : memref<8x2048xf32, #tpu.memory_space<vmem>>) target(%dma_start3A_100 : memref<8x2048xf32, #tpu.memory_space<hbm>>) target_semaphore(%arg6 : memref<!tpu.dma_semaphore, #tpu.memory_space<semaphore_mem>>)
    %mul3A_105 = arith.constant 8 : i32
    %mul3A_106 = arith.muli %add3A, %mul3A_105 : i32
    %add3A_107 = arith.constant 3 : i32
    %add3A_108 = arith.addi %mul3A_106, %add3A_107 : i32
    %shift_right_arithmetic3A_109 = arith.constant 4 : i32
    %shift_right_arithmetic3A_110 = arith.shrsi %add3A_108, %shift_right_arithmetic3A_109 : i32
    %and3A_111 = arith.constant 15 : i32
    %and3A_112 = arith.andi %add3A_108, %and3A_111 : i32
    %scan3A_113 = arith.constant 0 : i32
    %scan3A_114 = arith.constant 0 : i32
    %scan3A_115 = arith.constant 128 : i32
    %scan3A_116 = arith.addi %scan3A_114, %scan3A_115 : i32
    %scan3A_117 = arith.constant 2 : i32
    %scan3A_118 = scf.for %scan3A_356 = %scan3A_114 to %scan3A_116 step %scan3A_117 iter_args(%scan3A_357 = %scan3A_113) -> (i32)  : i32 {
      %mul3A_358 = arith.constant 16 : i32
      %mul3A_359 = arith.muli %scan3A_356, %mul3A_358 : i32
      %add3A_360 = vector.broadcast %mul3A_359 : i32 to vector<16xi32>
      %add3A_361 = arith.addi %add3A_360, %iota3A : vector<16xi32>
      %shift_right_arithmetic3A_362 = arith.constant 3 : i32
      %shift_right_arithmetic3A_363 = vector.broadcast %shift_right_arithmetic3A_362 : i32 to vector<16xi32>
      %shift_right_arithmetic3A_364 = arith.shrsi %add3A_361, %shift_right_arithmetic3A_363 : vector<16xi32>
      %shift_right_arithmetic3A_365 = arith.constant 4 : i32
      %shift_right_arithmetic3A_366 = vector.broadcast %shift_right_arithmetic3A_365 : i32 to vector<16xi32>
      %shift_right_arithmetic3A_367 = arith.shrsi %shift_right_arithmetic3A_364, %shift_right_arithmetic3A_366 : vector<16xi32>
      %and3A_368 = arith.constant 15 : i32
      %and3A_369 = vector.broadcast %and3A_368 : i32 to vector<16xi32>
      %and3A_370 = arith.andi %shift_right_arithmetic3A_364, %and3A_369 : vector<16xi32>
      %sub3A = vector.broadcast %shift_right_arithmetic3A_110 : i32 to vector<16xi32>
      %sub3A_371 = arith.subi %sub3A, %shift_right_arithmetic3A_367 : vector<16xi32>
      %add3A_372 = arith.constant 15 : i32
      %add3A_373 = vector.broadcast %add3A_372 : i32 to vector<16xi32>
      %add3A_374 = arith.addi %sub3A_371, %add3A_373 : vector<16xi32>
      %mul3A_375 = arith.constant 31 : i32
      %mul3A_376 = vector.broadcast %mul3A_375 : i32 to vector<16xi32>
      %mul3A_377 = arith.muli %add3A_374, %mul3A_376 : vector<16xi32>
      %sub3A_378 = vector.broadcast %and3A_112 : i32 to vector<16xi32>
      %sub3A_379 = arith.subi %sub3A_378, %and3A_370 : vector<16xi32>
      %add3A_380 = arith.constant 15 : i32
      %add3A_381 = vector.broadcast %add3A_380 : i32 to vector<16xi32>
      %add3A_382 = arith.addi %sub3A_379, %add3A_381 : vector<16xi32>
      %add3A_383 = arith.addi %mul3A_377, %add3A_382 : vector<16xi32>
      %gather3A = tpu.vector_load_idx %arg4[%add3A_383] : memref<976xf32, #tpu.memory_space<vmem>>[vector<16xi32>], vector<16xf32>,
      %mul3A_384 = arith.constant 16 : i32
      %mul3A_385 = arith.muli %scan3A_356, %mul3A_384 : i32
      %swap3A = arith.constant 1 : i32
      %swap3A_386 = arith.constant 0 : i32
      %swap3A_387 = arith.index_cast %swap3A : i32 to index
      %swap3A_388 = arith.index_cast %swap3A_386 : i32 to index
      %swap3A_389 = arith.index_cast %mul3A_385 : i32 to index
      %swap3A_390 = tpu.vector_load %arg5[%swap3A_387, %swap3A_388, %swap3A_389] {strides = array<i32>} : memref<2x8x2048xf32, #tpu.memory_space<vmem>>, vector<16xf32>,
      tpu.vector_store %arg5[%swap3A_387, %swap3A_388, %swap3A_389], %gather3A {strides = array<i32>} : memref<2x8x2048xf32, #tpu.memory_space<vmem>>, vector<16xf32>,
      %mul3A_391 = arith.constant 16 : i32
      %mul3A_392 = arith.muli %scan3A_356, %mul3A_391 : i32
      %swap3A_393 = arith.constant 1 : i32
      %swap3A_394 = arith.constant 1 : i32
      %swap3A_395 = arith.index_cast %swap3A_393 : i32 to index
      %swap3A_396 = arith.index_cast %swap3A_394 : i32 to index
      %swap3A_397 = arith.index_cast %mul3A_392 : i32 to index
      %swap3A_398 = tpu.vector_load %arg5[%swap3A_395, %swap3A_396, %swap3A_397] {strides = array<i32>} : memref<2x8x2048xf32, #tpu.memory_space<vmem>>, vector<16xf32>,
      tpu.vector_store %arg5[%swap3A_395, %swap3A_396, %swap3A_397], %gather3A {strides = array<i32>} : memref<2x8x2048xf32, #tpu.memory_space<vmem>>, vector<16xf32>,
      %mul3A_399 = arith.constant 16 : i32
      %mul3A_400 = arith.muli %scan3A_356, %mul3A_399 : i32
      %swap3A_401 = arith.constant 1 : i32
      %swap3A_402 = arith.constant 2 : i32
      %swap3A_403 = arith.index_cast %swap3A_401 : i32 to index
      %swap3A_404 = arith.index_cast %swap3A_402 : i32 to index
      %swap3A_405 = arith.index_cast %mul3A_400 : i32 to index
      %swap3A_406 = tpu.vector_load %arg5[%swap3A_403, %swap3A_404, %swap3A_405] {strides = array<i32>} : memref<2x8x2048xf32, #tpu.memory_space<vmem>>, vector<16xf32>,
      tpu.vector_store %arg5[%swap3A_403, %swap3A_404, %swap3A_405], %gather3A {strides = array<i32>} : memref<2x8x2048xf32, #tpu.memory_space<vmem>>, vector<16xf32>,
      %mul3A_407 = arith.constant 16 : i32
      %mul3A_408 = arith.muli %scan3A_356, %mul3A_407 : i32
      %swap3A_409 = arith.constant 1 : i32
      %swap3A_410 = arith.constant 3 : i32
      %swap3A_411 = arith.index_cast %swap3A_409 : i32 to index
      %swap3A_412 = arith.index_cast %swap3A_410 : i32 to index
      %swap3A_413 = arith.index_cast %mul3A_408 : i32 to index
      %swap3A_414 = tpu.vector_load %arg5[%swap3A_411, %swap3A_412, %swap3A_413] {strides = array<i32>} : memref<2x8x2048xf32, #tpu.memory_space<vmem>>, vector<16xf32>,
      tpu.vector_store %arg5[%swap3A_411, %swap3A_412, %swap3A_413], %gather3A {strides = array<i32>} : memref<2x8x2048xf32, #tpu.memory_space<vmem>>, vector<16xf32>,
      %mul3A_415 = arith.constant 16 : i32
      %mul3A_416 = arith.muli %scan3A_356, %mul3A_415 : i32
      %swap3A_417 = arith.constant 1 : i32
      %swap3A_418 = arith.constant 4 : i32
      %swap3A_419 = arith.index_cast %swap3A_417 : i32 to index
      %swap3A_420 = arith.index_cast %swap3A_418 : i32 to index
      %swap3A_421 = arith.index_cast %mul3A_416 : i32 to index
      %swap3A_422 = tpu.vector_load %arg5[%swap3A_419, %swap3A_420, %swap3A_421] {strides = array<i32>} : memref<2x8x2048xf32, #tpu.memory_space<vmem>>, vector<16xf32>,
      tpu.vector_store %arg5[%swap3A_419, %swap3A_420, %swap3A_421], %gather3A {strides = array<i32>} : memref<2x8x2048xf32, #tpu.memory_space<vmem>>, vector<16xf32>,
      %mul3A_423 = arith.constant 16 : i32
      %mul3A_424 = arith.muli %scan3A_356, %mul3A_423 : i32
      %swap3A_425 = arith.constant 1 : i32
      %swap3A_426 = arith.constant 5 : i32
      %swap3A_427 = arith.index_cast %swap3A_425 : i32 to index
      %swap3A_428 = arith.index_cast %swap3A_426 : i32 to index
      %swap3A_429 = arith.index_cast %mul3A_424 : i32 to index
      %swap3A_430 = tpu.vector_load %arg5[%swap3A_427, %swap3A_428, %swap3A_429] {strides = array<i32>} : memref<2x8x2048xf32, #tpu.memory_space<vmem>>, vector<16xf32>,
      tpu.vector_store %arg5[%swap3A_427, %swap3A_428, %swap3A_429], %gather3A {strides = array<i32>} : memref<2x8x2048xf32, #tpu.memory_space<vmem>>, vector<16xf32>,
      %mul3A_431 = arith.constant 16 : i32
      %mul3A_432 = arith.muli %scan3A_356, %mul3A_431 : i32
      %swap3A_433 = arith.constant 1 : i32
      %swap3A_434 = arith.constant 6 : i32
      %swap3A_435 = arith.index_cast %swap3A_433 : i32 to index
      %swap3A_436 = arith.index_cast %swap3A_434 : i32 to index
      %swap3A_437 = arith.index_cast %mul3A_432 : i32 to index
      %swap3A_438 = tpu.vector_load %arg5[%swap3A_435, %swap3A_436, %swap3A_437] {strides = array<i32>} : memref<2x8x2048xf32, #tpu.memory_space<vmem>>, vector<16xf32>,
      tpu.vector_store %arg5[%swap3A_435, %swap3A_436, %swap3A_437], %gather3A {strides = array<i32>} : memref<2x8x2048xf32, #tpu.memory_space<vmem>>, vector<16xf32>,
      %mul3A_439 = arith.constant 16 : i32
      %mul3A_440 = arith.muli %scan3A_356, %mul3A_439 : i32
      %swap3A_441 = arith.constant 1 : i32
      %swap3A_442 = arith.constant 7 : i32
      %swap3A_443 = arith.index_cast %swap3A_441 : i32 to index
      %swap3A_444 = arith.index_cast %swap3A_442 : i32 to index
      %swap3A_445 = arith.index_cast %mul3A_440 : i32 to index
      %swap3A_446 = tpu.vector_load %arg5[%swap3A_443, %swap3A_444, %swap3A_445] {strides = array<i32>} : memref<2x8x2048xf32, #tpu.memory_space<vmem>>, vector<16xf32>,
      tpu.vector_store %arg5[%swap3A_443, %swap3A_444, %swap3A_445], %gather3A {strides = array<i32>} : memref<2x8x2048xf32, #tpu.memory_space<vmem>>, vector<16xf32>,
      %scan3A_447 = arith.constant 0 : i32
      %scan3A_448 = arith.constant 1 : i32
      %scan3A_449 = arith.addi %scan3A_356, %scan3A_448 : i32
      %mul3A_450 = arith.constant 16 : i32
      %mul3A_451 = arith.muli %scan3A_449, %mul3A_450 : i32
      %add3A_452 = vector.broadcast %mul3A_451 : i32 to vector<16xi32>
      %add3A_453 = arith.addi %add3A_452, %iota3A : vector<16xi32>
      %shift_right_arithmetic3A_454 = arith.constant 3 : i32
      %shift_right_arithmetic3A_455 = vector.broadcast %shift_right_arithmetic3A_454 : i32 to vector<16xi32>
      %shift_right_arithmetic3A_456 = arith.shrsi %add3A_453, %shift_right_arithmetic3A_455 : vector<16xi32>
      %shift_right_arithmetic3A_457 = arith.constant 4 : i32
      %shift_right_arithmetic3A_458 = vector.broadcast %shift_right_arithmetic3A_457 : i32 to vector<16xi32>
      %shift_right_arithmetic3A_459 = arith.shrsi %shift_right_arithmetic3A_456, %shift_right_arithmetic3A_458 : vector<16xi32>
      %and3A_460 = arith.constant 15 : i32
      %and3A_461 = vector.broadcast %and3A_460 : i32 to vector<16xi32>
      %and3A_462 = arith.andi %shift_right_arithmetic3A_456, %and3A_461 : vector<16xi32>
      %sub3A_463 = vector.broadcast %shift_right_arithmetic3A_110 : i32 to vector<16xi32>
      %sub3A_464 = arith.subi %sub3A_463, %shift_right_arithmetic3A_459 : vector<16xi32>
      %add3A_465 = arith.constant 15 : i32
      %add3A_466 = vector.broadcast %add3A_465 : i32 to vector<16xi32>
      %add3A_467 = arith.addi %sub3A_464, %add3A_466 : vector<16xi32>
      %mul3A_468 = arith.constant 31 : i32
      %mul3A_469 = vector.broadcast %mul3A_468 : i32 to vector<16xi32>
      %mul3A_470 = arith.muli %add3A_467, %mul3A_469 : vector<16xi32>
      %sub3A_471 = vector.broadcast %and3A_112 : i32 to vector<16xi32>
      %sub3A_472 = arith.subi %sub3A_471, %and3A_462 : vector<16xi32>
      %add3A_473 = arith.constant 15 : i32
      %add3A_474 = vector.broadcast %add3A_473 : i32 to vector<16xi32>
      %add3A_475 = arith.addi %sub3A_472, %add3A_474 : vector<16xi32>
      %add3A_476 = arith.addi %mul3A_470, %add3A_475 : vector<16xi32>
      %gather3A_477 = tpu.vector_load_idx %arg4[%add3A_476] : memref<976xf32, #tpu.memory_space<vmem>>[vector<16xi32>], vector<16xf32>,
      %mul3A_478 = arith.constant 16 : i32
      %mul3A_479 = arith.muli %scan3A_449, %mul3A_478 : i32
      %swap3A_480 = arith.constant 1 : i32
      %swap3A_481 = arith.constant 0 : i32
      %swap3A_482 = arith.index_cast %swap3A_480 : i32 to index
      %swap3A_483 = arith.index_cast %swap3A_481 : i32 to index
      %swap3A_484 = arith.index_cast %mul3A_479 : i32 to index
      %swap3A_485 = tpu.vector_load %arg5[%swap3A_482, %swap3A_483, %swap3A_484] {strides = array<i32>} : memref<2x8x2048xf32, #tpu.memory_space<vmem>>, vector<16xf32>,
      tpu.vector_store %arg5[%swap3A_482, %swap3A_483, %swap3A_484], %gather3A_477 {strides = array<i32>} : memref<2x8x2048xf32, #tpu.memory_space<vmem>>, vector<16xf32>,
      %mul3A_486 = arith.constant 16 : i32
      %mul3A_487 = arith.muli %scan3A_449, %mul3A_486 : i32
      %swap3A_488 = arith.constant 1 : i32
      %swap3A_489 = arith.constant 1 : i32
      %swap3A_490 = arith.index_cast %swap3A_488 : i32 to index
      %swap3A_491 = arith.index_cast %swap3A_489 : i32 to index
      %swap3A_492 = arith.index_cast %mul3A_487 : i32 to index
      %swap3A_493 = tpu.vector_load %arg5[%swap3A_490, %swap3A_491, %swap3A_492] {strides = array<i32>} : memref<2x8x2048xf32, #tpu.memory_space<vmem>>, vector<16xf32>,
      tpu.vector_store %arg5[%swap3A_490, %swap3A_491, %swap3A_492], %gather3A_477 {strides = array<i32>} : memref<2x8x2048xf32, #tpu.memory_space<vmem>>, vector<16xf32>,
      %mul3A_494 = arith.constant 16 : i32
      %mul3A_495 = arith.muli %scan3A_449, %mul3A_494 : i32
      %swap3A_496 = arith.constant 1 : i32
      %swap3A_497 = arith.constant 2 : i32
      %swap3A_498 = arith.index_cast %swap3A_496 : i32 to index
      %swap3A_499 = arith.index_cast %swap3A_497 : i32 to index
      %swap3A_500 = arith.index_cast %mul3A_495 : i32 to index
      %swap3A_501 = tpu.vector_load %arg5[%swap3A_498, %swap3A_499, %swap3A_500] {strides = array<i32>} : memref<2x8x2048xf32, #tpu.memory_space<vmem>>, vector<16xf32>,
      tpu.vector_store %arg5[%swap3A_498, %swap3A_499, %swap3A_500], %gather3A_477 {strides = array<i32>} : memref<2x8x2048xf32, #tpu.memory_space<vmem>>, vector<16xf32>,
      %mul3A_502 = arith.constant 16 : i32
      %mul3A_503 = arith.muli %scan3A_449, %mul3A_502 : i32
      %swap3A_504 = arith.constant 1 : i32
      %swap3A_505 = arith.constant 3 : i32
      %swap3A_506 = arith.index_cast %swap3A_504 : i32 to index
      %swap3A_507 = arith.index_cast %swap3A_505 : i32 to index
      %swap3A_508 = arith.index_cast %mul3A_503 : i32 to index
      %swap3A_509 = tpu.vector_load %arg5[%swap3A_506, %swap3A_507, %swap3A_508] {strides = array<i32>} : memref<2x8x2048xf32, #tpu.memory_space<vmem>>, vector<16xf32>,
      tpu.vector_store %arg5[%swap3A_506, %swap3A_507, %swap3A_508], %gather3A_477 {strides = array<i32>} : memref<2x8x2048xf32, #tpu.memory_space<vmem>>, vector<16xf32>,
      %mul3A_510 = arith.constant 16 : i32
      %mul3A_511 = arith.muli %scan3A_449, %mul3A_510 : i32
      %swap3A_512 = arith.constant 1 : i32
      %swap3A_513 = arith.constant 4 : i32
      %swap3A_514 = arith.index_cast %swap3A_512 : i32 to index
      %swap3A_515 = arith.index_cast %swap3A_513 : i32 to index
      %swap3A_516 = arith.index_cast %mul3A_511 : i32 to index
      %swap3A_517 = tpu.vector_load %arg5[%swap3A_514, %swap3A_515, %swap3A_516] {strides = array<i32>} : memref<2x8x2048xf32, #tpu.memory_space<vmem>>, vector<16xf32>,
      tpu.vector_store %arg5[%swap3A_514, %swap3A_515, %swap3A_516], %gather3A_477 {strides = array<i32>} : memref<2x8x2048xf32, #tpu.memory_space<vmem>>, vector<16xf32>,
      %mul3A_518 = arith.constant 16 : i32
      %mul3A_519 = arith.muli %scan3A_449, %mul3A_518 : i32
      %swap3A_520 = arith.constant 1 : i32
      %swap3A_521 = arith.constant 5 : i32
      %swap3A_522 = arith.index_cast %swap3A_520 : i32 to index
      %swap3A_523 = arith.index_cast %swap3A_521 : i32 to index
      %swap3A_524 = arith.index_cast %mul3A_519 : i32 to index
      %swap3A_525 = tpu.vector_load %arg5[%swap3A_522, %swap3A_523, %swap3A_524] {strides = array<i32>} : memref<2x8x2048xf32, #tpu.memory_space<vmem>>, vector<16xf32>,
      tpu.vector_store %arg5[%swap3A_522, %swap3A_523, %swap3A_524], %gather3A_477 {strides = array<i32>} : memref<2x8x2048xf32, #tpu.memory_space<vmem>>, vector<16xf32>,
      %mul3A_526 = arith.constant 16 : i32
      %mul3A_527 = arith.muli %scan3A_449, %mul3A_526 : i32
      %swap3A_528 = arith.constant 1 : i32
      %swap3A_529 = arith.constant 6 : i32
      %swap3A_530 = arith.index_cast %swap3A_528 : i32 to index
      %swap3A_531 = arith.index_cast %swap3A_529 : i32 to index
      %swap3A_532 = arith.index_cast %mul3A_527 : i32 to index
      %swap3A_533 = tpu.vector_load %arg5[%swap3A_530, %swap3A_531, %swap3A_532] {strides = array<i32>} : memref<2x8x2048xf32, #tpu.memory_space<vmem>>, vector<16xf32>,
      tpu.vector_store %arg5[%swap3A_530, %swap3A_531, %swap3A_532], %gather3A_477 {strides = array<i32>} : memref<2x8x2048xf32, #tpu.memory_space<vmem>>, vector<16xf32>,
      %mul3A_534 = arith.constant 16 : i32
      %mul3A_535 = arith.muli %scan3A_449, %mul3A_534 : i32
      %swap3A_536 = arith.constant 1 : i32
      %swap3A_537 = arith.constant 7 : i32
      %swap3A_538 = arith.index_cast %swap3A_536 : i32 to index
      %swap3A_539 = arith.index_cast %swap3A_537 : i32 to index
      %swap3A_540 = arith.index_cast %mul3A_535 : i32 to index
      %swap3A_541 = tpu.vector_load %arg5[%swap3A_538, %swap3A_539, %swap3A_540] {strides = array<i32>} : memref<2x8x2048xf32, #tpu.memory_space<vmem>>, vector<16xf32>,
      tpu.vector_store %arg5[%swap3A_538, %swap3A_539, %swap3A_540], %gather3A_477 {strides = array<i32>} : memref<2x8x2048xf32, #tpu.memory_space<vmem>>, vector<16xf32>,
      %scan3A_542 = arith.constant 0 : i32
      scf.yield %scan3A_542 : i32
    }
    %scan3A_119 = arith.constant 128 : i32
    %dma_wait3A_120 = arith.constant 1 : i32
    %dma_wait3A_121 = arith.constant 0 : i32
    %dma_wait3A_122 = arith.constant 0 : i32
    %dma_wait3A_123 = tpu.memref_slice %arg5[%dma_wait3A_120, %dma_wait3A_121, %dma_wait3A_122] : memref<2x8x2048xf32, #tpu.memory_space<vmem>> -> memref<1x8x2048xf32, #tpu.memory_space<vmem>>
    %dma_wait3A_124 = tpu.memref_squeeze %dma_wait3A_123 : memref<1x8x2048xf32, #tpu.memory_space<vmem>> -> memref<8x2048xf32, #tpu.memory_space<vmem>>
    %dma_wait3A_125 = arith.constant 0 : i32
    %dma_wait3A_126 = tpu.memref_slice %arg3[%add3A_47, %dma_wait3A_125] : memref<2048x2048xf32, #tpu.memory_space<hbm>> -> memref<8x2048xf32, #tpu.memory_space<hbm>>
    %dma_wait3A_127 = arith.constant 0 : i32
    %dma_wait3A_128 = tpu.memref_slice %arg3[%add3A_47, %dma_wait3A_127] : memref<2048x2048xf32, #tpu.memory_space<hbm>> -> memref<8x2048xf32, #tpu.memory_space<hbm>>
    %dma_wait3A_129 = arith.constant 0 : i32
    %dma_wait3A_130 = arith.constant 0 : i32
    %dma_wait3A_131 = tpu.memref_slice %arg5[%dma_wait3A_120, %dma_wait3A_129, %dma_wait3A_130] : memref<2x8x2048xf32, #tpu.memory_space<vmem>> -> memref<1x8x2048xf32, #tpu.memory_space<vmem>>
    %dma_wait3A_132 = tpu.memref_squeeze %dma_wait3A_131 : memref<1x8x2048xf32, #tpu.memory_space<vmem>> -> memref<8x2048xf32, #tpu.memory_space<vmem>>
    tpu.wait_dma2 semaphore(%arg6 : memref<!tpu.dma_semaphore, #tpu.memory_space<semaphore_mem>>) src(%dma_wait3A_132 : memref<8x2048xf32, #tpu.memory_space<vmem>>) dst(%dma_wait3A_128 : memref<8x2048xf32, #tpu.memory_space<hbm>>)
    %mul3A_133 = arith.constant 64 : i32
    %mul3A_134 = arith.muli %add3A, %mul3A_133 : i32
    %add3A_135 = arith.constant 24 : i32
    %add3A_136 = arith.addi %mul3A_134, %add3A_135 : i32
    %dma_start3A_137 = arith.constant 1 : i32
    %dma_start3A_138 = arith.constant 0 : i32
    %dma_start3A_139 = arith.constant 0 : i32
    %dma_start3A_140 = tpu.memref_slice %arg5[%dma_start3A_137, %dma_start3A_138, %dma_start3A_139] : memref<2x8x2048xf32, #tpu.memory_space<vmem>> -> memref<1x8x2048xf32, #tpu.memory_space<vmem>>
    %dma_start3A_141 = tpu.memref_squeeze %dma_start3A_140 : memref<1x8x2048xf32, #tpu.memory_space<vmem>> -> memref<8x2048xf32, #tpu.memory_space<vmem>>
    %dma_start3A_142 = arith.constant 0 : i32
    %dma_start3A_143 = tpu.memref_slice %arg3[%add3A_136, %dma_start3A_142] : memref<2048x2048xf32, #tpu.memory_space<hbm>> -> memref<8x2048xf32, #tpu.memory_space<hbm>>
    %dma_start3A_144 = arith.constant 0 : i32
    %dma_start3A_145 = tpu.memref_slice %arg3[%add3A_136, %dma_start3A_144] : memref<2048x2048xf32, #tpu.memory_space<hbm>> -> memref<8x2048xf32, #tpu.memory_space<hbm>>
    %dma_start3A_146 = arith.constant 0 : i32
    %dma_start3A_147 = arith.constant 0 : i32
    %dma_start3A_148 = tpu.memref_slice %arg5[%dma_start3A_137, %dma_start3A_146, %dma_start3A_147] : memref<2x8x2048xf32, #tpu.memory_space<vmem>> -> memref<1x8x2048xf32, #tpu.memory_space<vmem>>
    %dma_start3A_149 = tpu.memref_squeeze %dma_start3A_148 : memref<1x8x2048xf32, #tpu.memory_space<vmem>> -> memref<8x2048xf32, #tpu.memory_space<vmem>>
    tpu.enqueue_dma source(%dma_start3A_149 : memref<8x2048xf32, #tpu.memory_space<vmem>>) target(%dma_start3A_145 : memref<8x2048xf32, #tpu.memory_space<hbm>>) target_semaphore(%arg6 : memref<!tpu.dma_semaphore, #tpu.memory_space<semaphore_mem>>)
    %mul3A_150 = arith.constant 8 : i32
    %mul3A_151 = arith.muli %add3A, %mul3A_150 : i32
    %add3A_152 = arith.constant 4 : i32
    %add3A_153 = arith.addi %mul3A_151, %add3A_152 : i32
    %shift_right_arithmetic3A_154 = arith.constant 4 : i32
    %shift_right_arithmetic3A_155 = arith.shrsi %add3A_153, %shift_right_arithmetic3A_154 : i32
    %and3A_156 = arith.constant 15 : i32
    %and3A_157 = arith.andi %add3A_153, %and3A_156 : i32
    %scan3A_158 = arith.constant 0 : i32
    %scan3A_159 = arith.constant 0 : i32
    %scan3A_160 = arith.constant 128 : i32
    %scan3A_161 = arith.addi %scan3A_159, %scan3A_160 : i32
    %scan3A_162 = arith.constant 2 : i32
    %scan3A_163 = scf.for %scan3A_356 = %scan3A_159 to %scan3A_161 step %scan3A_162 iter_args(%scan3A_357 = %scan3A_158) -> (i32)  : i32 {
      %mul3A_358 = arith.constant 16 : i32
      %mul3A_359 = arith.muli %scan3A_356, %mul3A_358 : i32
      %add3A_360 = vector.broadcast %mul3A_359 : i32 to vector<16xi32>
      %add3A_361 = arith.addi %add3A_360, %iota3A : vector<16xi32>
      %shift_right_arithmetic3A_362 = arith.constant 3 : i32
      %shift_right_arithmetic3A_363 = vector.broadcast %shift_right_arithmetic3A_362 : i32 to vector<16xi32>
      %shift_right_arithmetic3A_364 = arith.shrsi %add3A_361, %shift_right_arithmetic3A_363 : vector<16xi32>
      %shift_right_arithmetic3A_365 = arith.constant 4 : i32
      %shift_right_arithmetic3A_366 = vector.broadcast %shift_right_arithmetic3A_365 : i32 to vector<16xi32>
      %shift_right_arithmetic3A_367 = arith.shrsi %shift_right_arithmetic3A_364, %shift_right_arithmetic3A_366 : vector<16xi32>
      %and3A_368 = arith.constant 15 : i32
      %and3A_369 = vector.broadcast %and3A_368 : i32 to vector<16xi32>
      %and3A_370 = arith.andi %shift_right_arithmetic3A_364, %and3A_369 : vector<16xi32>
      %sub3A = vector.broadcast %shift_right_arithmetic3A_155 : i32 to vector<16xi32>
      %sub3A_371 = arith.subi %sub3A, %shift_right_arithmetic3A_367 : vector<16xi32>
      %add3A_372 = arith.constant 15 : i32
      %add3A_373 = vector.broadcast %add3A_372 : i32 to vector<16xi32>
      %add3A_374 = arith.addi %sub3A_371, %add3A_373 : vector<16xi32>
      %mul3A_375 = arith.constant 31 : i32
      %mul3A_376 = vector.broadcast %mul3A_375 : i32 to vector<16xi32>
      %mul3A_377 = arith.muli %add3A_374, %mul3A_376 : vector<16xi32>
      %sub3A_378 = vector.broadcast %and3A_157 : i32 to vector<16xi32>
      %sub3A_379 = arith.subi %sub3A_378, %and3A_370 : vector<16xi32>
      %add3A_380 = arith.constant 15 : i32
      %add3A_381 = vector.broadcast %add3A_380 : i32 to vector<16xi32>
      %add3A_382 = arith.addi %sub3A_379, %add3A_381 : vector<16xi32>
      %add3A_383 = arith.addi %mul3A_377, %add3A_382 : vector<16xi32>
      %gather3A = tpu.vector_load_idx %arg4[%add3A_383] : memref<976xf32, #tpu.memory_space<vmem>>[vector<16xi32>], vector<16xf32>,
      %mul3A_384 = arith.constant 16 : i32
      %mul3A_385 = arith.muli %scan3A_356, %mul3A_384 : i32
      %swap3A = arith.constant 0 : i32
      %swap3A_386 = arith.constant 0 : i32
      %swap3A_387 = arith.index_cast %swap3A : i32 to index
      %swap3A_388 = arith.index_cast %swap3A_386 : i32 to index
      %swap3A_389 = arith.index_cast %mul3A_385 : i32 to index
      %swap3A_390 = tpu.vector_load %arg5[%swap3A_387, %swap3A_388, %swap3A_389] {strides = array<i32>} : memref<2x8x2048xf32, #tpu.memory_space<vmem>>, vector<16xf32>,
      tpu.vector_store %arg5[%swap3A_387, %swap3A_388, %swap3A_389], %gather3A {strides = array<i32>} : memref<2x8x2048xf32, #tpu.memory_space<vmem>>, vector<16xf32>,
      %mul3A_391 = arith.constant 16 : i32
      %mul3A_392 = arith.muli %scan3A_356, %mul3A_391 : i32
      %swap3A_393 = arith.constant 0 : i32
      %swap3A_394 = arith.constant 1 : i32
      %swap3A_395 = arith.index_cast %swap3A_393 : i32 to index
      %swap3A_396 = arith.index_cast %swap3A_394 : i32 to index
      %swap3A_397 = arith.index_cast %mul3A_392 : i32 to index
      %swap3A_398 = tpu.vector_load %arg5[%swap3A_395, %swap3A_396, %swap3A_397] {strides = array<i32>} : memref<2x8x2048xf32, #tpu.memory_space<vmem>>, vector<16xf32>,
      tpu.vector_store %arg5[%swap3A_395, %swap3A_396, %swap3A_397], %gather3A {strides = array<i32>} : memref<2x8x2048xf32, #tpu.memory_space<vmem>>, vector<16xf32>,
      %mul3A_399 = arith.constant 16 : i32
      %mul3A_400 = arith.muli %scan3A_356, %mul3A_399 : i32
      %swap3A_401 = arith.constant 0 : i32
      %swap3A_402 = arith.constant 2 : i32
      %swap3A_403 = arith.index_cast %swap3A_401 : i32 to index
      %swap3A_404 = arith.index_cast %swap3A_402 : i32 to index
      %swap3A_405 = arith.index_cast %mul3A_400 : i32 to index
      %swap3A_406 = tpu.vector_load %arg5[%swap3A_403, %swap3A_404, %swap3A_405] {strides = array<i32>} : memref<2x8x2048xf32, #tpu.memory_space<vmem>>, vector<16xf32>,
      tpu.vector_store %arg5[%swap3A_403, %swap3A_404, %swap3A_405], %gather3A {strides = array<i32>} : memref<2x8x2048xf32, #tpu.memory_space<vmem>>, vector<16xf32>,
      %mul3A_407 = arith.constant 16 : i32
      %mul3A_408 = arith.muli %scan3A_356, %mul3A_407 : i32
      %swap3A_409 = arith.constant 0 : i32
      %swap3A_410 = arith.constant 3 : i32
      %swap3A_411 = arith.index_cast %swap3A_409 : i32 to index
      %swap3A_412 = arith.index_cast %swap3A_410 : i32 to index
      %swap3A_413 = arith.index_cast %mul3A_408 : i32 to index
      %swap3A_414 = tpu.vector_load %arg5[%swap3A_411, %swap3A_412, %swap3A_413] {strides = array<i32>} : memref<2x8x2048xf32, #tpu.memory_space<vmem>>, vector<16xf32>,
      tpu.vector_store %arg5[%swap3A_411, %swap3A_412, %swap3A_413], %gather3A {strides = array<i32>} : memref<2x8x2048xf32, #tpu.memory_space<vmem>>, vector<16xf32>,
      %mul3A_415 = arith.constant 16 : i32
      %mul3A_416 = arith.muli %scan3A_356, %mul3A_415 : i32
      %swap3A_417 = arith.constant 0 : i32
      %swap3A_418 = arith.constant 4 : i32
      %swap3A_419 = arith.index_cast %swap3A_417 : i32 to index
      %swap3A_420 = arith.index_cast %swap3A_418 : i32 to index
      %swap3A_421 = arith.index_cast %mul3A_416 : i32 to index
      %swap3A_422 = tpu.vector_load %arg5[%swap3A_419, %swap3A_420, %swap3A_421] {strides = array<i32>} : memref<2x8x2048xf32, #tpu.memory_space<vmem>>, vector<16xf32>,
      tpu.vector_store %arg5[%swap3A_419, %swap3A_420, %swap3A_421], %gather3A {strides = array<i32>} : memref<2x8x2048xf32, #tpu.memory_space<vmem>>, vector<16xf32>,
      %mul3A_423 = arith.constant 16 : i32
      %mul3A_424 = arith.muli %scan3A_356, %mul3A_423 : i32
      %swap3A_425 = arith.constant 0 : i32
      %swap3A_426 = arith.constant 5 : i32
      %swap3A_427 = arith.index_cast %swap3A_425 : i32 to index
      %swap3A_428 = arith.index_cast %swap3A_426 : i32 to index
      %swap3A_429 = arith.index_cast %mul3A_424 : i32 to index
      %swap3A_430 = tpu.vector_load %arg5[%swap3A_427, %swap3A_428, %swap3A_429] {strides = array<i32>} : memref<2x8x2048xf32, #tpu.memory_space<vmem>>, vector<16xf32>,
      tpu.vector_store %arg5[%swap3A_427, %swap3A_428, %swap3A_429], %gather3A {strides = array<i32>} : memref<2x8x2048xf32, #tpu.memory_space<vmem>>, vector<16xf32>,
      %mul3A_431 = arith.constant 16 : i32
      %mul3A_432 = arith.muli %scan3A_356, %mul3A_431 : i32
      %swap3A_433 = arith.constant 0 : i32
      %swap3A_434 = arith.constant 6 : i32
      %swap3A_435 = arith.index_cast %swap3A_433 : i32 to index
      %swap3A_436 = arith.index_cast %swap3A_434 : i32 to index
      %swap3A_437 = arith.index_cast %mul3A_432 : i32 to index
      %swap3A_438 = tpu.vector_load %arg5[%swap3A_435, %swap3A_436, %swap3A_437] {strides = array<i32>} : memref<2x8x2048xf32, #tpu.memory_space<vmem>>, vector<16xf32>,
      tpu.vector_store %arg5[%swap3A_435, %swap3A_436, %swap3A_437], %gather3A {strides = array<i32>} : memref<2x8x2048xf32, #tpu.memory_space<vmem>>, vector<16xf32>,
      %mul3A_439 = arith.constant 16 : i32
      %mul3A_440 = arith.muli %scan3A_356, %mul3A_439 : i32
      %swap3A_441 = arith.constant 0 : i32
      %swap3A_442 = arith.constant 7 : i32
      %swap3A_443 = arith.index_cast %swap3A_441 : i32 to index
      %swap3A_444 = arith.index_cast %swap3A_442 : i32 to index
      %swap3A_445 = arith.index_cast %mul3A_440 : i32 to index
      %swap3A_446 = tpu.vector_load %arg5[%swap3A_443, %swap3A_444, %swap3A_445] {strides = array<i32>} : memref<2x8x2048xf32, #tpu.memory_space<vmem>>, vector<16xf32>,
      tpu.vector_store %arg5[%swap3A_443, %swap3A_444, %swap3A_445], %gather3A {strides = array<i32>} : memref<2x8x2048xf32, #tpu.memory_space<vmem>>, vector<16xf32>,
      %scan3A_447 = arith.constant 0 : i32
      %scan3A_448 = arith.constant 1 : i32
      %scan3A_449 = arith.addi %scan3A_356, %scan3A_448 : i32
      %mul3A_450 = arith.constant 16 : i32
      %mul3A_451 = arith.muli %scan3A_449, %mul3A_450 : i32
      %add3A_452 = vector.broadcast %mul3A_451 : i32 to vector<16xi32>
      %add3A_453 = arith.addi %add3A_452, %iota3A : vector<16xi32>
      %shift_right_arithmetic3A_454 = arith.constant 3 : i32
      %shift_right_arithmetic3A_455 = vector.broadcast %shift_right_arithmetic3A_454 : i32 to vector<16xi32>
      %shift_right_arithmetic3A_456 = arith.shrsi %add3A_453, %shift_right_arithmetic3A_455 : vector<16xi32>
      %shift_right_arithmetic3A_457 = arith.constant 4 : i32
      %shift_right_arithmetic3A_458 = vector.broadcast %shift_right_arithmetic3A_457 : i32 to vector<16xi32>
      %shift_right_arithmetic3A_459 = arith.shrsi %shift_right_arithmetic3A_456, %shift_right_arithmetic3A_458 : vector<16xi32>
      %and3A_460 = arith.constant 15 : i32
      %and3A_461 = vector.broadcast %and3A_460 : i32 to vector<16xi32>
      %and3A_462 = arith.andi %shift_right_arithmetic3A_456, %and3A_461 : vector<16xi32>
      %sub3A_463 = vector.broadcast %shift_right_arithmetic3A_155 : i32 to vector<16xi32>
      %sub3A_464 = arith.subi %sub3A_463, %shift_right_arithmetic3A_459 : vector<16xi32>
      %add3A_465 = arith.constant 15 : i32
      %add3A_466 = vector.broadcast %add3A_465 : i32 to vector<16xi32>
      %add3A_467 = arith.addi %sub3A_464, %add3A_466 : vector<16xi32>
      %mul3A_468 = arith.constant 31 : i32
      %mul3A_469 = vector.broadcast %mul3A_468 : i32 to vector<16xi32>
      %mul3A_470 = arith.muli %add3A_467, %mul3A_469 : vector<16xi32>
      %sub3A_471 = vector.broadcast %and3A_157 : i32 to vector<16xi32>
      %sub3A_472 = arith.subi %sub3A_471, %and3A_462 : vector<16xi32>
      %add3A_473 = arith.constant 15 : i32
      %add3A_474 = vector.broadcast %add3A_473 : i32 to vector<16xi32>
      %add3A_475 = arith.addi %sub3A_472, %add3A_474 : vector<16xi32>
      %add3A_476 = arith.addi %mul3A_470, %add3A_475 : vector<16xi32>
      %gather3A_477 = tpu.vector_load_idx %arg4[%add3A_476] : memref<976xf32, #tpu.memory_space<vmem>>[vector<16xi32>], vector<16xf32>,
      %mul3A_478 = arith.constant 16 : i32
      %mul3A_479 = arith.muli %scan3A_449, %mul3A_478 : i32
      %swap3A_480 = arith.constant 0 : i32
      %swap3A_481 = arith.constant 0 : i32
      %swap3A_482 = arith.index_cast %swap3A_480 : i32 to index
      %swap3A_483 = arith.index_cast %swap3A_481 : i32 to index
      %swap3A_484 = arith.index_cast %mul3A_479 : i32 to index
      %swap3A_485 = tpu.vector_load %arg5[%swap3A_482, %swap3A_483, %swap3A_484] {strides = array<i32>} : memref<2x8x2048xf32, #tpu.memory_space<vmem>>, vector<16xf32>,
      tpu.vector_store %arg5[%swap3A_482, %swap3A_483, %swap3A_484], %gather3A_477 {strides = array<i32>} : memref<2x8x2048xf32, #tpu.memory_space<vmem>>, vector<16xf32>,
      %mul3A_486 = arith.constant 16 : i32
      %mul3A_487 = arith.muli %scan3A_449, %mul3A_486 : i32
      %swap3A_488 = arith.constant 0 : i32
      %swap3A_489 = arith.constant 1 : i32
      %swap3A_490 = arith.index_cast %swap3A_488 : i32 to index
      %swap3A_491 = arith.index_cast %swap3A_489 : i32 to index
      %swap3A_492 = arith.index_cast %mul3A_487 : i32 to index
      %swap3A_493 = tpu.vector_load %arg5[%swap3A_490, %swap3A_491, %swap3A_492] {strides = array<i32>} : memref<2x8x2048xf32, #tpu.memory_space<vmem>>, vector<16xf32>,
      tpu.vector_store %arg5[%swap3A_490, %swap3A_491, %swap3A_492], %gather3A_477 {strides = array<i32>} : memref<2x8x2048xf32, #tpu.memory_space<vmem>>, vector<16xf32>,
      %mul3A_494 = arith.constant 16 : i32
      %mul3A_495 = arith.muli %scan3A_449, %mul3A_494 : i32
      %swap3A_496 = arith.constant 0 : i32
      %swap3A_497 = arith.constant 2 : i32
      %swap3A_498 = arith.index_cast %swap3A_496 : i32 to index
      %swap3A_499 = arith.index_cast %swap3A_497 : i32 to index
      %swap3A_500 = arith.index_cast %mul3A_495 : i32 to index
      %swap3A_501 = tpu.vector_load %arg5[%swap3A_498, %swap3A_499, %swap3A_500] {strides = array<i32>} : memref<2x8x2048xf32, #tpu.memory_space<vmem>>, vector<16xf32>,
      tpu.vector_store %arg5[%swap3A_498, %swap3A_499, %swap3A_500], %gather3A_477 {strides = array<i32>} : memref<2x8x2048xf32, #tpu.memory_space<vmem>>, vector<16xf32>,
      %mul3A_502 = arith.constant 16 : i32
      %mul3A_503 = arith.muli %scan3A_449, %mul3A_502 : i32
      %swap3A_504 = arith.constant 0 : i32
      %swap3A_505 = arith.constant 3 : i32
      %swap3A_506 = arith.index_cast %swap3A_504 : i32 to index
      %swap3A_507 = arith.index_cast %swap3A_505 : i32 to index
      %swap3A_508 = arith.index_cast %mul3A_503 : i32 to index
      %swap3A_509 = tpu.vector_load %arg5[%swap3A_506, %swap3A_507, %swap3A_508] {strides = array<i32>} : memref<2x8x2048xf32, #tpu.memory_space<vmem>>, vector<16xf32>,
      tpu.vector_store %arg5[%swap3A_506, %swap3A_507, %swap3A_508], %gather3A_477 {strides = array<i32>} : memref<2x8x2048xf32, #tpu.memory_space<vmem>>, vector<16xf32>,
      %mul3A_510 = arith.constant 16 : i32
      %mul3A_511 = arith.muli %scan3A_449, %mul3A_510 : i32
      %swap3A_512 = arith.constant 0 : i32
      %swap3A_513 = arith.constant 4 : i32
      %swap3A_514 = arith.index_cast %swap3A_512 : i32 to index
      %swap3A_515 = arith.index_cast %swap3A_513 : i32 to index
      %swap3A_516 = arith.index_cast %mul3A_511 : i32 to index
      %swap3A_517 = tpu.vector_load %arg5[%swap3A_514, %swap3A_515, %swap3A_516] {strides = array<i32>} : memref<2x8x2048xf32, #tpu.memory_space<vmem>>, vector<16xf32>,
      tpu.vector_store %arg5[%swap3A_514, %swap3A_515, %swap3A_516], %gather3A_477 {strides = array<i32>} : memref<2x8x2048xf32, #tpu.memory_space<vmem>>, vector<16xf32>,
      %mul3A_518 = arith.constant 16 : i32
      %mul3A_519 = arith.muli %scan3A_449, %mul3A_518 : i32
      %swap3A_520 = arith.constant 0 : i32
      %swap3A_521 = arith.constant 5 : i32
      %swap3A_522 = arith.index_cast %swap3A_520 : i32 to index
      %swap3A_523 = arith.index_cast %swap3A_521 : i32 to index
      %swap3A_524 = arith.index_cast %mul3A_519 : i32 to index
      %swap3A_525 = tpu.vector_load %arg5[%swap3A_522, %swap3A_523, %swap3A_524] {strides = array<i32>} : memref<2x8x2048xf32, #tpu.memory_space<vmem>>, vector<16xf32>,
      tpu.vector_store %arg5[%swap3A_522, %swap3A_523, %swap3A_524], %gather3A_477 {strides = array<i32>} : memref<2x8x2048xf32, #tpu.memory_space<vmem>>, vector<16xf32>,
      %mul3A_526 = arith.constant 16 : i32
      %mul3A_527 = arith.muli %scan3A_449, %mul3A_526 : i32
      %swap3A_528 = arith.constant 0 : i32
      %swap3A_529 = arith.constant 6 : i32
      %swap3A_530 = arith.index_cast %swap3A_528 : i32 to index
      %swap3A_531 = arith.index_cast %swap3A_529 : i32 to index
      %swap3A_532 = arith.index_cast %mul3A_527 : i32 to index
      %swap3A_533 = tpu.vector_load %arg5[%swap3A_530, %swap3A_531, %swap3A_532] {strides = array<i32>} : memref<2x8x2048xf32, #tpu.memory_space<vmem>>, vector<16xf32>,
      tpu.vector_store %arg5[%swap3A_530, %swap3A_531, %swap3A_532], %gather3A_477 {strides = array<i32>} : memref<2x8x2048xf32, #tpu.memory_space<vmem>>, vector<16xf32>,
      %mul3A_534 = arith.constant 16 : i32
      %mul3A_535 = arith.muli %scan3A_449, %mul3A_534 : i32
      %swap3A_536 = arith.constant 0 : i32
      %swap3A_537 = arith.constant 7 : i32
      %swap3A_538 = arith.index_cast %swap3A_536 : i32 to index
      %swap3A_539 = arith.index_cast %swap3A_537 : i32 to index
      %swap3A_540 = arith.index_cast %mul3A_535 : i32 to index
      %swap3A_541 = tpu.vector_load %arg5[%swap3A_538, %swap3A_539, %swap3A_540] {strides = array<i32>} : memref<2x8x2048xf32, #tpu.memory_space<vmem>>, vector<16xf32>,
      tpu.vector_store %arg5[%swap3A_538, %swap3A_539, %swap3A_540], %gather3A_477 {strides = array<i32>} : memref<2x8x2048xf32, #tpu.memory_space<vmem>>, vector<16xf32>,
      %scan3A_542 = arith.constant 0 : i32
      scf.yield %scan3A_542 : i32
    }
    %scan3A_164 = arith.constant 128 : i32
    %dma_wait3A_165 = arith.constant 0 : i32
    %dma_wait3A_166 = arith.constant 0 : i32
    %dma_wait3A_167 = arith.constant 0 : i32
    %dma_wait3A_168 = tpu.memref_slice %arg5[%dma_wait3A_165, %dma_wait3A_166, %dma_wait3A_167] : memref<2x8x2048xf32, #tpu.memory_space<vmem>> -> memref<1x8x2048xf32, #tpu.memory_space<vmem>>
    %dma_wait3A_169 = tpu.memref_squeeze %dma_wait3A_168 : memref<1x8x2048xf32, #tpu.memory_space<vmem>> -> memref<8x2048xf32, #tpu.memory_space<vmem>>
    %dma_wait3A_170 = arith.constant 0 : i32
    %dma_wait3A_171 = tpu.memref_slice %arg3[%add3A_91, %dma_wait3A_170] : memref<2048x2048xf32, #tpu.memory_space<hbm>> -> memref<8x2048xf32, #tpu.memory_space<hbm>>
    %dma_wait3A_172 = arith.constant 0 : i32
    %dma_wait3A_173 = tpu.memref_slice %arg3[%add3A_91, %dma_wait3A_172] : memref<2048x2048xf32, #tpu.memory_space<hbm>> -> memref<8x2048xf32, #tpu.memory_space<hbm>>
    %dma_wait3A_174 = arith.constant 0 : i32
    %dma_wait3A_175 = arith.constant 0 : i32
    %dma_wait3A_176 = tpu.memref_slice %arg5[%dma_wait3A_165, %dma_wait3A_174, %dma_wait3A_175] : memref<2x8x2048xf32, #tpu.memory_space<vmem>> -> memref<1x8x2048xf32, #tpu.memory_space<vmem>>
    %dma_wait3A_177 = tpu.memref_squeeze %dma_wait3A_176 : memref<1x8x2048xf32, #tpu.memory_space<vmem>> -> memref<8x2048xf32, #tpu.memory_space<vmem>>
    tpu.wait_dma2 semaphore(%arg6 : memref<!tpu.dma_semaphore, #tpu.memory_space<semaphore_mem>>) src(%dma_wait3A_177 : memref<8x2048xf32, #tpu.memory_space<vmem>>) dst(%dma_wait3A_173 : memref<8x2048xf32, #tpu.memory_space<hbm>>)
    %mul3A_178 = arith.constant 64 : i32
    %mul3A_179 = arith.muli %add3A, %mul3A_178 : i32
    %add3A_180 = arith.constant 32 : i32
    %add3A_181 = arith.addi %mul3A_179, %add3A_180 : i32
    %dma_start3A_182 = arith.constant 0 : i32
    %dma_start3A_183 = arith.constant 0 : i32
    %dma_start3A_184 = arith.constant 0 : i32
    %dma_start3A_185 = tpu.memref_slice %arg5[%dma_start3A_182, %dma_start3A_183, %dma_start3A_184] : memref<2x8x2048xf32, #tpu.memory_space<vmem>> -> memref<1x8x2048xf32, #tpu.memory_space<vmem>>
    %dma_start3A_186 = tpu.memref_squeeze %dma_start3A_185 : memref<1x8x2048xf32, #tpu.memory_space<vmem>> -> memref<8x2048xf32, #tpu.memory_space<vmem>>
    %dma_start3A_187 = arith.constant 0 : i32
    %dma_start3A_188 = tpu.memref_slice %arg3[%add3A_181, %dma_start3A_187] : memref<2048x2048xf32, #tpu.memory_space<hbm>> -> memref<8x2048xf32, #tpu.memory_space<hbm>>
    %dma_start3A_189 = arith.constant 0 : i32
    %dma_start3A_190 = tpu.memref_slice %arg3[%add3A_181, %dma_start3A_189] : memref<2048x2048xf32, #tpu.memory_space<hbm>> -> memref<8x2048xf32, #tpu.memory_space<hbm>>
    %dma_start3A_191 = arith.constant 0 : i32
    %dma_start3A_192 = arith.constant 0 : i32
    %dma_start3A_193 = tpu.memref_slice %arg5[%dma_start3A_182, %dma_start3A_191, %dma_start3A_192] : memref<2x8x2048xf32, #tpu.memory_space<vmem>> -> memref<1x8x2048xf32, #tpu.memory_space<vmem>>
    %dma_start3A_194 = tpu.memref_squeeze %dma_start3A_193 : memref<1x8x2048xf32, #tpu.memory_space<vmem>> -> memref<8x2048xf32, #tpu.memory_space<vmem>>
    tpu.enqueue_dma source(%dma_start3A_194 : memref<8x2048xf32, #tpu.memory_space<vmem>>) target(%dma_start3A_190 : memref<8x2048xf32, #tpu.memory_space<hbm>>) target_semaphore(%arg6 : memref<!tpu.dma_semaphore, #tpu.memory_space<semaphore_mem>>)
    %mul3A_195 = arith.constant 8 : i32
    %mul3A_196 = arith.muli %add3A, %mul3A_195 : i32
    %add3A_197 = arith.constant 5 : i32
    %add3A_198 = arith.addi %mul3A_196, %add3A_197 : i32
    %shift_right_arithmetic3A_199 = arith.constant 4 : i32
    %shift_right_arithmetic3A_200 = arith.shrsi %add3A_198, %shift_right_arithmetic3A_199 : i32
    %and3A_201 = arith.constant 15 : i32
    %and3A_202 = arith.andi %add3A_198, %and3A_201 : i32
    %scan3A_203 = arith.constant 0 : i32
    %scan3A_204 = arith.constant 0 : i32
    %scan3A_205 = arith.constant 128 : i32
    %scan3A_206 = arith.addi %scan3A_204, %scan3A_205 : i32
    %scan3A_207 = arith.constant 2 : i32
    %scan3A_208 = scf.for %scan3A_356 = %scan3A_204 to %scan3A_206 step %scan3A_207 iter_args(%scan3A_357 = %scan3A_203) -> (i32)  : i32 {
      %mul3A_358 = arith.constant 16 : i32
      %mul3A_359 = arith.muli %scan3A_356, %mul3A_358 : i32
      %add3A_360 = vector.broadcast %mul3A_359 : i32 to vector<16xi32>
      %add3A_361 = arith.addi %add3A_360, %iota3A : vector<16xi32>
      %shift_right_arithmetic3A_362 = arith.constant 3 : i32
      %shift_right_arithmetic3A_363 = vector.broadcast %shift_right_arithmetic3A_362 : i32 to vector<16xi32>
      %shift_right_arithmetic3A_364 = arith.shrsi %add3A_361, %shift_right_arithmetic3A_363 : vector<16xi32>
      %shift_right_arithmetic3A_365 = arith.constant 4 : i32
      %shift_right_arithmetic3A_366 = vector.broadcast %shift_right_arithmetic3A_365 : i32 to vector<16xi32>
      %shift_right_arithmetic3A_367 = arith.shrsi %shift_right_arithmetic3A_364, %shift_right_arithmetic3A_366 : vector<16xi32>
      %and3A_368 = arith.constant 15 : i32
      %and3A_369 = vector.broadcast %and3A_368 : i32 to vector<16xi32>
      %and3A_370 = arith.andi %shift_right_arithmetic3A_364, %and3A_369 : vector<16xi32>
      %sub3A = vector.broadcast %shift_right_arithmetic3A_200 : i32 to vector<16xi32>
      %sub3A_371 = arith.subi %sub3A, %shift_right_arithmetic3A_367 : vector<16xi32>
      %add3A_372 = arith.constant 15 : i32
      %add3A_373 = vector.broadcast %add3A_372 : i32 to vector<16xi32>
      %add3A_374 = arith.addi %sub3A_371, %add3A_373 : vector<16xi32>
      %mul3A_375 = arith.constant 31 : i32
      %mul3A_376 = vector.broadcast %mul3A_375 : i32 to vector<16xi32>
      %mul3A_377 = arith.muli %add3A_374, %mul3A_376 : vector<16xi32>
      %sub3A_378 = vector.broadcast %and3A_202 : i32 to vector<16xi32>
      %sub3A_379 = arith.subi %sub3A_378, %and3A_370 : vector<16xi32>
      %add3A_380 = arith.constant 15 : i32
      %add3A_381 = vector.broadcast %add3A_380 : i32 to vector<16xi32>
      %add3A_382 = arith.addi %sub3A_379, %add3A_381 : vector<16xi32>
      %add3A_383 = arith.addi %mul3A_377, %add3A_382 : vector<16xi32>
      %gather3A = tpu.vector_load_idx %arg4[%add3A_383] : memref<976xf32, #tpu.memory_space<vmem>>[vector<16xi32>], vector<16xf32>,
      %mul3A_384 = arith.constant 16 : i32
      %mul3A_385 = arith.muli %scan3A_356, %mul3A_384 : i32
      %swap3A = arith.constant 1 : i32
      %swap3A_386 = arith.constant 0 : i32
      %swap3A_387 = arith.index_cast %swap3A : i32 to index
      %swap3A_388 = arith.index_cast %swap3A_386 : i32 to index
      %swap3A_389 = arith.index_cast %mul3A_385 : i32 to index
      %swap3A_390 = tpu.vector_load %arg5[%swap3A_387, %swap3A_388, %swap3A_389] {strides = array<i32>} : memref<2x8x2048xf32, #tpu.memory_space<vmem>>, vector<16xf32>,
      tpu.vector_store %arg5[%swap3A_387, %swap3A_388, %swap3A_389], %gather3A {strides = array<i32>} : memref<2x8x2048xf32, #tpu.memory_space<vmem>>, vector<16xf32>,
      %mul3A_391 = arith.constant 16 : i32
      %mul3A_392 = arith.muli %scan3A_356, %mul3A_391 : i32
      %swap3A_393 = arith.constant 1 : i32
      %swap3A_394 = arith.constant 1 : i32
      %swap3A_395 = arith.index_cast %swap3A_393 : i32 to index
      %swap3A_396 = arith.index_cast %swap3A_394 : i32 to index
      %swap3A_397 = arith.index_cast %mul3A_392 : i32 to index
      %swap3A_398 = tpu.vector_load %arg5[%swap3A_395, %swap3A_396, %swap3A_397] {strides = array<i32>} : memref<2x8x2048xf32, #tpu.memory_space<vmem>>, vector<16xf32>,
      tpu.vector_store %arg5[%swap3A_395, %swap3A_396, %swap3A_397], %gather3A {strides = array<i32>} : memref<2x8x2048xf32, #tpu.memory_space<vmem>>, vector<16xf32>,
      %mul3A_399 = arith.constant 16 : i32
      %mul3A_400 = arith.muli %scan3A_356, %mul3A_399 : i32
      %swap3A_401 = arith.constant 1 : i32
      %swap3A_402 = arith.constant 2 : i32
      %swap3A_403 = arith.index_cast %swap3A_401 : i32 to index
      %swap3A_404 = arith.index_cast %swap3A_402 : i32 to index
      %swap3A_405 = arith.index_cast %mul3A_400 : i32 to index
      %swap3A_406 = tpu.vector_load %arg5[%swap3A_403, %swap3A_404, %swap3A_405] {strides = array<i32>} : memref<2x8x2048xf32, #tpu.memory_space<vmem>>, vector<16xf32>,
      tpu.vector_store %arg5[%swap3A_403, %swap3A_404, %swap3A_405], %gather3A {strides = array<i32>} : memref<2x8x2048xf32, #tpu.memory_space<vmem>>, vector<16xf32>,
      %mul3A_407 = arith.constant 16 : i32
      %mul3A_408 = arith.muli %scan3A_356, %mul3A_407 : i32
      %swap3A_409 = arith.constant 1 : i32
      %swap3A_410 = arith.constant 3 : i32
      %swap3A_411 = arith.index_cast %swap3A_409 : i32 to index
      %swap3A_412 = arith.index_cast %swap3A_410 : i32 to index
      %swap3A_413 = arith.index_cast %mul3A_408 : i32 to index
      %swap3A_414 = tpu.vector_load %arg5[%swap3A_411, %swap3A_412, %swap3A_413] {strides = array<i32>} : memref<2x8x2048xf32, #tpu.memory_space<vmem>>, vector<16xf32>,
      tpu.vector_store %arg5[%swap3A_411, %swap3A_412, %swap3A_413], %gather3A {strides = array<i32>} : memref<2x8x2048xf32, #tpu.memory_space<vmem>>, vector<16xf32>,
      %mul3A_415 = arith.constant 16 : i32
      %mul3A_416 = arith.muli %scan3A_356, %mul3A_415 : i32
      %swap3A_417 = arith.constant 1 : i32
      %swap3A_418 = arith.constant 4 : i32
      %swap3A_419 = arith.index_cast %swap3A_417 : i32 to index
      %swap3A_420 = arith.index_cast %swap3A_418 : i32 to index
      %swap3A_421 = arith.index_cast %mul3A_416 : i32 to index
      %swap3A_422 = tpu.vector_load %arg5[%swap3A_419, %swap3A_420, %swap3A_421] {strides = array<i32>} : memref<2x8x2048xf32, #tpu.memory_space<vmem>>, vector<16xf32>,
      tpu.vector_store %arg5[%swap3A_419, %swap3A_420, %swap3A_421], %gather3A {strides = array<i32>} : memref<2x8x2048xf32, #tpu.memory_space<vmem>>, vector<16xf32>,
      %mul3A_423 = arith.constant 16 : i32
      %mul3A_424 = arith.muli %scan3A_356, %mul3A_423 : i32
      %swap3A_425 = arith.constant 1 : i32
      %swap3A_426 = arith.constant 5 : i32
      %swap3A_427 = arith.index_cast %swap3A_425 : i32 to index
      %swap3A_428 = arith.index_cast %swap3A_426 : i32 to index
      %swap3A_429 = arith.index_cast %mul3A_424 : i32 to index
      %swap3A_430 = tpu.vector_load %arg5[%swap3A_427, %swap3A_428, %swap3A_429] {strides = array<i32>} : memref<2x8x2048xf32, #tpu.memory_space<vmem>>, vector<16xf32>,
      tpu.vector_store %arg5[%swap3A_427, %swap3A_428, %swap3A_429], %gather3A {strides = array<i32>} : memref<2x8x2048xf32, #tpu.memory_space<vmem>>, vector<16xf32>,
      %mul3A_431 = arith.constant 16 : i32
      %mul3A_432 = arith.muli %scan3A_356, %mul3A_431 : i32
      %swap3A_433 = arith.constant 1 : i32
      %swap3A_434 = arith.constant 6 : i32
      %swap3A_435 = arith.index_cast %swap3A_433 : i32 to index
      %swap3A_436 = arith.index_cast %swap3A_434 : i32 to index
      %swap3A_437 = arith.index_cast %mul3A_432 : i32 to index
      %swap3A_438 = tpu.vector_load %arg5[%swap3A_435, %swap3A_436, %swap3A_437] {strides = array<i32>} : memref<2x8x2048xf32, #tpu.memory_space<vmem>>, vector<16xf32>,
      tpu.vector_store %arg5[%swap3A_435, %swap3A_436, %swap3A_437], %gather3A {strides = array<i32>} : memref<2x8x2048xf32, #tpu.memory_space<vmem>>, vector<16xf32>,
      %mul3A_439 = arith.constant 16 : i32
      %mul3A_440 = arith.muli %scan3A_356, %mul3A_439 : i32
      %swap3A_441 = arith.constant 1 : i32
      %swap3A_442 = arith.constant 7 : i32
      %swap3A_443 = arith.index_cast %swap3A_441 : i32 to index
      %swap3A_444 = arith.index_cast %swap3A_442 : i32 to index
      %swap3A_445 = arith.index_cast %mul3A_440 : i32 to index
      %swap3A_446 = tpu.vector_load %arg5[%swap3A_443, %swap3A_444, %swap3A_445] {strides = array<i32>} : memref<2x8x2048xf32, #tpu.memory_space<vmem>>, vector<16xf32>,
      tpu.vector_store %arg5[%swap3A_443, %swap3A_444, %swap3A_445], %gather3A {strides = array<i32>} : memref<2x8x2048xf32, #tpu.memory_space<vmem>>, vector<16xf32>,
      %scan3A_447 = arith.constant 0 : i32
      %scan3A_448 = arith.constant 1 : i32
      %scan3A_449 = arith.addi %scan3A_356, %scan3A_448 : i32
      %mul3A_450 = arith.constant 16 : i32
      %mul3A_451 = arith.muli %scan3A_449, %mul3A_450 : i32
      %add3A_452 = vector.broadcast %mul3A_451 : i32 to vector<16xi32>
      %add3A_453 = arith.addi %add3A_452, %iota3A : vector<16xi32>
      %shift_right_arithmetic3A_454 = arith.constant 3 : i32
      %shift_right_arithmetic3A_455 = vector.broadcast %shift_right_arithmetic3A_454 : i32 to vector<16xi32>
      %shift_right_arithmetic3A_456 = arith.shrsi %add3A_453, %shift_right_arithmetic3A_455 : vector<16xi32>
      %shift_right_arithmetic3A_457 = arith.constant 4 : i32
      %shift_right_arithmetic3A_458 = vector.broadcast %shift_right_arithmetic3A_457 : i32 to vector<16xi32>
      %shift_right_arithmetic3A_459 = arith.shrsi %shift_right_arithmetic3A_456, %shift_right_arithmetic3A_458 : vector<16xi32>
      %and3A_460 = arith.constant 15 : i32
      %and3A_461 = vector.broadcast %and3A_460 : i32 to vector<16xi32>
      %and3A_462 = arith.andi %shift_right_arithmetic3A_456, %and3A_461 : vector<16xi32>
      %sub3A_463 = vector.broadcast %shift_right_arithmetic3A_200 : i32 to vector<16xi32>
      %sub3A_464 = arith.subi %sub3A_463, %shift_right_arithmetic3A_459 : vector<16xi32>
      %add3A_465 = arith.constant 15 : i32
      %add3A_466 = vector.broadcast %add3A_465 : i32 to vector<16xi32>
      %add3A_467 = arith.addi %sub3A_464, %add3A_466 : vector<16xi32>
      %mul3A_468 = arith.constant 31 : i32
      %mul3A_469 = vector.broadcast %mul3A_468 : i32 to vector<16xi32>
      %mul3A_470 = arith.muli %add3A_467, %mul3A_469 : vector<16xi32>
      %sub3A_471 = vector.broadcast %and3A_202 : i32 to vector<16xi32>
      %sub3A_472 = arith.subi %sub3A_471, %and3A_462 : vector<16xi32>
      %add3A_473 = arith.constant 15 : i32
      %add3A_474 = vector.broadcast %add3A_473 : i32 to vector<16xi32>
      %add3A_475 = arith.addi %sub3A_472, %add3A_474 : vector<16xi32>
      %add3A_476 = arith.addi %mul3A_470, %add3A_475 : vector<16xi32>
      %gather3A_477 = tpu.vector_load_idx %arg4[%add3A_476] : memref<976xf32, #tpu.memory_space<vmem>>[vector<16xi32>], vector<16xf32>,
      %mul3A_478 = arith.constant 16 : i32
      %mul3A_479 = arith.muli %scan3A_449, %mul3A_478 : i32
      %swap3A_480 = arith.constant 1 : i32
      %swap3A_481 = arith.constant 0 : i32
      %swap3A_482 = arith.index_cast %swap3A_480 : i32 to index
      %swap3A_483 = arith.index_cast %swap3A_481 : i32 to index
      %swap3A_484 = arith.index_cast %mul3A_479 : i32 to index
      %swap3A_485 = tpu.vector_load %arg5[%swap3A_482, %swap3A_483, %swap3A_484] {strides = array<i32>} : memref<2x8x2048xf32, #tpu.memory_space<vmem>>, vector<16xf32>,
      tpu.vector_store %arg5[%swap3A_482, %swap3A_483, %swap3A_484], %gather3A_477 {strides = array<i32>} : memref<2x8x2048xf32, #tpu.memory_space<vmem>>, vector<16xf32>,
      %mul3A_486 = arith.constant 16 : i32
      %mul3A_487 = arith.muli %scan3A_449, %mul3A_486 : i32
      %swap3A_488 = arith.constant 1 : i32
      %swap3A_489 = arith.constant 1 : i32
      %swap3A_490 = arith.index_cast %swap3A_488 : i32 to index
      %swap3A_491 = arith.index_cast %swap3A_489 : i32 to index
      %swap3A_492 = arith.index_cast %mul3A_487 : i32 to index
      %swap3A_493 = tpu.vector_load %arg5[%swap3A_490, %swap3A_491, %swap3A_492] {strides = array<i32>} : memref<2x8x2048xf32, #tpu.memory_space<vmem>>, vector<16xf32>,
      tpu.vector_store %arg5[%swap3A_490, %swap3A_491, %swap3A_492], %gather3A_477 {strides = array<i32>} : memref<2x8x2048xf32, #tpu.memory_space<vmem>>, vector<16xf32>,
      %mul3A_494 = arith.constant 16 : i32
      %mul3A_495 = arith.muli %scan3A_449, %mul3A_494 : i32
      %swap3A_496 = arith.constant 1 : i32
      %swap3A_497 = arith.constant 2 : i32
      %swap3A_498 = arith.index_cast %swap3A_496 : i32 to index
      %swap3A_499 = arith.index_cast %swap3A_497 : i32 to index
      %swap3A_500 = arith.index_cast %mul3A_495 : i32 to index
      %swap3A_501 = tpu.vector_load %arg5[%swap3A_498, %swap3A_499, %swap3A_500] {strides = array<i32>} : memref<2x8x2048xf32, #tpu.memory_space<vmem>>, vector<16xf32>,
      tpu.vector_store %arg5[%swap3A_498, %swap3A_499, %swap3A_500], %gather3A_477 {strides = array<i32>} : memref<2x8x2048xf32, #tpu.memory_space<vmem>>, vector<16xf32>,
      %mul3A_502 = arith.constant 16 : i32
      %mul3A_503 = arith.muli %scan3A_449, %mul3A_502 : i32
      %swap3A_504 = arith.constant 1 : i32
      %swap3A_505 = arith.constant 3 : i32
      %swap3A_506 = arith.index_cast %swap3A_504 : i32 to index
      %swap3A_507 = arith.index_cast %swap3A_505 : i32 to index
      %swap3A_508 = arith.index_cast %mul3A_503 : i32 to index
      %swap3A_509 = tpu.vector_load %arg5[%swap3A_506, %swap3A_507, %swap3A_508] {strides = array<i32>} : memref<2x8x2048xf32, #tpu.memory_space<vmem>>, vector<16xf32>,
      tpu.vector_store %arg5[%swap3A_506, %swap3A_507, %swap3A_508], %gather3A_477 {strides = array<i32>} : memref<2x8x2048xf32, #tpu.memory_space<vmem>>, vector<16xf32>,
      %mul3A_510 = arith.constant 16 : i32
      %mul3A_511 = arith.muli %scan3A_449, %mul3A_510 : i32
      %swap3A_512 = arith.constant 1 : i32
      %swap3A_513 = arith.constant 4 : i32
      %swap3A_514 = arith.index_cast %swap3A_512 : i32 to index
      %swap3A_515 = arith.index_cast %swap3A_513 : i32 to index
      %swap3A_516 = arith.index_cast %mul3A_511 : i32 to index
      %swap3A_517 = tpu.vector_load %arg5[%swap3A_514, %swap3A_515, %swap3A_516] {strides = array<i32>} : memref<2x8x2048xf32, #tpu.memory_space<vmem>>, vector<16xf32>,
      tpu.vector_store %arg5[%swap3A_514, %swap3A_515, %swap3A_516], %gather3A_477 {strides = array<i32>} : memref<2x8x2048xf32, #tpu.memory_space<vmem>>, vector<16xf32>,
      %mul3A_518 = arith.constant 16 : i32
      %mul3A_519 = arith.muli %scan3A_449, %mul3A_518 : i32
      %swap3A_520 = arith.constant 1 : i32
      %swap3A_521 = arith.constant 5 : i32
      %swap3A_522 = arith.index_cast %swap3A_520 : i32 to index
      %swap3A_523 = arith.index_cast %swap3A_521 : i32 to index
      %swap3A_524 = arith.index_cast %mul3A_519 : i32 to index
      %swap3A_525 = tpu.vector_load %arg5[%swap3A_522, %swap3A_523, %swap3A_524] {strides = array<i32>} : memref<2x8x2048xf32, #tpu.memory_space<vmem>>, vector<16xf32>,
      tpu.vector_store %arg5[%swap3A_522, %swap3A_523, %swap3A_524], %gather3A_477 {strides = array<i32>} : memref<2x8x2048xf32, #tpu.memory_space<vmem>>, vector<16xf32>,
      %mul3A_526 = arith.constant 16 : i32
      %mul3A_527 = arith.muli %scan3A_449, %mul3A_526 : i32
      %swap3A_528 = arith.constant 1 : i32
      %swap3A_529 = arith.constant 6 : i32
      %swap3A_530 = arith.index_cast %swap3A_528 : i32 to index
      %swap3A_531 = arith.index_cast %swap3A_529 : i32 to index
      %swap3A_532 = arith.index_cast %mul3A_527 : i32 to index
      %swap3A_533 = tpu.vector_load %arg5[%swap3A_530, %swap3A_531, %swap3A_532] {strides = array<i32>} : memref<2x8x2048xf32, #tpu.memory_space<vmem>>, vector<16xf32>,
      tpu.vector_store %arg5[%swap3A_530, %swap3A_531, %swap3A_532], %gather3A_477 {strides = array<i32>} : memref<2x8x2048xf32, #tpu.memory_space<vmem>>, vector<16xf32>,
      %mul3A_534 = arith.constant 16 : i32
      %mul3A_535 = arith.muli %scan3A_449, %mul3A_534 : i32
      %swap3A_536 = arith.constant 1 : i32
      %swap3A_537 = arith.constant 7 : i32
      %swap3A_538 = arith.index_cast %swap3A_536 : i32 to index
      %swap3A_539 = arith.index_cast %swap3A_537 : i32 to index
      %swap3A_540 = arith.index_cast %mul3A_535 : i32 to index
      %swap3A_541 = tpu.vector_load %arg5[%swap3A_538, %swap3A_539, %swap3A_540] {strides = array<i32>} : memref<2x8x2048xf32, #tpu.memory_space<vmem>>, vector<16xf32>,
      tpu.vector_store %arg5[%swap3A_538, %swap3A_539, %swap3A_540], %gather3A_477 {strides = array<i32>} : memref<2x8x2048xf32, #tpu.memory_space<vmem>>, vector<16xf32>,
      %scan3A_542 = arith.constant 0 : i32
      scf.yield %scan3A_542 : i32
    }
    %scan3A_209 = arith.constant 128 : i32
    %dma_wait3A_210 = arith.constant 1 : i32
    %dma_wait3A_211 = arith.constant 0 : i32
    %dma_wait3A_212 = arith.constant 0 : i32
    %dma_wait3A_213 = tpu.memref_slice %arg5[%dma_wait3A_210, %dma_wait3A_211, %dma_wait3A_212] : memref<2x8x2048xf32, #tpu.memory_space<vmem>> -> memref<1x8x2048xf32, #tpu.memory_space<vmem>>
    %dma_wait3A_214 = tpu.memref_squeeze %dma_wait3A_213 : memref<1x8x2048xf32, #tpu.memory_space<vmem>> -> memref<8x2048xf32, #tpu.memory_space<vmem>>
    %dma_wait3A_215 = arith.constant 0 : i32
    %dma_wait3A_216 = tpu.memref_slice %arg3[%add3A_136, %dma_wait3A_215] : memref<2048x2048xf32, #tpu.memory_space<hbm>> -> memref<8x2048xf32, #tpu.memory_space<hbm>>
    %dma_wait3A_217 = arith.constant 0 : i32
    %dma_wait3A_218 = tpu.memref_slice %arg3[%add3A_136, %dma_wait3A_217] : memref<2048x2048xf32, #tpu.memory_space<hbm>> -> memref<8x2048xf32, #tpu.memory_space<hbm>>
    %dma_wait3A_219 = arith.constant 0 : i32
    %dma_wait3A_220 = arith.constant 0 : i32
    %dma_wait3A_221 = tpu.memref_slice %arg5[%dma_wait3A_210, %dma_wait3A_219, %dma_wait3A_220] : memref<2x8x2048xf32, #tpu.memory_space<vmem>> -> memref<1x8x2048xf32, #tpu.memory_space<vmem>>
    %dma_wait3A_222 = tpu.memref_squeeze %dma_wait3A_221 : memref<1x8x2048xf32, #tpu.memory_space<vmem>> -> memref<8x2048xf32, #tpu.memory_space<vmem>>
    tpu.wait_dma2 semaphore(%arg6 : memref<!tpu.dma_semaphore, #tpu.memory_space<semaphore_mem>>) src(%dma_wait3A_222 : memref<8x2048xf32, #tpu.memory_space<vmem>>) dst(%dma_wait3A_218 : memref<8x2048xf32, #tpu.memory_space<hbm>>)
    %mul3A_223 = arith.constant 64 : i32
    %mul3A_224 = arith.muli %add3A, %mul3A_223 : i32
    %add3A_225 = arith.constant 40 : i32
    %add3A_226 = arith.addi %mul3A_224, %add3A_225 : i32
    %dma_start3A_227 = arith.constant 1 : i32
    %dma_start3A_228 = arith.constant 0 : i32
    %dma_start3A_229 = arith.constant 0 : i32
    %dma_start3A_230 = tpu.memref_slice %arg5[%dma_start3A_227, %dma_start3A_228, %dma_start3A_229] : memref<2x8x2048xf32, #tpu.memory_space<vmem>> -> memref<1x8x2048xf32, #tpu.memory_space<vmem>>
    %dma_start3A_231 = tpu.memref_squeeze %dma_start3A_230 : memref<1x8x2048xf32, #tpu.memory_space<vmem>> -> memref<8x2048xf32, #tpu.memory_space<vmem>>
    %dma_start3A_232 = arith.constant 0 : i32
    %dma_start3A_233 = tpu.memref_slice %arg3[%add3A_226, %dma_start3A_232] : memref<2048x2048xf32, #tpu.memory_space<hbm>> -> memref<8x2048xf32, #tpu.memory_space<hbm>>
    %dma_start3A_234 = arith.constant 0 : i32
    %dma_start3A_235 = tpu.memref_slice %arg3[%add3A_226, %dma_start3A_234] : memref<2048x2048xf32, #tpu.memory_space<hbm>> -> memref<8x2048xf32, #tpu.memory_space<hbm>>
    %dma_start3A_236 = arith.constant 0 : i32
    %dma_start3A_237 = arith.constant 0 : i32
    %dma_start3A_238 = tpu.memref_slice %arg5[%dma_start3A_227, %dma_start3A_236, %dma_start3A_237] : memref<2x8x2048xf32, #tpu.memory_space<vmem>> -> memref<1x8x2048xf32, #tpu.memory_space<vmem>>
    %dma_start3A_239 = tpu.memref_squeeze %dma_start3A_238 : memref<1x8x2048xf32, #tpu.memory_space<vmem>> -> memref<8x2048xf32, #tpu.memory_space<vmem>>
    tpu.enqueue_dma source(%dma_start3A_239 : memref<8x2048xf32, #tpu.memory_space<vmem>>) target(%dma_start3A_235 : memref<8x2048xf32, #tpu.memory_space<hbm>>) target_semaphore(%arg6 : memref<!tpu.dma_semaphore, #tpu.memory_space<semaphore_mem>>)
    %mul3A_240 = arith.constant 8 : i32
    %mul3A_241 = arith.muli %add3A, %mul3A_240 : i32
    %add3A_242 = arith.constant 6 : i32
    %add3A_243 = arith.addi %mul3A_241, %add3A_242 : i32
    %shift_right_arithmetic3A_244 = arith.constant 4 : i32
    %shift_right_arithmetic3A_245 = arith.shrsi %add3A_243, %shift_right_arithmetic3A_244 : i32
    %and3A_246 = arith.constant 15 : i32
    %and3A_247 = arith.andi %add3A_243, %and3A_246 : i32
    %scan3A_248 = arith.constant 0 : i32
    %scan3A_249 = arith.constant 0 : i32
    %scan3A_250 = arith.constant 128 : i32
    %scan3A_251 = arith.addi %scan3A_249, %scan3A_250 : i32
    %scan3A_252 = arith.constant 2 : i32
    %scan3A_253 = scf.for %scan3A_356 = %scan3A_249 to %scan3A_251 step %scan3A_252 iter_args(%scan3A_357 = %scan3A_248) -> (i32)  : i32 {
      %mul3A_358 = arith.constant 16 : i32
      %mul3A_359 = arith.muli %scan3A_356, %mul3A_358 : i32
      %add3A_360 = vector.broadcast %mul3A_359 : i32 to vector<16xi32>
      %add3A_361 = arith.addi %add3A_360, %iota3A : vector<16xi32>
      %shift_right_arithmetic3A_362 = arith.constant 3 : i32
      %shift_right_arithmetic3A_363 = vector.broadcast %shift_right_arithmetic3A_362 : i32 to vector<16xi32>
      %shift_right_arithmetic3A_364 = arith.shrsi %add3A_361, %shift_right_arithmetic3A_363 : vector<16xi32>
      %shift_right_arithmetic3A_365 = arith.constant 4 : i32
      %shift_right_arithmetic3A_366 = vector.broadcast %shift_right_arithmetic3A_365 : i32 to vector<16xi32>
      %shift_right_arithmetic3A_367 = arith.shrsi %shift_right_arithmetic3A_364, %shift_right_arithmetic3A_366 : vector<16xi32>
      %and3A_368 = arith.constant 15 : i32
      %and3A_369 = vector.broadcast %and3A_368 : i32 to vector<16xi32>
      %and3A_370 = arith.andi %shift_right_arithmetic3A_364, %and3A_369 : vector<16xi32>
      %sub3A = vector.broadcast %shift_right_arithmetic3A_245 : i32 to vector<16xi32>
      %sub3A_371 = arith.subi %sub3A, %shift_right_arithmetic3A_367 : vector<16xi32>
      %add3A_372 = arith.constant 15 : i32
      %add3A_373 = vector.broadcast %add3A_372 : i32 to vector<16xi32>
      %add3A_374 = arith.addi %sub3A_371, %add3A_373 : vector<16xi32>
      %mul3A_375 = arith.constant 31 : i32
      %mul3A_376 = vector.broadcast %mul3A_375 : i32 to vector<16xi32>
      %mul3A_377 = arith.muli %add3A_374, %mul3A_376 : vector<16xi32>
      %sub3A_378 = vector.broadcast %and3A_247 : i32 to vector<16xi32>
      %sub3A_379 = arith.subi %sub3A_378, %and3A_370 : vector<16xi32>
      %add3A_380 = arith.constant 15 : i32
      %add3A_381 = vector.broadcast %add3A_380 : i32 to vector<16xi32>
      %add3A_382 = arith.addi %sub3A_379, %add3A_381 : vector<16xi32>
      %add3A_383 = arith.addi %mul3A_377, %add3A_382 : vector<16xi32>
      %gather3A = tpu.vector_load_idx %arg4[%add3A_383] : memref<976xf32, #tpu.memory_space<vmem>>[vector<16xi32>], vector<16xf32>,
      %mul3A_384 = arith.constant 16 : i32
      %mul3A_385 = arith.muli %scan3A_356, %mul3A_384 : i32
      %swap3A = arith.constant 0 : i32
      %swap3A_386 = arith.constant 0 : i32
      %swap3A_387 = arith.index_cast %swap3A : i32 to index
      %swap3A_388 = arith.index_cast %swap3A_386 : i32 to index
      %swap3A_389 = arith.index_cast %mul3A_385 : i32 to index
      %swap3A_390 = tpu.vector_load %arg5[%swap3A_387, %swap3A_388, %swap3A_389] {strides = array<i32>} : memref<2x8x2048xf32, #tpu.memory_space<vmem>>, vector<16xf32>,
      tpu.vector_store %arg5[%swap3A_387, %swap3A_388, %swap3A_389], %gather3A {strides = array<i32>} : memref<2x8x2048xf32, #tpu.memory_space<vmem>>, vector<16xf32>,
      %mul3A_391 = arith.constant 16 : i32
      %mul3A_392 = arith.muli %scan3A_356, %mul3A_391 : i32
      %swap3A_393 = arith.constant 0 : i32
      %swap3A_394 = arith.constant 1 : i32
      %swap3A_395 = arith.index_cast %swap3A_393 : i32 to index
      %swap3A_396 = arith.index_cast %swap3A_394 : i32 to index
      %swap3A_397 = arith.index_cast %mul3A_392 : i32 to index
      %swap3A_398 = tpu.vector_load %arg5[%swap3A_395, %swap3A_396, %swap3A_397] {strides = array<i32>} : memref<2x8x2048xf32, #tpu.memory_space<vmem>>, vector<16xf32>,
      tpu.vector_store %arg5[%swap3A_395, %swap3A_396, %swap3A_397], %gather3A {strides = array<i32>} : memref<2x8x2048xf32, #tpu.memory_space<vmem>>, vector<16xf32>,
      %mul3A_399 = arith.constant 16 : i32
      %mul3A_400 = arith.muli %scan3A_356, %mul3A_399 : i32
      %swap3A_401 = arith.constant 0 : i32
      %swap3A_402 = arith.constant 2 : i32
      %swap3A_403 = arith.index_cast %swap3A_401 : i32 to index
      %swap3A_404 = arith.index_cast %swap3A_402 : i32 to index
      %swap3A_405 = arith.index_cast %mul3A_400 : i32 to index
      %swap3A_406 = tpu.vector_load %arg5[%swap3A_403, %swap3A_404, %swap3A_405] {strides = array<i32>} : memref<2x8x2048xf32, #tpu.memory_space<vmem>>, vector<16xf32>,
      tpu.vector_store %arg5[%swap3A_403, %swap3A_404, %swap3A_405], %gather3A {strides = array<i32>} : memref<2x8x2048xf32, #tpu.memory_space<vmem>>, vector<16xf32>,
      %mul3A_407 = arith.constant 16 : i32
      %mul3A_408 = arith.muli %scan3A_356, %mul3A_407 : i32
      %swap3A_409 = arith.constant 0 : i32
      %swap3A_410 = arith.constant 3 : i32
      %swap3A_411 = arith.index_cast %swap3A_409 : i32 to index
      %swap3A_412 = arith.index_cast %swap3A_410 : i32 to index
      %swap3A_413 = arith.index_cast %mul3A_408 : i32 to index
      %swap3A_414 = tpu.vector_load %arg5[%swap3A_411, %swap3A_412, %swap3A_413] {strides = array<i32>} : memref<2x8x2048xf32, #tpu.memory_space<vmem>>, vector<16xf32>,
      tpu.vector_store %arg5[%swap3A_411, %swap3A_412, %swap3A_413], %gather3A {strides = array<i32>} : memref<2x8x2048xf32, #tpu.memory_space<vmem>>, vector<16xf32>,
      %mul3A_415 = arith.constant 16 : i32
      %mul3A_416 = arith.muli %scan3A_356, %mul3A_415 : i32
      %swap3A_417 = arith.constant 0 : i32
      %swap3A_418 = arith.constant 4 : i32
      %swap3A_419 = arith.index_cast %swap3A_417 : i32 to index
      %swap3A_420 = arith.index_cast %swap3A_418 : i32 to index
      %swap3A_421 = arith.index_cast %mul3A_416 : i32 to index
      %swap3A_422 = tpu.vector_load %arg5[%swap3A_419, %swap3A_420, %swap3A_421] {strides = array<i32>} : memref<2x8x2048xf32, #tpu.memory_space<vmem>>, vector<16xf32>,
      tpu.vector_store %arg5[%swap3A_419, %swap3A_420, %swap3A_421], %gather3A {strides = array<i32>} : memref<2x8x2048xf32, #tpu.memory_space<vmem>>, vector<16xf32>,
      %mul3A_423 = arith.constant 16 : i32
      %mul3A_424 = arith.muli %scan3A_356, %mul3A_423 : i32
      %swap3A_425 = arith.constant 0 : i32
      %swap3A_426 = arith.constant 5 : i32
      %swap3A_427 = arith.index_cast %swap3A_425 : i32 to index
      %swap3A_428 = arith.index_cast %swap3A_426 : i32 to index
      %swap3A_429 = arith.index_cast %mul3A_424 : i32 to index
      %swap3A_430 = tpu.vector_load %arg5[%swap3A_427, %swap3A_428, %swap3A_429] {strides = array<i32>} : memref<2x8x2048xf32, #tpu.memory_space<vmem>>, vector<16xf32>,
      tpu.vector_store %arg5[%swap3A_427, %swap3A_428, %swap3A_429], %gather3A {strides = array<i32>} : memref<2x8x2048xf32, #tpu.memory_space<vmem>>, vector<16xf32>,
      %mul3A_431 = arith.constant 16 : i32
      %mul3A_432 = arith.muli %scan3A_356, %mul3A_431 : i32
      %swap3A_433 = arith.constant 0 : i32
      %swap3A_434 = arith.constant 6 : i32
      %swap3A_435 = arith.index_cast %swap3A_433 : i32 to index
      %swap3A_436 = arith.index_cast %swap3A_434 : i32 to index
      %swap3A_437 = arith.index_cast %mul3A_432 : i32 to index
      %swap3A_438 = tpu.vector_load %arg5[%swap3A_435, %swap3A_436, %swap3A_437] {strides = array<i32>} : memref<2x8x2048xf32, #tpu.memory_space<vmem>>, vector<16xf32>,
      tpu.vector_store %arg5[%swap3A_435, %swap3A_436, %swap3A_437], %gather3A {strides = array<i32>} : memref<2x8x2048xf32, #tpu.memory_space<vmem>>, vector<16xf32>,
      %mul3A_439 = arith.constant 16 : i32
      %mul3A_440 = arith.muli %scan3A_356, %mul3A_439 : i32
      %swap3A_441 = arith.constant 0 : i32
      %swap3A_442 = arith.constant 7 : i32
      %swap3A_443 = arith.index_cast %swap3A_441 : i32 to index
      %swap3A_444 = arith.index_cast %swap3A_442 : i32 to index
      %swap3A_445 = arith.index_cast %mul3A_440 : i32 to index
      %swap3A_446 = tpu.vector_load %arg5[%swap3A_443, %swap3A_444, %swap3A_445] {strides = array<i32>} : memref<2x8x2048xf32, #tpu.memory_space<vmem>>, vector<16xf32>,
      tpu.vector_store %arg5[%swap3A_443, %swap3A_444, %swap3A_445], %gather3A {strides = array<i32>} : memref<2x8x2048xf32, #tpu.memory_space<vmem>>, vector<16xf32>,
      %scan3A_447 = arith.constant 0 : i32
      %scan3A_448 = arith.constant 1 : i32
      %scan3A_449 = arith.addi %scan3A_356, %scan3A_448 : i32
      %mul3A_450 = arith.constant 16 : i32
      %mul3A_451 = arith.muli %scan3A_449, %mul3A_450 : i32
      %add3A_452 = vector.broadcast %mul3A_451 : i32 to vector<16xi32>
      %add3A_453 = arith.addi %add3A_452, %iota3A : vector<16xi32>
      %shift_right_arithmetic3A_454 = arith.constant 3 : i32
      %shift_right_arithmetic3A_455 = vector.broadcast %shift_right_arithmetic3A_454 : i32 to vector<16xi32>
      %shift_right_arithmetic3A_456 = arith.shrsi %add3A_453, %shift_right_arithmetic3A_455 : vector<16xi32>
      %shift_right_arithmetic3A_457 = arith.constant 4 : i32
      %shift_right_arithmetic3A_458 = vector.broadcast %shift_right_arithmetic3A_457 : i32 to vector<16xi32>
      %shift_right_arithmetic3A_459 = arith.shrsi %shift_right_arithmetic3A_456, %shift_right_arithmetic3A_458 : vector<16xi32>
      %and3A_460 = arith.constant 15 : i32
      %and3A_461 = vector.broadcast %and3A_460 : i32 to vector<16xi32>
      %and3A_462 = arith.andi %shift_right_arithmetic3A_456, %and3A_461 : vector<16xi32>
      %sub3A_463 = vector.broadcast %shift_right_arithmetic3A_245 : i32 to vector<16xi32>
      %sub3A_464 = arith.subi %sub3A_463, %shift_right_arithmetic3A_459 : vector<16xi32>
      %add3A_465 = arith.constant 15 : i32
      %add3A_466 = vector.broadcast %add3A_465 : i32 to vector<16xi32>
      %add3A_467 = arith.addi %sub3A_464, %add3A_466 : vector<16xi32>
      %mul3A_468 = arith.constant 31 : i32
      %mul3A_469 = vector.broadcast %mul3A_468 : i32 to vector<16xi32>
      %mul3A_470 = arith.muli %add3A_467, %mul3A_469 : vector<16xi32>
      %sub3A_471 = vector.broadcast %and3A_247 : i32 to vector<16xi32>
      %sub3A_472 = arith.subi %sub3A_471, %and3A_462 : vector<16xi32>
      %add3A_473 = arith.constant 15 : i32
      %add3A_474 = vector.broadcast %add3A_473 : i32 to vector<16xi32>
      %add3A_475 = arith.addi %sub3A_472, %add3A_474 : vector<16xi32>
      %add3A_476 = arith.addi %mul3A_470, %add3A_475 : vector<16xi32>
      %gather3A_477 = tpu.vector_load_idx %arg4[%add3A_476] : memref<976xf32, #tpu.memory_space<vmem>>[vector<16xi32>], vector<16xf32>,
      %mul3A_478 = arith.constant 16 : i32
      %mul3A_479 = arith.muli %scan3A_449, %mul3A_478 : i32
      %swap3A_480 = arith.constant 0 : i32
      %swap3A_481 = arith.constant 0 : i32
      %swap3A_482 = arith.index_cast %swap3A_480 : i32 to index
      %swap3A_483 = arith.index_cast %swap3A_481 : i32 to index
      %swap3A_484 = arith.index_cast %mul3A_479 : i32 to index
      %swap3A_485 = tpu.vector_load %arg5[%swap3A_482, %swap3A_483, %swap3A_484] {strides = array<i32>} : memref<2x8x2048xf32, #tpu.memory_space<vmem>>, vector<16xf32>,
      tpu.vector_store %arg5[%swap3A_482, %swap3A_483, %swap3A_484], %gather3A_477 {strides = array<i32>} : memref<2x8x2048xf32, #tpu.memory_space<vmem>>, vector<16xf32>,
      %mul3A_486 = arith.constant 16 : i32
      %mul3A_487 = arith.muli %scan3A_449, %mul3A_486 : i32
      %swap3A_488 = arith.constant 0 : i32
      %swap3A_489 = arith.constant 1 : i32
      %swap3A_490 = arith.index_cast %swap3A_488 : i32 to index
      %swap3A_491 = arith.index_cast %swap3A_489 : i32 to index
      %swap3A_492 = arith.index_cast %mul3A_487 : i32 to index
      %swap3A_493 = tpu.vector_load %arg5[%swap3A_490, %swap3A_491, %swap3A_492] {strides = array<i32>} : memref<2x8x2048xf32, #tpu.memory_space<vmem>>, vector<16xf32>,
      tpu.vector_store %arg5[%swap3A_490, %swap3A_491, %swap3A_492], %gather3A_477 {strides = array<i32>} : memref<2x8x2048xf32, #tpu.memory_space<vmem>>, vector<16xf32>,
      %mul3A_494 = arith.constant 16 : i32
      %mul3A_495 = arith.muli %scan3A_449, %mul3A_494 : i32
      %swap3A_496 = arith.constant 0 : i32
      %swap3A_497 = arith.constant 2 : i32
      %swap3A_498 = arith.index_cast %swap3A_496 : i32 to index
      %swap3A_499 = arith.index_cast %swap3A_497 : i32 to index
      %swap3A_500 = arith.index_cast %mul3A_495 : i32 to index
      %swap3A_501 = tpu.vector_load %arg5[%swap3A_498, %swap3A_499, %swap3A_500] {strides = array<i32>} : memref<2x8x2048xf32, #tpu.memory_space<vmem>>, vector<16xf32>,
      tpu.vector_store %arg5[%swap3A_498, %swap3A_499, %swap3A_500], %gather3A_477 {strides = array<i32>} : memref<2x8x2048xf32, #tpu.memory_space<vmem>>, vector<16xf32>,
      %mul3A_502 = arith.constant 16 : i32
      %mul3A_503 = arith.muli %scan3A_449, %mul3A_502 : i32
      %swap3A_504 = arith.constant 0 : i32
      %swap3A_505 = arith.constant 3 : i32
      %swap3A_506 = arith.index_cast %swap3A_504 : i32 to index
      %swap3A_507 = arith.index_cast %swap3A_505 : i32 to index
      %swap3A_508 = arith.index_cast %mul3A_503 : i32 to index
      %swap3A_509 = tpu.vector_load %arg5[%swap3A_506, %swap3A_507, %swap3A_508] {strides = array<i32>} : memref<2x8x2048xf32, #tpu.memory_space<vmem>>, vector<16xf32>,
      tpu.vector_store %arg5[%swap3A_506, %swap3A_507, %swap3A_508], %gather3A_477 {strides = array<i32>} : memref<2x8x2048xf32, #tpu.memory_space<vmem>>, vector<16xf32>,
      %mul3A_510 = arith.constant 16 : i32
      %mul3A_511 = arith.muli %scan3A_449, %mul3A_510 : i32
      %swap3A_512 = arith.constant 0 : i32
      %swap3A_513 = arith.constant 4 : i32
      %swap3A_514 = arith.index_cast %swap3A_512 : i32 to index
      %swap3A_515 = arith.index_cast %swap3A_513 : i32 to index
      %swap3A_516 = arith.index_cast %mul3A_511 : i32 to index
      %swap3A_517 = tpu.vector_load %arg5[%swap3A_514, %swap3A_515, %swap3A_516] {strides = array<i32>} : memref<2x8x2048xf32, #tpu.memory_space<vmem>>, vector<16xf32>,
      tpu.vector_store %arg5[%swap3A_514, %swap3A_515, %swap3A_516], %gather3A_477 {strides = array<i32>} : memref<2x8x2048xf32, #tpu.memory_space<vmem>>, vector<16xf32>,
      %mul3A_518 = arith.constant 16 : i32
      %mul3A_519 = arith.muli %scan3A_449, %mul3A_518 : i32
      %swap3A_520 = arith.constant 0 : i32
      %swap3A_521 = arith.constant 5 : i32
      %swap3A_522 = arith.index_cast %swap3A_520 : i32 to index
      %swap3A_523 = arith.index_cast %swap3A_521 : i32 to index
      %swap3A_524 = arith.index_cast %mul3A_519 : i32 to index
      %swap3A_525 = tpu.vector_load %arg5[%swap3A_522, %swap3A_523, %swap3A_524] {strides = array<i32>} : memref<2x8x2048xf32, #tpu.memory_space<vmem>>, vector<16xf32>,
      tpu.vector_store %arg5[%swap3A_522, %swap3A_523, %swap3A_524], %gather3A_477 {strides = array<i32>} : memref<2x8x2048xf32, #tpu.memory_space<vmem>>, vector<16xf32>,
      %mul3A_526 = arith.constant 16 : i32
      %mul3A_527 = arith.muli %scan3A_449, %mul3A_526 : i32
      %swap3A_528 = arith.constant 0 : i32
      %swap3A_529 = arith.constant 6 : i32
      %swap3A_530 = arith.index_cast %swap3A_528 : i32 to index
      %swap3A_531 = arith.index_cast %swap3A_529 : i32 to index
      %swap3A_532 = arith.index_cast %mul3A_527 : i32 to index
      %swap3A_533 = tpu.vector_load %arg5[%swap3A_530, %swap3A_531, %swap3A_532] {strides = array<i32>} : memref<2x8x2048xf32, #tpu.memory_space<vmem>>, vector<16xf32>,
      tpu.vector_store %arg5[%swap3A_530, %swap3A_531, %swap3A_532], %gather3A_477 {strides = array<i32>} : memref<2x8x2048xf32, #tpu.memory_space<vmem>>, vector<16xf32>,
      %mul3A_534 = arith.constant 16 : i32
      %mul3A_535 = arith.muli %scan3A_449, %mul3A_534 : i32
      %swap3A_536 = arith.constant 0 : i32
      %swap3A_537 = arith.constant 7 : i32
      %swap3A_538 = arith.index_cast %swap3A_536 : i32 to index
      %swap3A_539 = arith.index_cast %swap3A_537 : i32 to index
      %swap3A_540 = arith.index_cast %mul3A_535 : i32 to index
      %swap3A_541 = tpu.vector_load %arg5[%swap3A_538, %swap3A_539, %swap3A_540] {strides = array<i32>} : memref<2x8x2048xf32, #tpu.memory_space<vmem>>, vector<16xf32>,
      tpu.vector_store %arg5[%swap3A_538, %swap3A_539, %swap3A_540], %gather3A_477 {strides = array<i32>} : memref<2x8x2048xf32, #tpu.memory_space<vmem>>, vector<16xf32>,
      %scan3A_542 = arith.constant 0 : i32
      scf.yield %scan3A_542 : i32
    }
    %scan3A_254 = arith.constant 128 : i32
    %dma_wait3A_255 = arith.constant 0 : i32
    %dma_wait3A_256 = arith.constant 0 : i32
    %dma_wait3A_257 = arith.constant 0 : i32
    %dma_wait3A_258 = tpu.memref_slice %arg5[%dma_wait3A_255, %dma_wait3A_256, %dma_wait3A_257] : memref<2x8x2048xf32, #tpu.memory_space<vmem>> -> memref<1x8x2048xf32, #tpu.memory_space<vmem>>
    %dma_wait3A_259 = tpu.memref_squeeze %dma_wait3A_258 : memref<1x8x2048xf32, #tpu.memory_space<vmem>> -> memref<8x2048xf32, #tpu.memory_space<vmem>>
    %dma_wait3A_260 = arith.constant 0 : i32
    %dma_wait3A_261 = tpu.memref_slice %arg3[%add3A_181, %dma_wait3A_260] : memref<2048x2048xf32, #tpu.memory_space<hbm>> -> memref<8x2048xf32, #tpu.memory_space<hbm>>
    %dma_wait3A_262 = arith.constant 0 : i32
    %dma_wait3A_263 = tpu.memref_slice %arg3[%add3A_181, %dma_wait3A_262] : memref<2048x2048xf32, #tpu.memory_space<hbm>> -> memref<8x2048xf32, #tpu.memory_space<hbm>>
    %dma_wait3A_264 = arith.constant 0 : i32
    %dma_wait3A_265 = arith.constant 0 : i32
    %dma_wait3A_266 = tpu.memref_slice %arg5[%dma_wait3A_255, %dma_wait3A_264, %dma_wait3A_265] : memref<2x8x2048xf32, #tpu.memory_space<vmem>> -> memref<1x8x2048xf32, #tpu.memory_space<vmem>>
    %dma_wait3A_267 = tpu.memref_squeeze %dma_wait3A_266 : memref<1x8x2048xf32, #tpu.memory_space<vmem>> -> memref<8x2048xf32, #tpu.memory_space<vmem>>
    tpu.wait_dma2 semaphore(%arg6 : memref<!tpu.dma_semaphore, #tpu.memory_space<semaphore_mem>>) src(%dma_wait3A_267 : memref<8x2048xf32, #tpu.memory_space<vmem>>) dst(%dma_wait3A_263 : memref<8x2048xf32, #tpu.memory_space<hbm>>)
    %mul3A_268 = arith.constant 64 : i32
    %mul3A_269 = arith.muli %add3A, %mul3A_268 : i32
    %add3A_270 = arith.constant 48 : i32
    %add3A_271 = arith.addi %mul3A_269, %add3A_270 : i32
    %dma_start3A_272 = arith.constant 0 : i32
    %dma_start3A_273 = arith.constant 0 : i32
    %dma_start3A_274 = arith.constant 0 : i32
    %dma_start3A_275 = tpu.memref_slice %arg5[%dma_start3A_272, %dma_start3A_273, %dma_start3A_274] : memref<2x8x2048xf32, #tpu.memory_space<vmem>> -> memref<1x8x2048xf32, #tpu.memory_space<vmem>>
    %dma_start3A_276 = tpu.memref_squeeze %dma_start3A_275 : memref<1x8x2048xf32, #tpu.memory_space<vmem>> -> memref<8x2048xf32, #tpu.memory_space<vmem>>
    %dma_start3A_277 = arith.constant 0 : i32
    %dma_start3A_278 = tpu.memref_slice %arg3[%add3A_271, %dma_start3A_277] : memref<2048x2048xf32, #tpu.memory_space<hbm>> -> memref<8x2048xf32, #tpu.memory_space<hbm>>
    %dma_start3A_279 = arith.constant 0 : i32
    %dma_start3A_280 = tpu.memref_slice %arg3[%add3A_271, %dma_start3A_279] : memref<2048x2048xf32, #tpu.memory_space<hbm>> -> memref<8x2048xf32, #tpu.memory_space<hbm>>
    %dma_start3A_281 = arith.constant 0 : i32
    %dma_start3A_282 = arith.constant 0 : i32
    %dma_start3A_283 = tpu.memref_slice %arg5[%dma_start3A_272, %dma_start3A_281, %dma_start3A_282] : memref<2x8x2048xf32, #tpu.memory_space<vmem>> -> memref<1x8x2048xf32, #tpu.memory_space<vmem>>
    %dma_start3A_284 = tpu.memref_squeeze %dma_start3A_283 : memref<1x8x2048xf32, #tpu.memory_space<vmem>> -> memref<8x2048xf32, #tpu.memory_space<vmem>>
    tpu.enqueue_dma source(%dma_start3A_284 : memref<8x2048xf32, #tpu.memory_space<vmem>>) target(%dma_start3A_280 : memref<8x2048xf32, #tpu.memory_space<hbm>>) target_semaphore(%arg6 : memref<!tpu.dma_semaphore, #tpu.memory_space<semaphore_mem>>)
    %mul3A_285 = arith.constant 8 : i32
    %mul3A_286 = arith.muli %add3A, %mul3A_285 : i32
    %add3A_287 = arith.constant 7 : i32
    %add3A_288 = arith.addi %mul3A_286, %add3A_287 : i32
    %shift_right_arithmetic3A_289 = arith.constant 4 : i32
    %shift_right_arithmetic3A_290 = arith.shrsi %add3A_288, %shift_right_arithmetic3A_289 : i32
    %and3A_291 = arith.constant 15 : i32
    %and3A_292 = arith.andi %add3A_288, %and3A_291 : i32
    %scan3A_293 = arith.constant 0 : i32
    %scan3A_294 = arith.constant 0 : i32
    %scan3A_295 = arith.constant 128 : i32
    %scan3A_296 = arith.addi %scan3A_294, %scan3A_295 : i32
    %scan3A_297 = arith.constant 2 : i32
    %scan3A_298 = scf.for %scan3A_356 = %scan3A_294 to %scan3A_296 step %scan3A_297 iter_args(%scan3A_357 = %scan3A_293) -> (i32)  : i32 {
      %mul3A_358 = arith.constant 16 : i32
      %mul3A_359 = arith.muli %scan3A_356, %mul3A_358 : i32
      %add3A_360 = vector.broadcast %mul3A_359 : i32 to vector<16xi32>
      %add3A_361 = arith.addi %add3A_360, %iota3A : vector<16xi32>
      %shift_right_arithmetic3A_362 = arith.constant 3 : i32
      %shift_right_arithmetic3A_363 = vector.broadcast %shift_right_arithmetic3A_362 : i32 to vector<16xi32>
      %shift_right_arithmetic3A_364 = arith.shrsi %add3A_361, %shift_right_arithmetic3A_363 : vector<16xi32>
      %shift_right_arithmetic3A_365 = arith.constant 4 : i32
      %shift_right_arithmetic3A_366 = vector.broadcast %shift_right_arithmetic3A_365 : i32 to vector<16xi32>
      %shift_right_arithmetic3A_367 = arith.shrsi %shift_right_arithmetic3A_364, %shift_right_arithmetic3A_366 : vector<16xi32>
      %and3A_368 = arith.constant 15 : i32
      %and3A_369 = vector.broadcast %and3A_368 : i32 to vector<16xi32>
      %and3A_370 = arith.andi %shift_right_arithmetic3A_364, %and3A_369 : vector<16xi32>
      %sub3A = vector.broadcast %shift_right_arithmetic3A_290 : i32 to vector<16xi32>
      %sub3A_371 = arith.subi %sub3A, %shift_right_arithmetic3A_367 : vector<16xi32>
      %add3A_372 = arith.constant 15 : i32
      %add3A_373 = vector.broadcast %add3A_372 : i32 to vector<16xi32>
      %add3A_374 = arith.addi %sub3A_371, %add3A_373 : vector<16xi32>
      %mul3A_375 = arith.constant 31 : i32
      %mul3A_376 = vector.broadcast %mul3A_375 : i32 to vector<16xi32>
      %mul3A_377 = arith.muli %add3A_374, %mul3A_376 : vector<16xi32>
      %sub3A_378 = vector.broadcast %and3A_292 : i32 to vector<16xi32>
      %sub3A_379 = arith.subi %sub3A_378, %and3A_370 : vector<16xi32>
      %add3A_380 = arith.constant 15 : i32
      %add3A_381 = vector.broadcast %add3A_380 : i32 to vector<16xi32>
      %add3A_382 = arith.addi %sub3A_379, %add3A_381 : vector<16xi32>
      %add3A_383 = arith.addi %mul3A_377, %add3A_382 : vector<16xi32>
      %gather3A = tpu.vector_load_idx %arg4[%add3A_383] : memref<976xf32, #tpu.memory_space<vmem>>[vector<16xi32>], vector<16xf32>,
      %mul3A_384 = arith.constant 16 : i32
      %mul3A_385 = arith.muli %scan3A_356, %mul3A_384 : i32
      %swap3A = arith.constant 1 : i32
      %swap3A_386 = arith.constant 0 : i32
      %swap3A_387 = arith.index_cast %swap3A : i32 to index
      %swap3A_388 = arith.index_cast %swap3A_386 : i32 to index
      %swap3A_389 = arith.index_cast %mul3A_385 : i32 to index
      %swap3A_390 = tpu.vector_load %arg5[%swap3A_387, %swap3A_388, %swap3A_389] {strides = array<i32>} : memref<2x8x2048xf32, #tpu.memory_space<vmem>>, vector<16xf32>,
      tpu.vector_store %arg5[%swap3A_387, %swap3A_388, %swap3A_389], %gather3A {strides = array<i32>} : memref<2x8x2048xf32, #tpu.memory_space<vmem>>, vector<16xf32>,
      %mul3A_391 = arith.constant 16 : i32
      %mul3A_392 = arith.muli %scan3A_356, %mul3A_391 : i32
      %swap3A_393 = arith.constant 1 : i32
      %swap3A_394 = arith.constant 1 : i32
      %swap3A_395 = arith.index_cast %swap3A_393 : i32 to index
      %swap3A_396 = arith.index_cast %swap3A_394 : i32 to index
      %swap3A_397 = arith.index_cast %mul3A_392 : i32 to index
      %swap3A_398 = tpu.vector_load %arg5[%swap3A_395, %swap3A_396, %swap3A_397] {strides = array<i32>} : memref<2x8x2048xf32, #tpu.memory_space<vmem>>, vector<16xf32>,
      tpu.vector_store %arg5[%swap3A_395, %swap3A_396, %swap3A_397], %gather3A {strides = array<i32>} : memref<2x8x2048xf32, #tpu.memory_space<vmem>>, vector<16xf32>,
      %mul3A_399 = arith.constant 16 : i32
      %mul3A_400 = arith.muli %scan3A_356, %mul3A_399 : i32
      %swap3A_401 = arith.constant 1 : i32
      %swap3A_402 = arith.constant 2 : i32
      %swap3A_403 = arith.index_cast %swap3A_401 : i32 to index
      %swap3A_404 = arith.index_cast %swap3A_402 : i32 to index
      %swap3A_405 = arith.index_cast %mul3A_400 : i32 to index
      %swap3A_406 = tpu.vector_load %arg5[%swap3A_403, %swap3A_404, %swap3A_405] {strides = array<i32>} : memref<2x8x2048xf32, #tpu.memory_space<vmem>>, vector<16xf32>,
      tpu.vector_store %arg5[%swap3A_403, %swap3A_404, %swap3A_405], %gather3A {strides = array<i32>} : memref<2x8x2048xf32, #tpu.memory_space<vmem>>, vector<16xf32>,
      %mul3A_407 = arith.constant 16 : i32
      %mul3A_408 = arith.muli %scan3A_356, %mul3A_407 : i32
      %swap3A_409 = arith.constant 1 : i32
      %swap3A_410 = arith.constant 3 : i32
      %swap3A_411 = arith.index_cast %swap3A_409 : i32 to index
      %swap3A_412 = arith.index_cast %swap3A_410 : i32 to index
      %swap3A_413 = arith.index_cast %mul3A_408 : i32 to index
      %swap3A_414 = tpu.vector_load %arg5[%swap3A_411, %swap3A_412, %swap3A_413] {strides = array<i32>} : memref<2x8x2048xf32, #tpu.memory_space<vmem>>, vector<16xf32>,
      tpu.vector_store %arg5[%swap3A_411, %swap3A_412, %swap3A_413], %gather3A {strides = array<i32>} : memref<2x8x2048xf32, #tpu.memory_space<vmem>>, vector<16xf32>,
      %mul3A_415 = arith.constant 16 : i32
      %mul3A_416 = arith.muli %scan3A_356, %mul3A_415 : i32
      %swap3A_417 = arith.constant 1 : i32
      %swap3A_418 = arith.constant 4 : i32
      %swap3A_419 = arith.index_cast %swap3A_417 : i32 to index
      %swap3A_420 = arith.index_cast %swap3A_418 : i32 to index
      %swap3A_421 = arith.index_cast %mul3A_416 : i32 to index
      %swap3A_422 = tpu.vector_load %arg5[%swap3A_419, %swap3A_420, %swap3A_421] {strides = array<i32>} : memref<2x8x2048xf32, #tpu.memory_space<vmem>>, vector<16xf32>,
      tpu.vector_store %arg5[%swap3A_419, %swap3A_420, %swap3A_421], %gather3A {strides = array<i32>} : memref<2x8x2048xf32, #tpu.memory_space<vmem>>, vector<16xf32>,
      %mul3A_423 = arith.constant 16 : i32
      %mul3A_424 = arith.muli %scan3A_356, %mul3A_423 : i32
      %swap3A_425 = arith.constant 1 : i32
      %swap3A_426 = arith.constant 5 : i32
      %swap3A_427 = arith.index_cast %swap3A_425 : i32 to index
      %swap3A_428 = arith.index_cast %swap3A_426 : i32 to index
      %swap3A_429 = arith.index_cast %mul3A_424 : i32 to index
      %swap3A_430 = tpu.vector_load %arg5[%swap3A_427, %swap3A_428, %swap3A_429] {strides = array<i32>} : memref<2x8x2048xf32, #tpu.memory_space<vmem>>, vector<16xf32>,
      tpu.vector_store %arg5[%swap3A_427, %swap3A_428, %swap3A_429], %gather3A {strides = array<i32>} : memref<2x8x2048xf32, #tpu.memory_space<vmem>>, vector<16xf32>,
      %mul3A_431 = arith.constant 16 : i32
      %mul3A_432 = arith.muli %scan3A_356, %mul3A_431 : i32
      %swap3A_433 = arith.constant 1 : i32
      %swap3A_434 = arith.constant 6 : i32
      %swap3A_435 = arith.index_cast %swap3A_433 : i32 to index
      %swap3A_436 = arith.index_cast %swap3A_434 : i32 to index
      %swap3A_437 = arith.index_cast %mul3A_432 : i32 to index
      %swap3A_438 = tpu.vector_load %arg5[%swap3A_435, %swap3A_436, %swap3A_437] {strides = array<i32>} : memref<2x8x2048xf32, #tpu.memory_space<vmem>>, vector<16xf32>,
      tpu.vector_store %arg5[%swap3A_435, %swap3A_436, %swap3A_437], %gather3A {strides = array<i32>} : memref<2x8x2048xf32, #tpu.memory_space<vmem>>, vector<16xf32>,
      %mul3A_439 = arith.constant 16 : i32
      %mul3A_440 = arith.muli %scan3A_356, %mul3A_439 : i32
      %swap3A_441 = arith.constant 1 : i32
      %swap3A_442 = arith.constant 7 : i32
      %swap3A_443 = arith.index_cast %swap3A_441 : i32 to index
      %swap3A_444 = arith.index_cast %swap3A_442 : i32 to index
      %swap3A_445 = arith.index_cast %mul3A_440 : i32 to index
      %swap3A_446 = tpu.vector_load %arg5[%swap3A_443, %swap3A_444, %swap3A_445] {strides = array<i32>} : memref<2x8x2048xf32, #tpu.memory_space<vmem>>, vector<16xf32>,
      tpu.vector_store %arg5[%swap3A_443, %swap3A_444, %swap3A_445], %gather3A {strides = array<i32>} : memref<2x8x2048xf32, #tpu.memory_space<vmem>>, vector<16xf32>,
      %scan3A_447 = arith.constant 0 : i32
      %scan3A_448 = arith.constant 1 : i32
      %scan3A_449 = arith.addi %scan3A_356, %scan3A_448 : i32
      %mul3A_450 = arith.constant 16 : i32
      %mul3A_451 = arith.muli %scan3A_449, %mul3A_450 : i32
      %add3A_452 = vector.broadcast %mul3A_451 : i32 to vector<16xi32>
      %add3A_453 = arith.addi %add3A_452, %iota3A : vector<16xi32>
      %shift_right_arithmetic3A_454 = arith.constant 3 : i32
      %shift_right_arithmetic3A_455 = vector.broadcast %shift_right_arithmetic3A_454 : i32 to vector<16xi32>
      %shift_right_arithmetic3A_456 = arith.shrsi %add3A_453, %shift_right_arithmetic3A_455 : vector<16xi32>
      %shift_right_arithmetic3A_457 = arith.constant 4 : i32
      %shift_right_arithmetic3A_458 = vector.broadcast %shift_right_arithmetic3A_457 : i32 to vector<16xi32>
      %shift_right_arithmetic3A_459 = arith.shrsi %shift_right_arithmetic3A_456, %shift_right_arithmetic3A_458 : vector<16xi32>
      %and3A_460 = arith.constant 15 : i32
      %and3A_461 = vector.broadcast %and3A_460 : i32 to vector<16xi32>
      %and3A_462 = arith.andi %shift_right_arithmetic3A_456, %and3A_461 : vector<16xi32>
      %sub3A_463 = vector.broadcast %shift_right_arithmetic3A_290 : i32 to vector<16xi32>
      %sub3A_464 = arith.subi %sub3A_463, %shift_right_arithmetic3A_459 : vector<16xi32>
      %add3A_465 = arith.constant 15 : i32
      %add3A_466 = vector.broadcast %add3A_465 : i32 to vector<16xi32>
      %add3A_467 = arith.addi %sub3A_464, %add3A_466 : vector<16xi32>
      %mul3A_468 = arith.constant 31 : i32
      %mul3A_469 = vector.broadcast %mul3A_468 : i32 to vector<16xi32>
      %mul3A_470 = arith.muli %add3A_467, %mul3A_469 : vector<16xi32>
      %sub3A_471 = vector.broadcast %and3A_292 : i32 to vector<16xi32>
      %sub3A_472 = arith.subi %sub3A_471, %and3A_462 : vector<16xi32>
      %add3A_473 = arith.constant 15 : i32
      %add3A_474 = vector.broadcast %add3A_473 : i32 to vector<16xi32>
      %add3A_475 = arith.addi %sub3A_472, %add3A_474 : vector<16xi32>
      %add3A_476 = arith.addi %mul3A_470, %add3A_475 : vector<16xi32>
      %gather3A_477 = tpu.vector_load_idx %arg4[%add3A_476] : memref<976xf32, #tpu.memory_space<vmem>>[vector<16xi32>], vector<16xf32>,
      %mul3A_478 = arith.constant 16 : i32
      %mul3A_479 = arith.muli %scan3A_449, %mul3A_478 : i32
      %swap3A_480 = arith.constant 1 : i32
      %swap3A_481 = arith.constant 0 : i32
      %swap3A_482 = arith.index_cast %swap3A_480 : i32 to index
      %swap3A_483 = arith.index_cast %swap3A_481 : i32 to index
      %swap3A_484 = arith.index_cast %mul3A_479 : i32 to index
      %swap3A_485 = tpu.vector_load %arg5[%swap3A_482, %swap3A_483, %swap3A_484] {strides = array<i32>} : memref<2x8x2048xf32, #tpu.memory_space<vmem>>, vector<16xf32>,
      tpu.vector_store %arg5[%swap3A_482, %swap3A_483, %swap3A_484], %gather3A_477 {strides = array<i32>} : memref<2x8x2048xf32, #tpu.memory_space<vmem>>, vector<16xf32>,
      %mul3A_486 = arith.constant 16 : i32
      %mul3A_487 = arith.muli %scan3A_449, %mul3A_486 : i32
      %swap3A_488 = arith.constant 1 : i32
      %swap3A_489 = arith.constant 1 : i32
      %swap3A_490 = arith.index_cast %swap3A_488 : i32 to index
      %swap3A_491 = arith.index_cast %swap3A_489 : i32 to index
      %swap3A_492 = arith.index_cast %mul3A_487 : i32 to index
      %swap3A_493 = tpu.vector_load %arg5[%swap3A_490, %swap3A_491, %swap3A_492] {strides = array<i32>} : memref<2x8x2048xf32, #tpu.memory_space<vmem>>, vector<16xf32>,
      tpu.vector_store %arg5[%swap3A_490, %swap3A_491, %swap3A_492], %gather3A_477 {strides = array<i32>} : memref<2x8x2048xf32, #tpu.memory_space<vmem>>, vector<16xf32>,
      %mul3A_494 = arith.constant 16 : i32
      %mul3A_495 = arith.muli %scan3A_449, %mul3A_494 : i32
      %swap3A_496 = arith.constant 1 : i32
      %swap3A_497 = arith.constant 2 : i32
      %swap3A_498 = arith.index_cast %swap3A_496 : i32 to index
      %swap3A_499 = arith.index_cast %swap3A_497 : i32 to index
      %swap3A_500 = arith.index_cast %mul3A_495 : i32 to index
      %swap3A_501 = tpu.vector_load %arg5[%swap3A_498, %swap3A_499, %swap3A_500] {strides = array<i32>} : memref<2x8x2048xf32, #tpu.memory_space<vmem>>, vector<16xf32>,
      tpu.vector_store %arg5[%swap3A_498, %swap3A_499, %swap3A_500], %gather3A_477 {strides = array<i32>} : memref<2x8x2048xf32, #tpu.memory_space<vmem>>, vector<16xf32>,
      %mul3A_502 = arith.constant 16 : i32
      %mul3A_503 = arith.muli %scan3A_449, %mul3A_502 : i32
      %swap3A_504 = arith.constant 1 : i32
      %swap3A_505 = arith.constant 3 : i32
      %swap3A_506 = arith.index_cast %swap3A_504 : i32 to index
      %swap3A_507 = arith.index_cast %swap3A_505 : i32 to index
      %swap3A_508 = arith.index_cast %mul3A_503 : i32 to index
      %swap3A_509 = tpu.vector_load %arg5[%swap3A_506, %swap3A_507, %swap3A_508] {strides = array<i32>} : memref<2x8x2048xf32, #tpu.memory_space<vmem>>, vector<16xf32>,
      tpu.vector_store %arg5[%swap3A_506, %swap3A_507, %swap3A_508], %gather3A_477 {strides = array<i32>} : memref<2x8x2048xf32, #tpu.memory_space<vmem>>, vector<16xf32>,
      %mul3A_510 = arith.constant 16 : i32
      %mul3A_511 = arith.muli %scan3A_449, %mul3A_510 : i32
      %swap3A_512 = arith.constant 1 : i32
      %swap3A_513 = arith.constant 4 : i32
      %swap3A_514 = arith.index_cast %swap3A_512 : i32 to index
      %swap3A_515 = arith.index_cast %swap3A_513 : i32 to index
      %swap3A_516 = arith.index_cast %mul3A_511 : i32 to index
      %swap3A_517 = tpu.vector_load %arg5[%swap3A_514, %swap3A_515, %swap3A_516] {strides = array<i32>} : memref<2x8x2048xf32, #tpu.memory_space<vmem>>, vector<16xf32>,
      tpu.vector_store %arg5[%swap3A_514, %swap3A_515, %swap3A_516], %gather3A_477 {strides = array<i32>} : memref<2x8x2048xf32, #tpu.memory_space<vmem>>, vector<16xf32>,
      %mul3A_518 = arith.constant 16 : i32
      %mul3A_519 = arith.muli %scan3A_449, %mul3A_518 : i32
      %swap3A_520 = arith.constant 1 : i32
      %swap3A_521 = arith.constant 5 : i32
      %swap3A_522 = arith.index_cast %swap3A_520 : i32 to index
      %swap3A_523 = arith.index_cast %swap3A_521 : i32 to index
      %swap3A_524 = arith.index_cast %mul3A_519 : i32 to index
      %swap3A_525 = tpu.vector_load %arg5[%swap3A_522, %swap3A_523, %swap3A_524] {strides = array<i32>} : memref<2x8x2048xf32, #tpu.memory_space<vmem>>, vector<16xf32>,
      tpu.vector_store %arg5[%swap3A_522, %swap3A_523, %swap3A_524], %gather3A_477 {strides = array<i32>} : memref<2x8x2048xf32, #tpu.memory_space<vmem>>, vector<16xf32>,
      %mul3A_526 = arith.constant 16 : i32
      %mul3A_527 = arith.muli %scan3A_449, %mul3A_526 : i32
      %swap3A_528 = arith.constant 1 : i32
      %swap3A_529 = arith.constant 6 : i32
      %swap3A_530 = arith.index_cast %swap3A_528 : i32 to index
      %swap3A_531 = arith.index_cast %swap3A_529 : i32 to index
      %swap3A_532 = arith.index_cast %mul3A_527 : i32 to index
      %swap3A_533 = tpu.vector_load %arg5[%swap3A_530, %swap3A_531, %swap3A_532] {strides = array<i32>} : memref<2x8x2048xf32, #tpu.memory_space<vmem>>, vector<16xf32>,
      tpu.vector_store %arg5[%swap3A_530, %swap3A_531, %swap3A_532], %gather3A_477 {strides = array<i32>} : memref<2x8x2048xf32, #tpu.memory_space<vmem>>, vector<16xf32>,
      %mul3A_534 = arith.constant 16 : i32
      %mul3A_535 = arith.muli %scan3A_449, %mul3A_534 : i32
      %swap3A_536 = arith.constant 1 : i32
      %swap3A_537 = arith.constant 7 : i32
      %swap3A_538 = arith.index_cast %swap3A_536 : i32 to index
      %swap3A_539 = arith.index_cast %swap3A_537 : i32 to index
      %swap3A_540 = arith.index_cast %mul3A_535 : i32 to index
      %swap3A_541 = tpu.vector_load %arg5[%swap3A_538, %swap3A_539, %swap3A_540] {strides = array<i32>} : memref<2x8x2048xf32, #tpu.memory_space<vmem>>, vector<16xf32>,
      tpu.vector_store %arg5[%swap3A_538, %swap3A_539, %swap3A_540], %gather3A_477 {strides = array<i32>} : memref<2x8x2048xf32, #tpu.memory_space<vmem>>, vector<16xf32>,
      %scan3A_542 = arith.constant 0 : i32
      scf.yield %scan3A_542 : i32
    }
    %scan3A_299 = arith.constant 128 : i32
    %dma_wait3A_300 = arith.constant 1 : i32
    %dma_wait3A_301 = arith.constant 0 : i32
    %dma_wait3A_302 = arith.constant 0 : i32
    %dma_wait3A_303 = tpu.memref_slice %arg5[%dma_wait3A_300, %dma_wait3A_301, %dma_wait3A_302] : memref<2x8x2048xf32, #tpu.memory_space<vmem>> -> memref<1x8x2048xf32, #tpu.memory_space<vmem>>
    %dma_wait3A_304 = tpu.memref_squeeze %dma_wait3A_303 : memref<1x8x2048xf32, #tpu.memory_space<vmem>> -> memref<8x2048xf32, #tpu.memory_space<vmem>>
    %dma_wait3A_305 = arith.constant 0 : i32
    %dma_wait3A_306 = tpu.memref_slice %arg3[%add3A_226, %dma_wait3A_305] : memref<2048x2048xf32, #tpu.memory_space<hbm>> -> memref<8x2048xf32, #tpu.memory_space<hbm>>
    %dma_wait3A_307 = arith.constant 0 : i32
    %dma_wait3A_308 = tpu.memref_slice %arg3[%add3A_226, %dma_wait3A_307] : memref<2048x2048xf32, #tpu.memory_space<hbm>> -> memref<8x2048xf32, #tpu.memory_space<hbm>>
    %dma_wait3A_309 = arith.constant 0 : i32
    %dma_wait3A_310 = arith.constant 0 : i32
    %dma_wait3A_311 = tpu.memref_slice %arg5[%dma_wait3A_300, %dma_wait3A_309, %dma_wait3A_310] : memref<2x8x2048xf32, #tpu.memory_space<vmem>> -> memref<1x8x2048xf32, #tpu.memory_space<vmem>>
    %dma_wait3A_312 = tpu.memref_squeeze %dma_wait3A_311 : memref<1x8x2048xf32, #tpu.memory_space<vmem>> -> memref<8x2048xf32, #tpu.memory_space<vmem>>
    tpu.wait_dma2 semaphore(%arg6 : memref<!tpu.dma_semaphore, #tpu.memory_space<semaphore_mem>>) src(%dma_wait3A_312 : memref<8x2048xf32, #tpu.memory_space<vmem>>) dst(%dma_wait3A_308 : memref<8x2048xf32, #tpu.memory_space<hbm>>)
    %mul3A_313 = arith.constant 64 : i32
    %mul3A_314 = arith.muli %add3A, %mul3A_313 : i32
    %add3A_315 = arith.constant 56 : i32
    %add3A_316 = arith.addi %mul3A_314, %add3A_315 : i32
    %dma_start3A_317 = arith.constant 1 : i32
    %dma_start3A_318 = arith.constant 0 : i32
    %dma_start3A_319 = arith.constant 0 : i32
    %dma_start3A_320 = tpu.memref_slice %arg5[%dma_start3A_317, %dma_start3A_318, %dma_start3A_319] : memref<2x8x2048xf32, #tpu.memory_space<vmem>> -> memref<1x8x2048xf32, #tpu.memory_space<vmem>>
    %dma_start3A_321 = tpu.memref_squeeze %dma_start3A_320 : memref<1x8x2048xf32, #tpu.memory_space<vmem>> -> memref<8x2048xf32, #tpu.memory_space<vmem>>
    %dma_start3A_322 = arith.constant 0 : i32
    %dma_start3A_323 = tpu.memref_slice %arg3[%add3A_316, %dma_start3A_322] : memref<2048x2048xf32, #tpu.memory_space<hbm>> -> memref<8x2048xf32, #tpu.memory_space<hbm>>
    %dma_start3A_324 = arith.constant 0 : i32
    %dma_start3A_325 = tpu.memref_slice %arg3[%add3A_316, %dma_start3A_324] : memref<2048x2048xf32, #tpu.memory_space<hbm>> -> memref<8x2048xf32, #tpu.memory_space<hbm>>
    %dma_start3A_326 = arith.constant 0 : i32
    %dma_start3A_327 = arith.constant 0 : i32
    %dma_start3A_328 = tpu.memref_slice %arg5[%dma_start3A_317, %dma_start3A_326, %dma_start3A_327] : memref<2x8x2048xf32, #tpu.memory_space<vmem>> -> memref<1x8x2048xf32, #tpu.memory_space<vmem>>
    %dma_start3A_329 = tpu.memref_squeeze %dma_start3A_328 : memref<1x8x2048xf32, #tpu.memory_space<vmem>> -> memref<8x2048xf32, #tpu.memory_space<vmem>>
    tpu.enqueue_dma source(%dma_start3A_329 : memref<8x2048xf32, #tpu.memory_space<vmem>>) target(%dma_start3A_325 : memref<8x2048xf32, #tpu.memory_space<hbm>>) target_semaphore(%arg6 : memref<!tpu.dma_semaphore, #tpu.memory_space<semaphore_mem>>)
    %dma_wait3A_330 = arith.constant 0 : i32
    %dma_wait3A_331 = arith.constant 0 : i32
    %dma_wait3A_332 = arith.constant 0 : i32
    %dma_wait3A_333 = tpu.memref_slice %arg5[%dma_wait3A_330, %dma_wait3A_331, %dma_wait3A_332] : memref<2x8x2048xf32, #tpu.memory_space<vmem>> -> memref<1x8x2048xf32, #tpu.memory_space<vmem>>
    %dma_wait3A_334 = tpu.memref_squeeze %dma_wait3A_333 : memref<1x8x2048xf32, #tpu.memory_space<vmem>> -> memref<8x2048xf32, #tpu.memory_space<vmem>>
    %dma_wait3A_335 = arith.constant 0 : i32
    %dma_wait3A_336 = tpu.memref_slice %arg3[%add3A_271, %dma_wait3A_335] : memref<2048x2048xf32, #tpu.memory_space<hbm>> -> memref<8x2048xf32, #tpu.memory_space<hbm>>
    %dma_wait3A_337 = arith.constant 0 : i32
    %dma_wait3A_338 = tpu.memref_slice %arg3[%add3A_271, %dma_wait3A_337] : memref<2048x2048xf32, #tpu.memory_space<hbm>> -> memref<8x2048xf32, #tpu.memory_space<hbm>>
    %dma_wait3A_339 = arith.constant 0 : i32
    %dma_wait3A_340 = arith.constant 0 : i32
    %dma_wait3A_341 = tpu.memref_slice %arg5[%dma_wait3A_330, %dma_wait3A_339, %dma_wait3A_340] : memref<2x8x2048xf32, #tpu.memory_space<vmem>> -> memref<1x8x2048xf32, #tpu.memory_space<vmem>>
    %dma_wait3A_342 = tpu.memref_squeeze %dma_wait3A_341 : memref<1x8x2048xf32, #tpu.memory_space<vmem>> -> memref<8x2048xf32, #tpu.memory_space<vmem>>
    tpu.wait_dma2 semaphore(%arg6 : memref<!tpu.dma_semaphore, #tpu.memory_space<semaphore_mem>>) src(%dma_wait3A_342 : memref<8x2048xf32, #tpu.memory_space<vmem>>) dst(%dma_wait3A_338 : memref<8x2048xf32, #tpu.memory_space<hbm>>)
    %dma_wait3A_343 = arith.constant 1 : i32
    %dma_wait3A_344 = arith.constant 0 : i32
    %dma_wait3A_345 = arith.constant 0 : i32
    %dma_wait3A_346 = tpu.memref_slice %arg5[%dma_wait3A_343, %dma_wait3A_344, %dma_wait3A_345] : memref<2x8x2048xf32, #tpu.memory_space<vmem>> -> memref<1x8x2048xf32, #tpu.memory_space<vmem>>
    %dma_wait3A_347 = tpu.memref_squeeze %dma_wait3A_346 : memref<1x8x2048xf32, #tpu.memory_space<vmem>> -> memref<8x2048xf32, #tpu.memory_space<vmem>>
    %dma_wait3A_348 = arith.constant 0 : i32
    %dma_wait3A_349 = tpu.memref_slice %arg3[%add3A_316, %dma_wait3A_348] : memref<2048x2048xf32, #tpu.memory_space<hbm>> -> memref<8x2048xf32, #tpu.memory_space<hbm>>
    %dma_wait3A_350 = arith.constant 0 : i32
    %dma_wait3A_351 = tpu.memref_slice %arg3[%add3A_316, %dma_wait3A_350] : memref<2048x2048xf32, #tpu.memory_space<hbm>> -> memref<8x2048xf32, #tpu.memory_space<hbm>>
    %dma_wait3A_352 = arith.constant 0 : i32
    %dma_wait3A_353 = arith.constant 0 : i32
    %dma_wait3A_354 = tpu.memref_slice %arg5[%dma_wait3A_343, %dma_wait3A_352, %dma_wait3A_353] : memref<2x8x2048xf32, #tpu.memory_space<vmem>> -> memref<1x8x2048xf32, #tpu.memory_space<vmem>>
    %dma_wait3A_355 = tpu.memref_squeeze %dma_wait3A_354 : memref<1x8x2048xf32, #tpu.memory_space<vmem>> -> memref<8x2048xf32, #tpu.memory_space<vmem>>
    tpu.wait_dma2 semaphore(%arg6 : memref<!tpu.dma_semaphore, #tpu.memory_space<semaphore_mem>>) src(%dma_wait3A_355 : memref<8x2048xf32, #tpu.memory_space<vmem>>) dst(%dma_wait3A_351 : memref<8x2048xf32, #tpu.memory_space<hbm>>)
    return
  }
}

</mosaic_0001>

<sc_bundles>
// kernel: kernel.3.cloned.1.call-start
scs
__scs_entry_jumppad:
0x0: {  	(pc) =	sbr.rel $0x88, $3  }
0x1: {  	(tag) =	ssettag $0x0;
	lr =	simm.s32 $0x1  }
0x2: {  	[smem:$0x3FA0] =	sst lr;
	_ =	strace $0xD0000000  }
0x3: {  	_ = 	snop  }
0x4: {  	_ = 	snop  }
0x5: {  	_ = 	snop  }
0x6: {  	_ = 	snop  }
0x7: {  	_ = 	snop  }
__scs_overlays_trampoline_lowered:
0x8: {  	[smem:$0x3FAF] =	sst s0  }
0x9: {  	[smem:$0x3FB0] =	sst s1  }
0xa: {  	[smem:$0x3FB1] =	sst s2  }
0xb: {  	[smem:$0x3FB2] =	sst s3  }
0xc: {  	[smem:$0x3FB3] =	sst s4  }
0xd: {  	[smem:$0x3FB4] =	sst s5  }
0xe: {  	[smem:$0x3FB5] =	sst s6  }
0xf: {  	[smem:$0x3FB6] =	sst s7  }
0x10: {  	[smem:$0x3FB7] =	sst s8  }
0x11: {  	[smem:$0x3FB8] =	sst s9;
	s0 =	simm.s32 @!p0 $0x0  }
0x12: {  	s1 =	sld [smem:$0x3F9E];
	s0 =	simm.s32 @p0 $0x1  }
0x13: {  	[smem:$0x3FB9] =	sst s0;
	s0 =	simm.s32 @!p1 $0x0  }
0x14: {  	s2 =	sld [smem:$0x3F9D];
	s0 =	simm.s32 @p1 $0x1  }
0x15: {  	[smem:$0x3FBA] =	sst s0;
	s0 =	simm.s32 @!p2 $0x0  }
0x16: {  	s3 =	sld [smem:$0x3FDB];
	s0 =	simm.s32 @p2 $0x1  }
0x17: {  	s4 =	simm.s32 $0x1BF5;
	[smem:$0x3FBC] =	sst s0  }
0x18: {  	s0 =	sld [smem:$0x3F9F];
	_ =	swait.ge [sflag:s4], $0x0  }
0x19: {  	s7 =	sld [smem:$0x3FA0]  }
0x1a: {  	s8 =	sadd.s32 $0xFFFFE003, lr  }
0x1b: {  	s9 =	sadd.s32 $0xFFFFFEF7, lr;
	s5 =	simm.s32 $0xFFFFFFFF;
	p2 =	slt.u32 s8, $0xFFFFF086  }
0x1c: {  	p1 =	slt.u32 s9, $0xF7A;
	s5 =	simm.s32 @!p2 $0x0  }
0x1d: {  	s5 =	simm.s32 @p1 $0x1;
	p0 =	seq.s32 s7, s2  }
0x1e: {  	s7 =	smul.u32 @!p0 $0xF7A, s2;
	p2 =	seq.s32 @!p0 s5, $0x0  }
0x1f: {  	s9 =	smul.u32 $0xF7A, s1;
	s8 =	simm.s32 @!p0 $0x1BF5;
	p2 =	por !p2, p0  }
0x20: {  	[sflag:s8] =	ssyncset.s32 @!p0 $0xFFFFF086;
	s6 =	sadd.s32 @!p0 s3, s7;
	s7 =	simm.s32 @!p0 $0x108  }
0x21: {  	s3 =	sadd.s32 s3, s9;
	s6 =	sadd.s32 @!p0 $0x88, s6;
	s7 =	simm.s32 @p2 $0x1082  }
0x22: {  	[simem:s7], [sflag:s8] =	dma.local @!p0 [hbm:s6], $0xF7A  }
0x23: {  	s9 =	sor.u32 $0xD0000000, s2;
	s6 =	simm.s32 $0x108;
	_ =	swait.ge @!p0 [sflag:s8], $0x0  }
0x24: {  	s3 =	sadd.s32 $0x88, s3;
	s6 =	simm.s32 @!p1 $0x1082;
	[sflag:s4] =	ssyncset.s32 $0xFFFFF086  }
0x25: {  	[simem:s6], [sflag:s4] =	dma.local [hbm:s3], $0xF7A  }
0x26: {  	[smem:$0x3FA0] =	sst s1;
	(tag) =	ssettag s2;
	_ =	strace s9  }
0x27: {  	s1 =	sld [smem:$0x3FB0]  }
0x28: {  	s2 =	sld [smem:$0x3FB1]  }
0x29: {  	s4 =	sld [smem:$0x3FB3]  }
0x2a: {  	p0 =	seq.s32 s5, $0x0;
	s5 =	sld [smem:$0x3FB4]  }
0x2b: {  	s6 =	sld [smem:$0x3FB5]  }
0x2c: {  	s7 =	sld [smem:$0x3FB6]  }
0x2d: {  	s3 =	simm.s32 $0x108;
	s8 =	sld [smem:$0x3FB7]  }
0x2e: {  	s3 =	simm.s32 @!p0 $0x1082;
	s9 =	sld [smem:$0x3FB8]  }
0x2f: {  	lr =	sadd.s32 s0, s3;
	s0 =	sld [smem:$0x3FAF]  }
0x30: {  	s3 =	sld [smem:$0x3FB2]  }
0x31: {  	[smem:$0x3FBB] =	sst s10  }
0x32: {  	s10 =	sld [smem:$0x3FB9];
	_ =	sdelay $0x3  }
0x33: {  	p0 =	seq.s32 s10, $0x1;
	s10 =	sld [smem:$0x3FBB];
	_ =	sdelay $0x3  }
0x34: {  	[smem:$0x3FBB] =	sst s10  }
0x35: {  	s10 =	sld [smem:$0x3FBA];
	_ =	sdelay $0x3  }
0x36: {  	p1 =	seq.s32 s10, $0x1;
	s10 =	sld [smem:$0x3FBB];
	_ =	sdelay $0x3  }
0x37: {  	[smem:$0x3FBB] =	sst s10  }
0x38: {  	s10 =	sld [smem:$0x3FBC]  }
0x39: {  	_ = 	snop;
	(pc) =	sbr.ind lr, $3  }
0x3a: {  	_ = 	snop  }
0x3b: {  	_ = 	snop  }
0x3c: {  	p2 =	seq.s32 s10, $0x1;
	s10 =	sld [smem:$0x3FBB]  }
0x3d: {  	_ =	shalt  }
0x3e: {  	_ =	shalt  }
0x3f: {  	_ =	shalt  }
0x40: {  	_ =	shalt  }
0x41: {  	_ =	shalt  }
0x42: {  	_ =	shalt  }
0x43: {  	_ =	shalt  }
0x44: {  	_ =	shalt  }
0x45: {  	_ =	shalt  }
0x46: {  	_ =	shalt  }
0x47: {  	_ =	shalt  }
0x48: {  	_ =	shalt  }
0x49: {  	_ =	shalt  }
0x4a: {  	_ =	shalt  }
0x4b: {  	_ =	shalt  }
0x4c: {  	_ =	shalt  }
0x4d: {  	_ =	shalt  }
0x4e: {  	_ =	shalt  }
0x4f: {  	_ =	shalt  }
0x50: {  	_ =	shalt  }
0x51: {  	_ =	shalt  }
0x52: {  	_ =	shalt  }
0x53: {  	_ =	shalt  }
0x54: {  	_ =	shalt  }
0x55: {  	_ =	shalt  }
0x56: {  	_ =	shalt  }
0x57: {  	_ =	shalt  }
0x58: {  	_ =	shalt  }
0x59: {  	_ =	shalt  }
0x5a: {  	_ =	shalt  }
0x5b: {  	_ =	shalt  }
0x5c: {  	_ =	shalt  }
0x5d: {  	_ =	shalt  }
0x5e: {  	_ =	shalt  }
0x5f: {  	_ =	shalt  }
0x60: {  	_ =	shalt  }
0x61: {  	_ =	shalt  }
0x62: {  	_ =	shalt  }
0x63: {  	_ =	shalt  }
0x64: {  	_ =	shalt  }
0x65: {  	_ =	shalt  }
0x66: {  	_ =	shalt  }
0x67: {  	_ =	shalt  }
0x68: {  	_ =	shalt  }
0x69: {  	_ =	shalt  }
0x6a: {  	_ =	shalt  }
0x6b: {  	_ =	shalt  }
0x6c: {  	_ =	shalt  }
0x6d: {  	_ =	shalt  }
0x6e: {  	_ =	shalt  }
0x6f: {  	_ =	shalt  }
0x70: {  	_ =	shalt  }
0x71: {  	_ =	shalt  }
0x72: {  	_ =	shalt  }
0x73: {  	_ =	shalt  }
0x74: {  	_ =	shalt  }
0x75: {  	_ =	shalt  }
0x76: {  	_ =	shalt  }
0x77: {  	_ =	shalt  }
0x78: {  	_ =	shalt  }
0x79: {  	_ =	shalt  }
0x7a: {  	_ =	shalt  }
0x7b: {  	_ =	shalt  }
0x7c: {  	_ =	shalt  }
0x7d: {  	_ =	shalt  }
0x7e: {  	_ =	shalt  }
0x7f: {  	_ =	shalt  }
0x80: {  	_ =	shalt  }
0x81: {  	_ =	shalt  }
0x82: {  	_ =	shalt  }
0x83: {  	_ =	shalt  }
0x84: {  	_ =	shalt  }
0x85: {  	_ =	shalt  }
0x86: {  	_ =	shalt  }
0x87: {  	_ =	shalt  }
.Lfunc_end0:
.L_simem_size_0:
called_computation_lowered:
.L_overlay_start_0:
0x88: {  	s2 =	sld [smem:$0x3FD9]  }
0x89: {  	s3 =	sld [smem:$0x3FFE];
	_ =	sdelay $0x1  }
0x8a: {  	s1 =	srdreg.scid  }
0x8b: {  	s0 =	sand.u32 $0x1, s1  }
0x8c: {  	s17 =	sshll.u32 s0, $0xA;
	s2 =	sadd.s32 s3, s2  }
0x8d: {  	s2 =	sadd.s32 s2, s17  }
0x8e: {  	[smem:$0x3FC7] =	sst s2  }
0x8f: {  	_ = 	snop  }
0x90: {  	s2 =	sld [smem:$0x3FD0];
	(tm) =	ssettm $0x1  }
0x91: {  	s18 =	sld [smem:$0x3FFB];
	_ =	sdelay $0x3  }
0x92: {  	_ =	strace s18  }
0x93: {  	s3 =	sld [smem:$0x3FFC];
	_ =	sdelay $0x3  }
0x94: {  	_ =	strace s3  }
0x95: {  	s3 =	sld [smem:$0x3FFD];
	_ =	sdelay $0x3  }
0x96: {  	_ =	strace s3  }
0x97: {  	_ =	strace $0x8FFFFFFF  }
0x98: {  	s19 =	sld [smem:$0x3FDB];
	_ =	sdelay $0x1  }
0x99: {  	s4 =	simm.s32 $_scs_section_size  }
0x9a: {  	s5 =	simm.s32 $_size__tile_overlayer_lowered;
	s6 =	simm.s32 $_tile_overlayer_lowered  }
0x9b: {  	s22 =	simm.s32 $0x1BFF;
	s21 =	sshll.u32 s6, $0x1;
	s3 =	sadd.s32 s4, s19  }
0x9c: {  	s7 =	simm.s32 $0x0;
	s20 =	sshll.u32 s5, $0x1;
	s5 =	sadd.s32 s21, s3  }
0x9d: {  	[timem:s7], [sflag:s22] =	dma.local [hbm:s5], s20  }
0x9e: {  	_ =	swait.ge [sflag:s22], s20  }
0x9f: {  	s4 =	ssub.s32 $0x0, s20;
	[sflag:s22] =	ssyncset.done $0x0  }
0xa0: {  	[sflag:s22] =	ssyncadd.s32 s4;
	_ =	sdelay $0x1  }
0xa1: {  	s23 =	simm.s32 $0x1B8B  }
0xa2: {  	_ =	swait.ge [sflag:s23], $0x1  }
0xa3: {  	[sflag:s23] =	ssyncset.done $0x0  }
0xa4: {  	s25 =	simm.s32 $0x1B8E;
	s24 =	sld [smem:$0x3FFE];
	[sflag:s23] =	ssyncadd.s32 $0xFFFFFFFF  }
0xa5: {  	s26 =	simm.s32 $execute0_lowered;
	[smem:$0x3FD2] =	sst s25  }
0xa6: {  	s5 =	sshll.u32 s26, $0x1;
	_ =	strace $0x80000046;
	[dreg:$0x1] =	wrdreg $0xFFFFFFFF  }
0xa7: {  	s28 =	simm.s32 $_size_execute0_lowered;
	s3 =	sadd.s32 s3, s5;
	[dreg:$0x0] =	wrdreg $0x0  }
0xa8: {  	s5 =	sshll.u32 s28, $0x1;
	[dreg:$0x2] =	wrdreg s3  }
0xa9: {  	[dreg:$0x3] =	wrdreg s5  }
0xaa: {  	[dreg:$0x4] =	wrdreg $0xC0  }
0xab: {  	_ =	task [dreg:s7], $0x5FFFF  }
0xac: {  	[dreg:$0x1] =	wrdreg $0xFFFFFFFF  }
0xad: {  	[dreg:$0x0] =	wrdreg $0x60  }
0xae: {  	[dreg:$0x2] =	wrdreg s24  }
0xaf: {  	[dreg:$0x3] =	wrdreg s2  }
0xb0: {  	[dreg:$0x4] =	wrdreg $0x9  }
0xb1: {  	_ =	task.clear_ibuf [dreg:s7], $0x5FFFF;
	_ =	strace $0x90000046  }
0xb2: {  	s29 =	simm.s32 $0x9;
	_ =	strace $0x80000048  }
0xb3: {  	_ =	swait.ge [sflag:s29], $0x1  }
0xb4: {  	[sflag:s29] =	ssyncadd.s32 $0xFFFFFFFF  }
0xb5: {  	_ =	strace $0x90000048  }
0xb6: {  	_ =	sfence  }
0xb7: {  	s30 =	sld [smem:$0x0];
	_ =	sdelay $0x2  }
0xb8: {  	s31 =	sshll.u32 s1, $0xD;
	s1 =	sshrl.u32 s1, $0x2  }
0xb9: {  	s3 =	sand.u32 $0x4000, s31;
	s1 =	sadd.s32 s1, s30  }
0xba: {  	s0 =	sor.u32 s3, s0;
	s1 =	sshll.u32 s1, $0x11  }
0xbb: {  	s0 =	sor.u32 s1, s0  }
0xbc: {  	s0 =	sadd.s32 $0x8F2B, s0  }
0xbd: {  	[sflag:s0] =	ssyncadd.remote.s32 $0x1  }
0xbe: {  	_ =	sfence.sel $0xFFFF  }
0xbf: {  	[dreg:$0x0] =	wrdreg $0xFFFFFFFF;
	(pc) =	sbr.abs _section_cstart, $3  }
0xc0: {  	[dreg:$0x1] =	wrdreg $0xFFFFFFFF  }
0xc1: {  	_ =	task.clear_ibuf [dreg:s7], $0x2FFFF;
	_ =	strace $0x9FFFFFFF  }
0xc2: {  	(tm) =	ssettm $0x7FFFFFFF  }
0xc3: {  	_ =	shalt  }
tec
execute0_lowered:
.L_overlay_start_1:
0x0: {  	(tag) =	ssettag $0x1  }
0x1: {  	s4 =	rddreg [dreg:$0x0]  }
0x2: {  	s3 =	rddreg [dreg:$0x1];
	s2 =	srdreg.scid;
	s1 =	simm.s32 $0x0  }
0x3: {  	s13 =	simm.s32 $0x2;
	s14 =	simm.s32 $0x400;
	s9 =	sand.u32 $0x1, s2  }
0x4: {  	s15 =	simm.s32 $0x4400;
	s16 =	simm.s32 $0x1;
	s10 =	sshll.u32 s9, $0x3  }
0x5: {  	v9 =	vlaneseq.u32;
	s17 =	simm.s32 $0x0;
	s31 =	sshllo.u32 s9, $0x3;
	s5 =	sor.u32 $0x1, s10;
	v1 =	vmov s10  }
0x6: {  	s28 =	sor.u32 $0x2, s10;
	s29 =	sor.u32 $0x3, s10;
	s30 =	sor.u32 $0x4, s10;
	v8 =	vmov s31;
	v2 =	vmov s5;
	v1 =	vor.u32 $0x1E0, v1  }
0x7: {  	s2 =	stileid.u32;
	s11 =	sor.u32 $0x5, s10;
	s10 =	sor.u32 $0x6, s10;
	v3 =	vmov s28;
	v4 =	vmov s29;
	v5 =	vmov s30  }
0x8: {  	[smem:$0x7FF] =	sst s1;
	s7 =	sshll.u32 s2, $0xF;
	s8 =	sshll.u32 s9, $0xE;
	v6 =	vmov s11;
	v7 =	vmov s10;
	v8 =	vor.u32 $0x1E0, v8  }
0x9: {  	s4 =	sadd.s32 $0x400, s4;
	s6 =	ssub.s32 $0x2, s9;
	s7 =	sor.u32 s8, s7;
	v2 =	vor.u32 $0x1E0, v2;
	v1 =	vbroadcast v1, $0x0;
	v3 =	vor.u32 $0x1E0, v3  }
0xa: {  	_ =	strace $0x80000047;
	s26 =	sshrl.u32 s6, $0x1;
	s3 =	sadd.s32 s3, s7;
	v4 =	vor.u32 $0x1E0, v4;
	v5 =	vor.u32 $0x1E0, v5;
	v8 =	vbroadcast v8, $0x0  }
0xb: {  	s12 =	ssub.s32 s6, s26;
	s5 =	sadd.s32 $0x800, s3;
	s6 =	sadd.s32 $0x1000, s3;
	v6 =	vor.u32 $0x1E0, v6;
	v2 =	vbroadcast v2, $0x0;
	v3 =	vbroadcast v3, $0x0  }
0xc: {  	s7 =	sadd.s32 $0x1800, s3;
	s8 =	sadd.s32 $0x2000, s3;
	s9 =	sadd.s32 $0x2800, s3;
	v7 =	vor.u32 $0x1E0, v7;
	v4 =	vbroadcast v4, $0x0;
	v5 =	vbroadcast v5, $0x0  }
0xd: {  	v0 =	vmov s2;
	s10 =	sadd.s32 $0x3000, s3;
	s11 =	sadd.s32 $0x3800, s3;
	s12 =	smax.u32 s12, $0x1;
	v6 =	vbroadcast v6, $0x0;
	v7 =	vbroadcast v7, $0x0  }
.LBB2_1:
0xe: {  	s18 =	simm.s32 $0x0  }
0xf: {  	v10 =	vmov s18  }
0x10: {  	v11 =	vor.u32 s18, v9;
	v10 =	vshrl.u32 v10, $0x7  }
0x11: {  	v11 =	vshrl.u32 v11, $0x3;
	v10 =	vsub.s32 v0, v10  }
0x12: {  	v11 =	vand.u32 $0xD, v11;
	v10 =	vmul.u32 $0x1F, v10  }
0x13: {  	v11 =	vsub.s32 v1, v11  }
0x14: {  	v10 =	vadd.s32 v10, v11  }
0x15: {  	[tilespmem:s1], [sflag:$0x2] =	stream.linear.gather [hbm4b:s4+s1], $0x400, $0x38;
	[tilespmem:$0x8400] =	vst v63  }
0x16: {  	_ =	swait.ge [sflag:s13], $0x400  }
0x17: {  	[sflag:s13] =	ssyncset.done $0x0  }
0x18: {  	[sflag:s13] =	ssyncadd.s32 $0xFFFFFC00  }
0x19: {  	v10 =	vld.idx.msk [tilespmem:v10+s1+$0x0], $0xffff;
	_ =	sdelay $0x1  }
0x1a: {  	s19 =	simm.s32 $0x10;
	s20 =	sand.u32 $0x3C00, s1  }
0x1b: {  	s18 =	sand.u32 $0x60, s18;
	s25 =	sadd.s32 $0x400, s20;
	v11 =	vmov s19  }
0x1c: {  	v12 =	vor.u32 s19, v9;
	s18 =	sor.u32 s18, s25;
	v11 =	vshrl.u32 v11, $0x7  }
0x1d: {  	v12 =	vshrl.u32 v12, $0x3;
	v11 =	vsub.s32 v0, v11;
	[tilespmem:s18+$0x280] =	vst v10  }
0x1e: {  	v12 =	vand.u32 $0xF, v12;
	v11 =	vmul.u32 $0x1F, v11;
	[tilespmem:s18+$0x200] =	vst v10  }
0x1f: {  	s29 =	sand.u32 $0x3, s1;
	v12 =	vsub.s32 v1, v12;
	[tilespmem:s18+$0x180] =	vst v10  }
0x20: {  	s20 =	sshll.u32 s29, $0x5;
	v11 =	vadd.s32 v11, v12;
	[tilespmem:s18+$0x100] =	vst v10  }
0x21: {  	s20 =	sadd.s32 $0x0, s20;
	[tilespmem:s18+$0x0] =	vst v10  }
0x22: {  	s30 =	sor.u32 $0x300, s20;
	[tilespmem:s18+$0x80] =	vst v10  }
0x23: {  	s21 =	sand.u32 $0x7, s1;
	s31 =	sor.u32 $0x380, s20;
	[tilespmem:s30+$0x400] =	vst v10  }
0x24: {  	s24 =	simm.s32 $0x2;
	s22 =	simm.s32 $0x1;
	s21 =	sshll.u32 s21, $0x4;
	[tilespmem:s31+$0x400] =	vst v10  }
0x25: {  	s26 =	sand.u32 $0x70, s19;
	s23 =	sadd.s32 $0x10, s21;
	s21 =	simm.s32 $0x100;
	v10 =	vld.idx.msk [tilespmem:v11+s1+$0x0], $0xffff  }
0x26: {  	s20 =	simm.s32 $0x30;
	s19 =	simm.s32 $0x2;
	s18 =	simm.s32 $0x110  }
.LBB2_2:
0x27: {  	s24 =	sadd.s32 $0x2, s24;
	s28 =	sand.u32 $0x7, s19;
	s29 =	sadd.s32 $0xFFFFFFF0, s20  }
0x28: {  	p0 =	slt.u32 s24, $0x7E;
	s28 =	sshll.u32 s28, $0x4;
	v11 =	vmov s29;
	v12 =	vor.u32 s29, v9;
	s29 =	sand.u32 $0x60, s29  }
0x29: {  	s25 =	sor.u32 s26, s25;
	s28 =	sadd.s32 s28, s18;
	v12 =	vshrl.u32 v12, $0x3;
	v11 =	vshrl.u32 v11, $0x7  }
0x2a: {  	v12 =	vand.u32 $0xD, v12;
	v11 =	vsub.s32 v0, v11;
	[tilespmem:s25+$0x0] =	vst v10  }
0x2b: {  	v11 =	vmul.u32 $0x1F, v11;
	[tilespmem:s25+$0x280] =	vst v10  }
0x2c: {  	v12 =	vsub.s32 v1, v12;
	[tilespmem:s25+$0x200] =	vst v10  }
0x2d: {  	v11 =	vadd.s32 v11, v12;
	[tilespmem:s25+$0x100] =	vst v10  }
0x2e: {  	s26 =	sor.u32 $0x300, s23;
	[tilespmem:s25+$0x80] =	vst v10  }
0x2f: {  	[tilespmem:s25+$0x180] =	vst v10;
	s25 =	sor.u32 $0x380, s23;
	s23 =	smov.u32 s28  }
0x30: {  	[tilespmem:s26+$0x400] =	vst v10  }
0x31: {  	[tilespmem:s25+$0x400] =	vst v10  }
0x32: {  	v10 =	vld.idx.msk [tilespmem:v11+s1+$0x0], $0xffff;
	_ =	sdelay $0x2  }
0x33: {  	s25 =	sand.u32 $0x3C00, s21  }
0x34: {  	s25 =	sadd.s32 $0x400, s25;
	v11 =	vmov s20  }
0x35: {  	v12 =	vor.u32 s20, v9;
	s26 =	sor.u32 s29, s25;
	v11 =	vshrl.u32 v11, $0x7  }
0x36: {  	v12 =	vshrl.u32 v12, $0x3;
	v11 =	vsub.s32 v0, v11;
	[tilespmem:s26+$0x280] =	vst v10  }
0x37: {  	v12 =	vand.u32 $0xF, v12;
	v11 =	vmul.u32 $0x1F, v11;
	[tilespmem:s26+$0x200] =	vst v10  }
0x38: {  	s28 =	sand.u32 $0x3, s22;
	v12 =	vsub.s32 v1, v12;
	[tilespmem:s26+$0x180] =	vst v10  }
0x39: {  	s28 =	sshll.u32 s28, $0x5;
	v11 =	vadd.s32 v11, v12;
	[tilespmem:s26+$0x100] =	vst v10  }
0x3a: {  	s28 =	sadd.s32 s28, s21;
	[tilespmem:s26+$0x0] =	vst v10  }
0x3b: {  	[tilespmem:s26+$0x80] =	vst v10;
	s26 =	sor.u32 $0x300, s28  }
.Ltmp0:
0x3c: {  	[tilespmem:s26+$0x400] =	vst v10;
	s26 =	sor.u32 $0x380, s28;
	(pc) =	sbr.rel @p0 .LBB2_2-.Ltmp0, $4  }
0x3d: {  	[tilespmem:s26+$0x400] =	vst v10  }
0x3e: {  	v10 =	vld.idx.msk [tilespmem:v11+s1+$0x0], $0xffff  }
0x3f: {  	s18 =	sadd.s32 $0x100, s18;
	s22 =	sadd.s32 $0x1, s22;
	s21 =	sadd.s32 $0x100, s21  }
0x40: {  	s19 =	sadd.s32 $0x2, s19;
	s26 =	sand.u32 $0x70, s20;
	s20 =	sadd.s32 $0x20, s20  }
0x41: {  	s24 =	sadd.s32 $0xFFFFFFF0, s20  }
0x42: {  	v11 =	vmov s24  }
0x43: {  	s25 =	sor.u32 s26, s25;
	v12 =	vor.u32 s24, v9;
	v11 =	vshrl.u32 v11, $0x7  }
0x44: {  	v12 =	vshrl.u32 v12, $0x3;
	[tilespmem:s25+$0x0] =	vst v10;
	v11 =	vsub.s32 v0, v11  }
0x45: {  	[tilespmem:s25+$0x280] =	vst v10;
	v12 =	vand.u32 $0xD, v12;
	v11 =	vmul.u32 $0x1F, v11  }
0x46: {  	[tilespmem:s25+$0x200] =	vst v10;
	v12 =	vsub.s32 v1, v12  }
0x47: {  	[tilespmem:s25+$0x100] =	vst v10;
	v11 =	vadd.s32 v11, v12  }
0x48: {  	[tilespmem:s25+$0x80] =	vst v10  }
0x49: {  	s0 =	sor.u32 $0x300, s23;
	[tilespmem:s25+$0x180] =	vst v10  }
0x4a: {  	s25 =	sor.u32 $0x380, s23;
	[tilespmem:s0+$0x400] =	vst v10  }
0x4b: {  	[tilespmem:s25+$0x400] =	vst v10  }
0x4c: {  	v10 =	vld.idx.msk [tilespmem:v11+s1+$0x0], $0xffff;
	_ =	sdelay $0x1  }
0x4d: {  	s28 =	sand.u32 $0x3C00, s21  }
0x4e: {  	s24 =	sand.u32 $0x60, s24;
	s23 =	sadd.s32 $0x400, s28;
	v11 =	vmov s20  }
0x4f: {  	v60 =	vor.u32 s20, v9;
	s24 =	sor.u32 s24, s23;
	v11 =	vshrl.u32 v11, $0x7  }
0x50: {  	v12 =	vshrl.u32 v60, $0x3;
	v11 =	vsub.s32 v0, v11;
	[tilespmem:s24+$0x280] =	vst v10  }
0x51: {  	v12 =	vand.u32 $0xF, v12;
	v11 =	vmul.u32 $0x1F, v11;
	[tilespmem:s24+$0x200] =	vst v10  }
0x52: {  	s22 =	sand.u32 $0x3, s22;
	v12 =	vsub.s32 v1, v12;
	[tilespmem:s24+$0x180] =	vst v10  }
0x53: {  	s22 =	sshll.u32 s22, $0x5;
	[tilespmem:s24+$0x100] =	vst v10;
	v11 =	vadd.s32 v11, v12  }
0x54: {  	s29 =	sadd.s32 s22, s21;
	[tilespmem:s24+$0x0] =	vst v10  }
0x55: {  	s22 =	sor.u32 $0x300, s29;
	[tilespmem:s24+$0x80] =	vst v10  }
0x56: {  	s21 =	sor.u32 $0x380, s29;
	[tilespmem:s22+$0x400] =	vst v10  }
0x57: {  	[tilespmem:s21+$0x400] =	vst v10  }
0x58: {  	v10 =	vld.idx.msk [tilespmem:v11+s1+$0x0], $0xffff;
	_ =	sdelay $0x2  }
0x59: {  	s30 =	sand.u32 $0x70, s20;
	s31 =	simm.s32 $0x0  }
0x5a: {  	s20 =	sor.u32 s30, s23;
	v11 =	vmov s31  }
0x5b: {  	v61 =	vor.u32 s31, v9;
	v11 =	vshrl.u32 v11, $0x7;
	[tilespmem:s20+$0x0] =	vst v10  }
0x5c: {  	v12 =	vshrl.u32 v61, $0x3;
	v11 =	vsub.s32 v0, v11;
	[tilespmem:s20+$0x280] =	vst v10  }
0x5d: {  	s19 =	sand.u32 $0x7, s19;
	v12 =	vand.u32 $0xD, v12;
	v11 =	vmul.u32 $0x1F, v11;
	[tilespmem:s20+$0x200] =	vst v10  }
0x5e: {  	s19 =	sshll.u32 s19, $0x4;
	v12 =	vsub.s32 v2, v12;
	[tilespmem:s20+$0x100] =	vst v10  }
0x5f: {  	s18 =	sadd.s32 s19, s18;
	[tilespmem:s20+$0x80] =	vst v10;
	v11 =	vadd.s32 v11, v12  }
0x60: {  	s19 =	sor.u32 $0x300, s18;
	[tilespmem:s20+$0x180] =	vst v10  }
0x61: {  	s18 =	sor.u32 $0x380, s18;
	[tilespmem:s19+$0x400] =	vst v10  }
0x62: {  	[tilespmem:s18+$0x400] =	vst v10;
	s18 =	simm.s32 $0x0  }
0x63: {  	[hbm4b:s3+s18] =	stream.linear.scatter [tilespmem:s14], [sflag:$0x1], $0x4000, $0x38;
	[tilespmem:$0x8400] =	vst v63  }
0x64: {  	v10 =	vld.idx.msk [tilespmem:v11+s1+$0x0], $0xffff;
	_ =	sdelay $0x1  }
0x65: {  	s19 =	simm.s32 $0x10;
	s20 =	sand.u32 $0x3C00, s18  }
0x66: {  	s21 =	sand.u32 $0x60, s31;
	s22 =	sadd.s32 $0x4400, s20;
	v11 =	vmov s19  }
0x67: {  	v62 =	vor.u32 s19, v9;
	s24 =	sadd.s32 $0x4480, s20;
	s0 =	sor.u32 s21, s22;
	v11 =	vshrl.u32 v11, $0x7  }
0x68: {  	v12 =	vshrl.u32 v62, $0x3;
	s25 =	sadd.s32 $0x4500, s20;
	s26 =	sor.u32 s21, s24;
	v11 =	vsub.s32 v0, v11;
	[tilespmem:s0+$0x0] =	vst v10  }
0x69: {  	s23 =	sadd.s32 $0x4580, s20;
	v12 =	vand.u32 $0xF, v12;
	s28 =	sor.u32 s21, s25;
	v11 =	vmul.u32 $0x1F, v11;
	[tilespmem:s26+$0x0] =	vst v10  }
0x6a: {  	s29 =	sor.u32 s21, s23;
	v12 =	vsub.s32 v2, v12;
	[tilespmem:s28+$0x0] =	vst v10;
	s28 =	sadd.s32 $0x4600, s20  }
0x6b: {  	v11 =	vadd.s32 v11, v12;
	[tilespmem:s29+$0x0] =	vst v10;
	s30 =	sor.u32 s21, s28;
	s29 =	sadd.s32 $0x4680, s20  }
0x6c: {  	[tilespmem:s30+$0x0] =	vst v10;
	s31 =	sor.u32 s21, s29;
	s30 =	sadd.s32 $0x4700, s20  }
0x6d: {  	[tilespmem:s31+$0x0] =	vst v10;
	s0 =	sor.u32 s21, s30;
	s31 =	sadd.s32 $0x4780, s20  }
0x6e: {  	[tilespmem:s0+$0x0] =	vst v10;
	s20 =	sor.u32 s21, s31  }
0x6f: {  	[tilespmem:s20+$0x0] =	vst v10  }
0x70: {  	v10 =	vld.idx.msk [tilespmem:v11+s1+$0x0], $0xffff;
	_ =	sdelay $0x1  }
0x71: {  	s0 =	simm.s32 $0x20  }
0x72: {  	s19 =	sand.u32 $0x70, s19;
	v11 =	vmov s0  }
0x73: {  	s26 =	sor.u32 s19, s22;
	v63 =	vor.u32 s0, v9;
	v11 =	vshrl.u32 v11, $0x7  }
0x74: {  	s22 =	sor.u32 s19, s24;
	v12 =	vshrl.u32 v63, $0x3;
	v11 =	vsub.s32 v0, v11;
	[tilespmem:s26+$0x0] =	vst v10  }
0x75: {  	s24 =	sor.u32 s19, s25;
	v12 =	vand.u32 $0xD, v12;
	v11 =	vmul.u32 $0x1F, v11;
	[tilespmem:s22+$0x0] =	vst v10  }
0x76: {  	s25 =	sor.u32 s19, s23;
	v12 =	vsub.s32 v2, v12;
	[tilespmem:s24+$0x0] =	vst v10  }
0x77: {  	s28 =	sor.u32 s19, s28;
	v11 =	vadd.s32 v11, v12;
	[tilespmem:s25+$0x0] =	vst v10  }
0x78: {  	s29 =	sor.u32 s19, s29;
	[tilespmem:s28+$0x0] =	vst v10  }
0x79: {  	s30 =	sor.u32 s19, s30;
	s21 =	simm.s32 $0x30;
	s23 =	sor.u32 s19, s31;
	[tilespmem:s29+$0x0] =	vst v10  }
0x7a: {  	s19 =	simm.s32 $0x30;
	s20 =	sand.u32 $0x60, s0;
	s22 =	simm.s32 $0x2;
	[tilespmem:s30+$0x0] =	vst v10  }
.LBB2_4:
0x7b: {  	s22 =	sadd.s32 $0x2, s22;
	[tilespmem:s23+$0x0] =	vst v10;
	s18 =	sadd.s32 $0x100, s18  }
0x7c: {  	p0 =	slt.u32 s22, $0x7E;
	v10 =	vld.idx.msk [tilespmem:v11+s1+$0x0], $0xffff;
	_ =	sdelay $0x2  }
0x7d: {  	s24 =	sand.u32 $0x3C00, s18  }
0x7e: {  	v11 =	vmov s21;
	s25 =	sadd.s32 $0x4400, s24;
	s23 =	sadd.s32 $0x4500, s24  }
0x7f: {  	v12 =	vor.u32 s21, v9;
	s28 =	sadd.s32 $0x4480, s24;
	v11 =	vshrl.u32 v11, $0x7;
	s26 =	sor.u32 s20, s25;
	s29 =	sor.u32 s20, s23  }
0x80: {  	v12 =	vshrl.u32 v12, $0x3;
	v11 =	vsub.s32 v0, v11;
	[tilespmem:s26+$0x0] =	vst v10;
	s26 =	sor.u32 s20, s28  }
0x81: {  	v12 =	vand.u32 $0xF, v12;
	v11 =	vmul.u32 $0x1F, v11;
	[tilespmem:s26+$0x0] =	vst v10;
	s26 =	sadd.s32 $0x4580, s24  }
0x82: {  	s30 =	sadd.s32 $0x4600, s24;
	v12 =	vsub.s32 v2, v12;
	[tilespmem:s29+$0x0] =	vst v10;
	s29 =	sor.u32 s20, s26  }
0x83: {  	s31 =	sadd.s32 $0x4680, s24;
	v11 =	vadd.s32 v11, v12;
	[tilespmem:s29+$0x0] =	vst v10;
	s29 =	sor.u32 s20, s30  }
0x84: {  	s0 =	sadd.s32 $0x4700, s24;
	[tilespmem:s29+$0x0] =	vst v10;
	s29 =	sor.u32 s20, s31  }
0x85: {  	s24 =	sadd.s32 $0x4780, s24;
	[tilespmem:s29+$0x0] =	vst v10;
	s29 =	sor.u32 s20, s0  }
0x86: {  	s20 =	sor.u32 s20, s24;
	[tilespmem:s29+$0x0] =	vst v10  }
0x87: {  	[tilespmem:s20+$0x0] =	vst v10  }
0x88: {  	v10 =	vld.idx.msk [tilespmem:v11+s1+$0x0], $0xffff;
	_ =	sdelay $0x1  }
0x89: {  	s21 =	sadd.s32 $0x20, s21  }
0x8a: {  	s20 =	sadd.s32 $0xFFFFFFF0, s21  }
0x8b: {  	s29 =	sand.u32 $0x70, s19;
	s19 =	smov.u32 s21;
	v11 =	vmov s20;
	v12 =	vor.u32 s20, v9;
	s20 =	sand.u32 $0x60, s20  }
0x8c: {  	s25 =	sor.u32 s29, s25;
	v12 =	vshrl.u32 v12, $0x3;
	v11 =	vshrl.u32 v11, $0x7  }
0x8d: {  	v12 =	vand.u32 $0xD, v12;
	v11 =	vsub.s32 v0, v11;
	[tilespmem:s25+$0x0] =	vst v10;
	s25 =	sor.u32 s29, s28  }
0x8e: {  	s23 =	sor.u32 s29, s23;
	v11 =	vmul.u32 $0x1F, v11;
	[tilespmem:s25+$0x0] =	vst v10  }
.Ltmp1:
0x8f: {  	v12 =	vsub.s32 v2, v12;
	[tilespmem:s23+$0x0] =	vst v10;
	s23 =	sor.u32 s29, s26;
	(pc) =	sbr.rel @p0 .LBB2_4-.Ltmp1, $4  }
0x90: {  	v11 =	vadd.s32 v11, v12;
	[tilespmem:s23+$0x0] =	vst v10;
	s23 =	sor.u32 s29, s30  }
0x91: {  	[tilespmem:s23+$0x0] =	vst v10;
	s23 =	sor.u32 s29, s31  }
0x92: {  	s0 =	sor.u32 s29, s0;
	[tilespmem:s23+$0x0] =	vst v10  }
0x93: {  	s23 =	sor.u32 s29, s24;
	[tilespmem:s0+$0x0] =	vst v10  }
0x94: {  	_ =	sdelay $0x2  }
0x95: {  	[tilespmem:s23+$0x0] =	vst v10  }
0x96: {  	v10 =	vld.idx.msk [tilespmem:v11+s1+$0x0], $0xffff  }
0x97: {  	s0 =	sadd.s32 $0x100, s18  }
0x98: {  	s0 =	sand.u32 $0x3C00, s0  }
0x99: {  	v11 =	vmov s21;
	s18 =	sadd.s32 $0x4400, s0  }
0x9a: {  	v12 =	vor.u32 s21, v9;
	s23 =	sadd.s32 $0x4480, s0;
	v11 =	vshrl.u32 v11, $0x7;
	s22 =	sor.u32 s20, s18  }
0x9b: {  	v12 =	vshrl.u32 v12, $0x3;
	s21 =	sadd.s32 $0x4500, s0;
	s26 =	sor.u32 s20, s23;
	v11 =	vsub.s32 v0, v11;
	[tilespmem:s22+$0x0] =	vst v10  }
0x9c: {  	v12 =	vand.u32 $0xF, v12;
	s24 =	sor.u32 s20, s21;
	v11 =	vmul.u32 $0x1F, v11;
	s22 =	sadd.s32 $0x4580, s0;
	[tilespmem:s26+$0x0] =	vst v10  }
0x9d: {  	s25 =	sadd.s32 $0x4600, s0;
	v12 =	vsub.s32 v2, v12;
	s28 =	sor.u32 s20, s22;
	[tilespmem:s24+$0x0] =	vst v10  }
0x9e: {  	s29 =	sor.u32 s20, s25;
	v11 =	vadd.s32 v11, v12;
	s26 =	sadd.s32 $0x4680, s0;
	[tilespmem:s28+$0x0] =	vst v10  }
0x9f: {  	s30 =	sor.u32 s20, s26;
	s28 =	sadd.s32 $0x4700, s0;
	[tilespmem:s29+$0x0] =	vst v10  }
0xa0: {  	s0 =	sadd.s32 $0x4780, s0;
	s31 =	sor.u32 s20, s28;
	[tilespmem:s30+$0x0] =	vst v10  }
0xa1: {  	s24 =	sor.u32 s20, s0;
	[tilespmem:s31+$0x0] =	vst v10  }
0xa2: {  	[tilespmem:s24+$0x0] =	vst v10  }
0xa3: {  	v10 =	vld.idx.msk [tilespmem:v11+s1+$0x0], $0xffff;
	_ =	sdelay $0x2  }
0xa4: {  	s19 =	sand.u32 $0x70, s19;
	s20 =	simm.s32 $0x0  }
0xa5: {  	s18 =	sor.u32 s19, s18;
	v11 =	vmov s20  }
0xa6: {  	s29 =	sor.u32 s19, s23;
	v62 =	vor.u32 s20, v9;
	v11 =	vshrl.u32 v11, $0x7;
	[tilespmem:s18+$0x0] =	vst v10  }
0xa7: {  	s30 =	sor.u32 s19, s21;
	v12 =	vshrl.u32 v62, $0x3;
	v11 =	vsub.s32 v0, v11;
	[tilespmem:s29+$0x0] =	vst v10  }
0xa8: {  	s31 =	sor.u32 s19, s22;
	v12 =	vand.u32 $0xD, v12;
	v11 =	vmul.u32 $0x1F, v11;
	[tilespmem:s30+$0x0] =	vst v10  }
0xa9: {  	s21 =	sor.u32 s19, s25;
	v12 =	vsub.s32 v3, v12;
	[tilespmem:s31+$0x0] =	vst v10  }
0xaa: {  	s22 =	sor.u32 s19, s26;
	v11 =	vadd.s32 v11, v12;
	[tilespmem:s21+$0x0] =	vst v10  }
0xab: {  	s23 =	sor.u32 s19, s28;
	[tilespmem:s22+$0x0] =	vst v10  }
0xac: {  	s0 =	sor.u32 s19, s0;
	[tilespmem:s23+$0x0] =	vst v10  }
0xad: {  	s24 =	simm.s32 $0x0;
	[tilespmem:s0+$0x0] =	vst v10  }
0xae: {  	[hbm4b:s5+s24] =	stream.linear.scatter [tilespmem:s15], [sflag:$0x1], $0x4000, $0x38;
	[tilespmem:$0x8400] =	vst v63  }
0xaf: {  	v10 =	vld.idx.msk [tilespmem:v11+s1+$0x0], $0xffff;
	_ =	sdelay $0x1  }
0xb0: {  	s26 =	simm.s32 $0x10;
	s28 =	sand.u32 $0x3C00, s24  }
0xb1: {  	s20 =	sand.u32 $0x60, s20;
	s25 =	sadd.s32 $0x400, s28;
	v11 =	vmov s26  }
0xb2: {  	v63 =	vor.u32 s26, v9;
	s18 =	sor.u32 s20, s25;
	v11 =	vshrl.u32 v11, $0x7  }
0xb3: {  	v12 =	vshrl.u32 v63, $0x3;
	v11 =	vsub.s32 v0, v11;
	[tilespmem:s18+$0x280] =	vst v10  }
0xb4: {  	v12 =	vand.u32 $0xF, v12;
	v11 =	vmul.u32 $0x1F, v11;
	[tilespmem:s18+$0x200] =	vst v10  }
0xb5: {  	s29 =	sand.u32 $0x3, s24;
	v12 =	vsub.s32 v3, v12;
	[tilespmem:s18+$0x180] =	vst v10  }
0xb6: {  	s20 =	sshll.u32 s29, $0x5;
	[tilespmem:s18+$0x100] =	vst v10;
	v11 =	vadd.s32 v11, v12  }
0xb7: {  	s20 =	sadd.s32 $0x0, s20;
	[tilespmem:s18+$0x0] =	vst v10  }
0xb8: {  	s30 =	sor.u32 $0x300, s20;
	[tilespmem:s18+$0x80] =	vst v10  }
0xb9: {  	s19 =	simm.s32 $0x2;
	s31 =	sor.u32 $0x380, s20;
	[tilespmem:s30+$0x400] =	vst v10  }
0xba: {  	s21 =	simm.s32 $0x100;
	s20 =	simm.s32 $0x30;
	s0 =	sand.u32 $0x7, s24;
	[tilespmem:s31+$0x400] =	vst v10  }
0xbb: {  	s22 =	simm.s32 $0x1;
	s0 =	sshll.u32 s0, $0x4;
	s24 =	simm.s32 $0x2;
	v10 =	vld.idx.msk [tilespmem:v11+s1+$0x0], $0xffff  }
0xbc: {  	s23 =	sadd.s32 $0x10, s0;
	s26 =	sand.u32 $0x70, s26;
	s18 =	simm.s32 $0x110  }
.LBB2_6:
0xbd: {  	s24 =	sadd.s32 $0x2, s24;
	s0 =	sand.u32 $0x7, s19;
	s28 =	sadd.s32 $0xFFFFFFF0, s20  }
0xbe: {  	p0 =	slt.u32 s24, $0x7E;
	s0 =	sshll.u32 s0, $0x4;
	v11 =	vmov s28;
	v12 =	vor.u32 s28, v9;
	s28 =	sand.u32 $0x60, s28  }
0xbf: {  	s25 =	sor.u32 s26, s25;
	s0 =	sadd.s32 s0, s18;
	v12 =	vshrl.u32 v12, $0x3;
	v11 =	vshrl.u32 v11, $0x7  }
0xc0: {  	v12 =	vand.u32 $0xD, v12;
	v11 =	vsub.s32 v0, v11;
	[tilespmem:s25+$0x0] =	vst v10  }
0xc1: {  	v11 =	vmul.u32 $0x1F, v11;
	[tilespmem:s25+$0x280] =	vst v10  }
0xc2: {  	v12 =	vsub.s32 v3, v12;
	[tilespmem:s25+$0x200] =	vst v10  }
0xc3: {  	v11 =	vadd.s32 v11, v12;
	[tilespmem:s25+$0x100] =	vst v10  }
0xc4: {  	s26 =	sor.u32 $0x300, s23;
	[tilespmem:s25+$0x80] =	vst v10  }
0xc5: {  	[tilespmem:s25+$0x180] =	vst v10;
	s25 =	sor.u32 $0x380, s23;
	s23 =	smov.u32 s0  }
0xc6: {  	[tilespmem:s26+$0x400] =	vst v10  }
0xc7: {  	[tilespmem:s25+$0x400] =	vst v10  }
0xc8: {  	v10 =	vld.idx.msk [tilespmem:v11+s1+$0x0], $0xffff;
	_ =	sdelay $0x2  }
0xc9: {  	s0 =	sand.u32 $0x3C00, s21  }
0xca: {  	s25 =	sadd.s32 $0x400, s0;
	v11 =	vmov s20  }
0xcb: {  	v12 =	vor.u32 s20, v9;
	s0 =	sor.u32 s28, s25;
	v11 =	vshrl.u32 v11, $0x7  }
0xcc: {  	v12 =	vshrl.u32 v12, $0x3;
	v11 =	vsub.s32 v0, v11;
	[tilespmem:s0+$0x280] =	vst v10  }
0xcd: {  	v12 =	vand.u32 $0xF, v12;
	v11 =	vmul.u32 $0x1F, v11;
	[tilespmem:s0+$0x200] =	vst v10  }
0xce: {  	s26 =	sand.u32 $0x3, s22;
	v12 =	vsub.s32 v3, v12;
	[tilespmem:s0+$0x180] =	vst v10  }
0xcf: {  	s26 =	sshll.u32 s26, $0x5;
	v11 =	vadd.s32 v11, v12;
	[tilespmem:s0+$0x100] =	vst v10  }
0xd0: {  	s26 =	sadd.s32 s26, s21;
	[tilespmem:s0+$0x0] =	vst v10  }
0xd1: {  	[tilespmem:s0+$0x80] =	vst v10;
	s0 =	sor.u32 $0x300, s26  }
.Ltmp2:
0xd2: {  	[tilespmem:s0+$0x400] =	vst v10;
	s0 =	sor.u32 $0x380, s26;
	(pc) =	sbr.rel @p0 .LBB2_6-.Ltmp2, $4  }
0xd3: {  	[tilespmem:s0+$0x400] =	vst v10  }
0xd4: {  	v10 =	vld.idx.msk [tilespmem:v11+s1+$0x0], $0xffff  }
0xd5: {  	s18 =	sadd.s32 $0x100, s18;
	s22 =	sadd.s32 $0x1, s22;
	s21 =	sadd.s32 $0x100, s21  }
0xd6: {  	s19 =	sadd.s32 $0x2, s19;
	s26 =	sand.u32 $0x70, s20;
	s20 =	sadd.s32 $0x20, s20  }
0xd7: {  	s0 =	sadd.s32 $0xFFFFFFF0, s20  }
0xd8: {  	v11 =	vmov s0  }
0xd9: {  	s24 =	sor.u32 s26, s25;
	v12 =	vor.u32 s0, v9;
	v11 =	vshrl.u32 v11, $0x7  }
0xda: {  	v12 =	vshrl.u32 v12, $0x3;
	[tilespmem:s24+$0x0] =	vst v10;
	v11 =	vsub.s32 v0, v11  }
0xdb: {  	[tilespmem:s24+$0x280] =	vst v10;
	v12 =	vand.u32 $0xD, v12;
	v11 =	vmul.u32 $0x1F, v11  }
0xdc: {  	[tilespmem:s24+$0x200] =	vst v10;
	v12 =	vsub.s32 v3, v12  }
0xdd: {  	[tilespmem:s24+$0x100] =	vst v10;
	v11 =	vadd.s32 v11, v12  }
0xde: {  	[tilespmem:s24+$0x80] =	vst v10  }
0xdf: {  	s26 =	sor.u32 $0x300, s23;
	[tilespmem:s24+$0x180] =	vst v10  }
0xe0: {  	s28 =	sor.u32 $0x380, s23;
	[tilespmem:s26+$0x400] =	vst v10  }
0xe1: {  	[tilespmem:s28+$0x400] =	vst v10  }
0xe2: {  	v10 =	vld.idx.msk [tilespmem:v11+s1+$0x0], $0xffff;
	_ =	sdelay $0x1  }
0xe3: {  	s29 =	sand.u32 $0x3C00, s21  }
0xe4: {  	s0 =	sand.u32 $0x60, s0;
	s23 =	sadd.s32 $0x400, s29;
	v11 =	vmov s20  }
0xe5: {  	v60 =	vor.u32 s20, v9;
	s0 =	sor.u32 s0, s23;
	v11 =	vshrl.u32 v11, $0x7  }
0xe6: {  	v12 =	vshrl.u32 v60, $0x3;
	v11 =	vsub.s32 v0, v11;
	[tilespmem:s0+$0x280] =	vst v10  }
0xe7: {  	v12 =	vand.u32 $0xF, v12;
	v11 =	vmul.u32 $0x1F, v11;
	[tilespmem:s0+$0x200] =	vst v10  }
0xe8: {  	s22 =	sand.u32 $0x3, s22;
	v12 =	vsub.s32 v3, v12;
	[tilespmem:s0+$0x180] =	vst v10  }
0xe9: {  	s22 =	sshll.u32 s22, $0x5;
	[tilespmem:s0+$0x100] =	vst v10;
	v11 =	vadd.s32 v11, v12  }
0xea: {  	s30 =	sadd.s32 s22, s21;
	[tilespmem:s0+$0x0] =	vst v10  }
0xeb: {  	s31 =	sor.u32 $0x300, s30;
	[tilespmem:s0+$0x80] =	vst v10  }
0xec: {  	s21 =	sor.u32 $0x380, s30;
	[tilespmem:s31+$0x400] =	vst v10  }
0xed: {  	[tilespmem:s21+$0x400] =	vst v10  }
0xee: {  	v10 =	vld.idx.msk [tilespmem:v11+s1+$0x0], $0xffff;
	_ =	sdelay $0x2  }
0xef: {  	s22 =	sand.u32 $0x70, s20  }
0xf0: {  	s0 =	sor.u32 s22, s23  }
0xf1: {  	[tilespmem:s0+$0x0] =	vst v10  }
0xf2: {  	s23 =	simm.s32 $0x0;
	[tilespmem:s0+$0x280] =	vst v10  }
0xf3: {  	s19 =	sand.u32 $0x7, s19;
	v11 =	vmov s23;
	[tilespmem:s0+$0x200] =	vst v10  }
0xf4: {  	s19 =	sshll.u32 s19, $0x4;
	v61 =	vor.u32 s23, v9;
	v11 =	vshrl.u32 v11, $0x7;
	[tilespmem:s0+$0x100] =	vst v10  }
0xf5: {  	s18 =	sadd.s32 s19, s18;
	v12 =	vshrl.u32 v61, $0x3;
	v11 =	vsub.s32 v0, v11;
	[tilespmem:s0+$0x80] =	vst v10  }
0xf6: {  	s19 =	sor.u32 $0x300, s18;
	v12 =	vand.u32 $0xD, v12;
	v11 =	vmul.u32 $0x1F, v11;
	[tilespmem:s0+$0x180] =	vst v10  }
0xf7: {  	s24 =	sor.u32 $0x380, s18;
	v12 =	vsub.s32 v4, v12;
	[tilespmem:s19+$0x400] =	vst v10  }
0xf8: {  	[tilespmem:s24+$0x400] =	vst v10;
	v10 =	vadd.s32 v11, v12  }
0xf9: {  	_ =	swait.ge [sflag:s16], $0x4000  }
0xfa: {  	[sflag:s16] =	ssyncset.done $0x0  }
0xfb: {  	s18 =	simm.s32 $0x0;
	[sflag:s16] =	ssyncadd.s32 $0xFFFFC000  }
0xfc: {  	[hbm4b:s6+s18] =	stream.linear.scatter [tilespmem:s14], [sflag:$0x1], $0x4000, $0x38;
	[tilespmem:$0x8400] =	vst v63  }
0xfd: {  	v10 =	vld.idx.msk [tilespmem:v10+s1+$0x0], $0xffff;
	_ =	sdelay $0x1  }
0xfe: {  	s0 =	simm.s32 $0x10;
	s19 =	sand.u32 $0x3C00, s18  }
0xff: {  	s20 =	sand.u32 $0x60, s23;
	s21 =	sadd.s32 $0x4400, s19;
	v11 =	vmov s0  }
0x100: {  	v62 =	vor.u32 s0, v9;
	s23 =	sadd.s32 $0x4480, s19;
	s25 =	sor.u32 s20, s21;
	v11 =	vshrl.u32 v11, $0x7  }
0x101: {  	s24 =	sadd.s32 $0x4500, s19;
	v12 =	vshrl.u32 v62, $0x3;
	s26 =	sor.u32 s20, s23;
	v11 =	vsub.s32 v0, v11;
	[tilespmem:s25+$0x0] =	vst v10  }
0x102: {  	s22 =	sadd.s32 $0x4580, s19;
	s28 =	sor.u32 s20, s24;
	v12 =	vand.u32 $0xF, v12;
	v11 =	vmul.u32 $0x1F, v11;
	[tilespmem:s26+$0x0] =	vst v10  }
0x103: {  	s29 =	sor.u32 s20, s22;
	v12 =	vsub.s32 v4, v12;
	s26 =	sadd.s32 $0x4600, s19;
	[tilespmem:s28+$0x0] =	vst v10  }
0x104: {  	v11 =	vadd.s32 v11, v12;
	s30 =	sor.u32 s20, s26;
	s28 =	sadd.s32 $0x4680, s19;
	[tilespmem:s29+$0x0] =	vst v10  }
0x105: {  	s31 =	sor.u32 s20, s28;
	s29 =	sadd.s32 $0x4700, s19;
	[tilespmem:s30+$0x0] =	vst v10  }
0x106: {  	s19 =	sadd.s32 $0x4780, s19;
	s30 =	sor.u32 s20, s29;
	[tilespmem:s31+$0x0] =	vst v10  }
0x107: {  	s20 =	sor.u32 s20, s19;
	[tilespmem:s30+$0x0] =	vst v10  }
0x108: {  	[tilespmem:s20+$0x0] =	vst v10  }
0x109: {  	v10 =	vld.idx.msk [tilespmem:v11+s1+$0x0], $0xffff;
	_ =	sdelay $0x1  }
0x10a: {  	s25 =	simm.s32 $0x20  }
0x10b: {  	s0 =	sand.u32 $0x70, s0;
	v11 =	vmov s25  }
0x10c: {  	v63 =	vor.u32 s25, v9;
	s31 =	sor.u32 s0, s21;
	v11 =	vshrl.u32 v11, $0x7  }
0x10d: {  	v12 =	vshrl.u32 v63, $0x3;
	s21 =	sor.u32 s0, s23;
	v11 =	vsub.s32 v0, v11;
	[tilespmem:s31+$0x0] =	vst v10  }
0x10e: {  	v12 =	vand.u32 $0xD, v12;
	s23 =	sor.u32 s0, s24;
	v11 =	vmul.u32 $0x1F, v11;
	[tilespmem:s21+$0x0] =	vst v10  }
0x10f: {  	v12 =	vsub.s32 v4, v12;
	s24 =	sor.u32 s0, s22;
	[tilespmem:s23+$0x0] =	vst v10  }
0x110: {  	s26 =	sor.u32 s0, s26;
	v11 =	vadd.s32 v11, v12;
	[tilespmem:s24+$0x0] =	vst v10  }
0x111: {  	s30 =	sor.u32 s0, s28;
	[tilespmem:s26+$0x0] =	vst v10  }
0x112: {  	s22 =	simm.s32 $0x2;
	s20 =	sand.u32 $0x60, s25;
	s31 =	sor.u32 s0, s29;
	[tilespmem:s30+$0x0] =	vst v10  }
0x113: {  	s21 =	simm.s32 $0x30;
	s23 =	sor.u32 s0, s19;
	s19 =	simm.s32 $0x30;
	[tilespmem:s31+$0x0] =	vst v10  }
.LBB2_8:
0x114: {  	s22 =	sadd.s32 $0x2, s22;
	[tilespmem:s23+$0x0] =	vst v10;
	s18 =	sadd.s32 $0x100, s18  }
0x115: {  	p0 =	slt.u32 s22, $0x7E;
	v10 =	vld.idx.msk [tilespmem:v11+s1+$0x0], $0xffff;
	_ =	sdelay $0x2  }
0x116: {  	s0 =	sand.u32 $0x3C00, s18  }
0x117: {  	v11 =	vmov s21;
	s24 =	sadd.s32 $0x4400, s0;
	s23 =	sadd.s32 $0x4500, s0  }
0x118: {  	v12 =	vor.u32 s21, v9;
	s26 =	sadd.s32 $0x4480, s0;
	v11 =	vshrl.u32 v11, $0x7;
	s25 =	sor.u32 s20, s24;
	s28 =	sor.u32 s20, s23  }
0x119: {  	v12 =	vshrl.u32 v12, $0x3;
	v11 =	vsub.s32 v0, v11;
	[tilespmem:s25+$0x0] =	vst v10;
	s25 =	sor.u32 s20, s26  }
0x11a: {  	v12 =	vand.u32 $0xF, v12;
	v11 =	vmul.u32 $0x1F, v11;
	[tilespmem:s25+$0x0] =	vst v10;
	s25 =	sadd.s32 $0x4580, s0  }
0x11b: {  	s29 =	sadd.s32 $0x4600, s0;
	v12 =	vsub.s32 v4, v12;
	[tilespmem:s28+$0x0] =	vst v10;
	s28 =	sor.u32 s20, s25  }
0x11c: {  	s30 =	sadd.s32 $0x4680, s0;
	v11 =	vadd.s32 v11, v12;
	[tilespmem:s28+$0x0] =	vst v10;
	s28 =	sor.u32 s20, s29  }
0x11d: {  	s31 =	sadd.s32 $0x4700, s0;
	[tilespmem:s28+$0x0] =	vst v10;
	s28 =	sor.u32 s20, s30  }
0x11e: {  	s0 =	sadd.s32 $0x4780, s0;
	[tilespmem:s28+$0x0] =	vst v10;
	s28 =	sor.u32 s20, s31  }
0x11f: {  	s20 =	sor.u32 s20, s0;
	[tilespmem:s28+$0x0] =	vst v10  }
0x120: {  	[tilespmem:s20+$0x0] =	vst v10  }
0x121: {  	v10 =	vld.idx.msk [tilespmem:v11+s1+$0x0], $0xffff;
	_ =	sdelay $0x1  }
0x122: {  	s21 =	sadd.s32 $0x20, s21  }
0x123: {  	s20 =	sadd.s32 $0xFFFFFFF0, s21  }
0x124: {  	s28 =	sand.u32 $0x70, s19;
	s19 =	smov.u32 s21;
	v11 =	vmov s20;
	v12 =	vor.u32 s20, v9;
	s20 =	sand.u32 $0x60, s20  }
0x125: {  	s24 =	sor.u32 s28, s24;
	v12 =	vshrl.u32 v12, $0x3;
	v11 =	vshrl.u32 v11, $0x7  }
0x126: {  	v12 =	vand.u32 $0xD, v12;
	v11 =	vsub.s32 v0, v11;
	[tilespmem:s24+$0x0] =	vst v10;
	s24 =	sor.u32 s28, s26  }
0x127: {  	s23 =	sor.u32 s28, s23;
	v11 =	vmul.u32 $0x1F, v11;
	[tilespmem:s24+$0x0] =	vst v10  }
.Ltmp3:
0x128: {  	v12 =	vsub.s32 v4, v12;
	[tilespmem:s23+$0x0] =	vst v10;
	s23 =	sor.u32 s28, s25;
	(pc) =	sbr.rel @p0 .LBB2_8-.Ltmp3, $4  }
0x129: {  	v11 =	vadd.s32 v11, v12;
	[tilespmem:s23+$0x0] =	vst v10;
	s23 =	sor.u32 s28, s29  }
0x12a: {  	[tilespmem:s23+$0x0] =	vst v10;
	s23 =	sor.u32 s28, s30  }
0x12b: {  	[tilespmem:s23+$0x0] =	vst v10;
	s23 =	sor.u32 s28, s31  }
0x12c: {  	[tilespmem:s23+$0x0] =	vst v10;
	s23 =	sor.u32 s28, s0  }
0x12d: {  	_ =	sdelay $0x2  }
0x12e: {  	[tilespmem:s23+$0x0] =	vst v10  }
0x12f: {  	v10 =	vld.idx.msk [tilespmem:v11+s1+$0x0], $0xffff  }
0x130: {  	s0 =	sadd.s32 $0x100, s18  }
0x131: {  	s0 =	sand.u32 $0x3C00, s0  }
0x132: {  	v11 =	vmov s21;
	s18 =	sadd.s32 $0x4400, s0  }
0x133: {  	v12 =	vor.u32 s21, v9;
	s23 =	sadd.s32 $0x4480, s0;
	v11 =	vshrl.u32 v11, $0x7;
	s22 =	sor.u32 s20, s18  }
0x134: {  	v12 =	vshrl.u32 v12, $0x3;
	s21 =	sadd.s32 $0x4500, s0;
	s25 =	sor.u32 s20, s23;
	v11 =	vsub.s32 v0, v11;
	[tilespmem:s22+$0x0] =	vst v10  }
0x135: {  	v12 =	vand.u32 $0xF, v12;
	s24 =	sor.u32 s20, s21;
	v11 =	vmul.u32 $0x1F, v11;
	s22 =	sadd.s32 $0x4580, s0;
	[tilespmem:s25+$0x0] =	vst v10  }
0x136: {  	v12 =	vsub.s32 v4, v12;
	s26 =	sor.u32 s20, s22;
	s25 =	sadd.s32 $0x4600, s0;
	[tilespmem:s24+$0x0] =	vst v10  }
0x137: {  	v11 =	vadd.s32 v11, v12;
	s28 =	sor.u32 s20, s25;
	[tilespmem:s26+$0x0] =	vst v10;
	s26 =	sadd.s32 $0x4680, s0  }
0x138: {  	[tilespmem:s28+$0x0] =	vst v10;
	s29 =	sor.u32 s20, s26;
	s28 =	sadd.s32 $0x4700, s0  }
0x139: {  	s0 =	sadd.s32 $0x4780, s0;
	[tilespmem:s29+$0x0] =	vst v10;
	s30 =	sor.u32 s20, s28  }
0x13a: {  	s31 =	sor.u32 s20, s0;
	[tilespmem:s30+$0x0] =	vst v10  }
0x13b: {  	[tilespmem:s31+$0x0] =	vst v10  }
0x13c: {  	v10 =	vld.idx.msk [tilespmem:v11+s1+$0x0], $0xffff;
	_ =	sdelay $0x2  }
0x13d: {  	s19 =	sand.u32 $0x70, s19  }
0x13e: {  	s18 =	sor.u32 s19, s18  }
0x13f: {  	s24 =	sor.u32 s19, s23;
	[tilespmem:s18+$0x0] =	vst v10  }
0x140: {  	s29 =	sor.u32 s19, s21;
	s30 =	simm.s32 $0x0;
	[tilespmem:s24+$0x0] =	vst v10  }
0x141: {  	s31 =	sor.u32 s19, s22;
	v11 =	vmov s30;
	[tilespmem:s29+$0x0] =	vst v10  }
0x142: {  	s21 =	sor.u32 s19, s25;
	v62 =	vor.u32 s30, v9;
	v11 =	vshrl.u32 v11, $0x7;
	[tilespmem:s31+$0x0] =	vst v10  }
0x143: {  	s22 =	sor.u32 s19, s26;
	v12 =	vshrl.u32 v62, $0x3;
	v11 =	vsub.s32 v0, v11;
	[tilespmem:s21+$0x0] =	vst v10  }
0x144: {  	s23 =	sor.u32 s19, s28;
	v12 =	vand.u32 $0xD, v12;
	v11 =	vmul.u32 $0x1F, v11;
	[tilespmem:s22+$0x0] =	vst v10  }
0x145: {  	s0 =	sor.u32 s19, s0;
	v12 =	vsub.s32 v5, v12;
	[tilespmem:s23+$0x0] =	vst v10  }
0x146: {  	[tilespmem:s0+$0x0] =	vst v10;
	v10 =	vadd.s32 v11, v12  }
0x147: {  	_ =	swait.ge [sflag:s16], $0x4000  }
0x148: {  	[sflag:s16] =	ssyncset.done $0x0  }
0x149: {  	s24 =	simm.s32 $0x0;
	[sflag:s16] =	ssyncadd.s32 $0xFFFFC000  }
0x14a: {  	[hbm4b:s7+s24] =	stream.linear.scatter [tilespmem:s15], [sflag:$0x1], $0x4000, $0x38;
	[tilespmem:$0x8400] =	vst v63  }
0x14b: {  	v10 =	vld.idx.msk [tilespmem:v10+s1+$0x0], $0xffff;
	_ =	sdelay $0x1  }
0x14c: {  	s26 =	simm.s32 $0x10;
	s28 =	sand.u32 $0x3C00, s24  }
0x14d: {  	s20 =	sand.u32 $0x60, s30;
	s25 =	sadd.s32 $0x400, s28;
	v11 =	vmov s26  }
0x14e: {  	v63 =	vor.u32 s26, v9;
	s18 =	sor.u32 s20, s25;
	v11 =	vshrl.u32 v11, $0x7  }
0x14f: {  	v12 =	vshrl.u32 v63, $0x3;
	v11 =	vsub.s32 v0, v11;
	[tilespmem:s18+$0x280] =	vst v10  }
0x150: {  	v12 =	vand.u32 $0xF, v12;
	v11 =	vmul.u32 $0x1F, v11;
	[tilespmem:s18+$0x200] =	vst v10  }
0x151: {  	s29 =	sand.u32 $0x3, s24;
	v12 =	vsub.s32 v5, v12;
	[tilespmem:s18+$0x180] =	vst v10  }
0x152: {  	s20 =	sshll.u32 s29, $0x5;
	v11 =	vadd.s32 v11, v12;
	[tilespmem:s18+$0x100] =	vst v10  }
0x153: {  	s20 =	sadd.s32 $0x0, s20;
	[tilespmem:s18+$0x0] =	vst v10  }
0x154: {  	s30 =	sor.u32 $0x300, s20;
	[tilespmem:s18+$0x80] =	vst v10  }
0x155: {  	s19 =	simm.s32 $0x2;
	s31 =	sor.u32 $0x380, s20;
	[tilespmem:s30+$0x400] =	vst v10  }
0x156: {  	s21 =	simm.s32 $0x100;
	s22 =	simm.s32 $0x1;
	s0 =	sand.u32 $0x7, s24;
	[tilespmem:s31+$0x400] =	vst v10  }
0x157: {  	s20 =	simm.s32 $0x30;
	s26 =	sand.u32 $0x70, s26;
	s0 =	sshll.u32 s0, $0x4;
	v10 =	vld.idx.msk [tilespmem:v11+s1+$0x0], $0xffff  }
0x158: {  	s23 =	sadd.s32 $0x10, s0;
	s24 =	simm.s32 $0x2;
	s18 =	simm.s32 $0x110  }
.LBB2_10:
0x159: {  	s24 =	sadd.s32 $0x2, s24;
	s0 =	sand.u32 $0x7, s19;
	s28 =	sadd.s32 $0xFFFFFFF0, s20  }
0x15a: {  	p0 =	slt.u32 s24, $0x7E;
	s0 =	sshll.u32 s0, $0x4;
	v11 =	vmov s28;
	v12 =	vor.u32 s28, v9;
	s28 =	sand.u32 $0x60, s28  }
0x15b: {  	s25 =	sor.u32 s26, s25;
	s0 =	sadd.s32 s0, s18;
	v12 =	vshrl.u32 v12, $0x3;
	v11 =	vshrl.u32 v11, $0x7  }
0x15c: {  	v12 =	vand.u32 $0xD, v12;
	v11 =	vsub.s32 v0, v11;
	[tilespmem:s25+$0x0] =	vst v10  }
0x15d: {  	v11 =	vmul.u32 $0x1F, v11;
	[tilespmem:s25+$0x280] =	vst v10  }
0x15e: {  	v12 =	vsub.s32 v5, v12;
	[tilespmem:s25+$0x200] =	vst v10  }
0x15f: {  	v11 =	vadd.s32 v11, v12;
	[tilespmem:s25+$0x100] =	vst v10  }
0x160: {  	s26 =	sor.u32 $0x300, s23;
	[tilespmem:s25+$0x80] =	vst v10  }
0x161: {  	[tilespmem:s25+$0x180] =	vst v10;
	s25 =	sor.u32 $0x380, s23;
	s23 =	smov.u32 s0  }
0x162: {  	[tilespmem:s26+$0x400] =	vst v10  }
0x163: {  	[tilespmem:s25+$0x400] =	vst v10  }
0x164: {  	v10 =	vld.idx.msk [tilespmem:v11+s1+$0x0], $0xffff;
	_ =	sdelay $0x2  }
0x165: {  	s0 =	sand.u32 $0x3C00, s21  }
0x166: {  	s25 =	sadd.s32 $0x400, s0;
	v11 =	vmov s20  }
0x167: {  	v12 =	vor.u32 s20, v9;
	s0 =	sor.u32 s28, s25;
	v11 =	vshrl.u32 v11, $0x7  }
0x168: {  	v12 =	vshrl.u32 v12, $0x3;
	v11 =	vsub.s32 v0, v11;
	[tilespmem:s0+$0x280] =	vst v10  }
0x169: {  	v12 =	vand.u32 $0xF, v12;
	v11 =	vmul.u32 $0x1F, v11;
	[tilespmem:s0+$0x200] =	vst v10  }
0x16a: {  	s26 =	sand.u32 $0x3, s22;
	v12 =	vsub.s32 v5, v12;
	[tilespmem:s0+$0x180] =	vst v10  }
0x16b: {  	s26 =	sshll.u32 s26, $0x5;
	v11 =	vadd.s32 v11, v12;
	[tilespmem:s0+$0x100] =	vst v10  }
0x16c: {  	s26 =	sadd.s32 s26, s21;
	[tilespmem:s0+$0x0] =	vst v10  }
0x16d: {  	[tilespmem:s0+$0x80] =	vst v10;
	s0 =	sor.u32 $0x300, s26  }
.Ltmp4:
0x16e: {  	[tilespmem:s0+$0x400] =	vst v10;
	s0 =	sor.u32 $0x380, s26;
	(pc) =	sbr.rel @p0 .LBB2_10-.Ltmp4, $4  }
0x16f: {  	[tilespmem:s0+$0x400] =	vst v10  }
0x170: {  	v10 =	vld.idx.msk [tilespmem:v11+s1+$0x0], $0xffff  }
0x171: {  	s18 =	sadd.s32 $0x100, s18;
	s22 =	sadd.s32 $0x1, s22;
	s21 =	sadd.s32 $0x100, s21  }
0x172: {  	s19 =	sadd.s32 $0x2, s19;
	s26 =	sand.u32 $0x70, s20;
	s20 =	sadd.s32 $0x20, s20  }
0x173: {  	s0 =	sadd.s32 $0xFFFFFFF0, s20  }
0x174: {  	v11 =	vmov s0  }
0x175: {  	s24 =	sor.u32 s26, s25;
	v12 =	vor.u32 s0, v9;
	v11 =	vshrl.u32 v11, $0x7  }
0x176: {  	v12 =	vshrl.u32 v12, $0x3;
	[tilespmem:s24+$0x0] =	vst v10;
	v11 =	vsub.s32 v0, v11  }
0x177: {  	[tilespmem:s24+$0x280] =	vst v10;
	v12 =	vand.u32 $0xD, v12;
	v11 =	vmul.u32 $0x1F, v11  }
0x178: {  	[tilespmem:s24+$0x200] =	vst v10;
	v12 =	vsub.s32 v5, v12  }
0x179: {  	[tilespmem:s24+$0x100] =	vst v10;
	v11 =	vadd.s32 v11, v12  }
0x17a: {  	[tilespmem:s24+$0x80] =	vst v10  }
0x17b: {  	s26 =	sor.u32 $0x300, s23;
	[tilespmem:s24+$0x180] =	vst v10  }
0x17c: {  	s28 =	sor.u32 $0x380, s23;
	[tilespmem:s26+$0x400] =	vst v10  }
0x17d: {  	[tilespmem:s28+$0x400] =	vst v10  }
0x17e: {  	v10 =	vld.idx.msk [tilespmem:v11+s1+$0x0], $0xffff;
	_ =	sdelay $0x1  }
0x17f: {  	s29 =	sand.u32 $0x3C00, s21  }
0x180: {  	s0 =	sand.u32 $0x60, s0;
	s23 =	sadd.s32 $0x400, s29;
	v11 =	vmov s20  }
0x181: {  	v60 =	vor.u32 s20, v9;
	s0 =	sor.u32 s0, s23;
	v11 =	vshrl.u32 v11, $0x7  }
0x182: {  	v12 =	vshrl.u32 v60, $0x3;
	v11 =	vsub.s32 v0, v11;
	[tilespmem:s0+$0x280] =	vst v10  }
0x183: {  	v12 =	vand.u32 $0xF, v12;
	v11 =	vmul.u32 $0x1F, v11;
	[tilespmem:s0+$0x200] =	vst v10  }
0x184: {  	s22 =	sand.u32 $0x3, s22;
	v12 =	vsub.s32 v5, v12;
	[tilespmem:s0+$0x180] =	vst v10  }
0x185: {  	s22 =	sshll.u32 s22, $0x5;
	[tilespmem:s0+$0x100] =	vst v10;
	v11 =	vadd.s32 v11, v12  }
0x186: {  	s30 =	sadd.s32 s22, s21;
	[tilespmem:s0+$0x0] =	vst v10  }
0x187: {  	s31 =	sor.u32 $0x300, s30;
	[tilespmem:s0+$0x80] =	vst v10  }
0x188: {  	s21 =	sor.u32 $0x380, s30;
	[tilespmem:s31+$0x400] =	vst v10  }
0x189: {  	[tilespmem:s21+$0x400] =	vst v10  }
0x18a: {  	v10 =	vld.idx.msk [tilespmem:v11+s1+$0x0], $0xffff;
	_ =	sdelay $0x2  }
0x18b: {  	s22 =	sand.u32 $0x70, s20  }
0x18c: {  	s0 =	sor.u32 s22, s23  }
0x18d: {  	[tilespmem:s0+$0x0] =	vst v10  }
0x18e: {  	s23 =	simm.s32 $0x0;
	[tilespmem:s0+$0x280] =	vst v10  }
0x18f: {  	s19 =	sand.u32 $0x7, s19;
	v11 =	vmov s23;
	[tilespmem:s0+$0x200] =	vst v10  }
0x190: {  	s19 =	sshll.u32 s19, $0x4;
	v61 =	vor.u32 s23, v9;
	v11 =	vshrl.u32 v11, $0x7;
	[tilespmem:s0+$0x100] =	vst v10  }
0x191: {  	s18 =	sadd.s32 s19, s18;
	v12 =	vshrl.u32 v61, $0x3;
	v11 =	vsub.s32 v0, v11;
	[tilespmem:s0+$0x80] =	vst v10  }
0x192: {  	s19 =	sor.u32 $0x300, s18;
	v12 =	vand.u32 $0xD, v12;
	v11 =	vmul.u32 $0x1F, v11;
	[tilespmem:s0+$0x180] =	vst v10  }
0x193: {  	s24 =	sor.u32 $0x380, s18;
	v12 =	vsub.s32 v6, v12;
	[tilespmem:s19+$0x400] =	vst v10  }
0x194: {  	[tilespmem:s24+$0x400] =	vst v10;
	v10 =	vadd.s32 v11, v12  }
0x195: {  	_ =	swait.ge [sflag:s16], $0x4000  }
0x196: {  	[sflag:s16] =	ssyncset.done $0x0  }
0x197: {  	s18 =	simm.s32 $0x0;
	[sflag:s16] =	ssyncadd.s32 $0xFFFFC000  }
0x198: {  	[hbm4b:s8+s18] =	stream.linear.scatter [tilespmem:s14], [sflag:$0x1], $0x4000, $0x38;
	[tilespmem:$0x8400] =	vst v63  }
0x199: {  	v10 =	vld.idx.msk [tilespmem:v10+s1+$0x0], $0xffff;
	_ =	sdelay $0x1  }
0x19a: {  	s0 =	simm.s32 $0x10;
	s19 =	sand.u32 $0x3C00, s18  }
0x19b: {  	s20 =	sand.u32 $0x60, s23;
	s21 =	sadd.s32 $0x4400, s19;
	v11 =	vmov s0  }
0x19c: {  	v62 =	vor.u32 s0, v9;
	s23 =	sadd.s32 $0x4480, s19;
	s25 =	sor.u32 s20, s21;
	v11 =	vshrl.u32 v11, $0x7  }
0x19d: {  	s24 =	sadd.s32 $0x4500, s19;
	v12 =	vshrl.u32 v62, $0x3;
	s26 =	sor.u32 s20, s23;
	v11 =	vsub.s32 v0, v11;
	[tilespmem:s25+$0x0] =	vst v10  }
0x19e: {  	s22 =	sadd.s32 $0x4580, s19;
	s28 =	sor.u32 s20, s24;
	v12 =	vand.u32 $0xF, v12;
	v11 =	vmul.u32 $0x1F, v11;
	[tilespmem:s26+$0x0] =	vst v10  }
0x19f: {  	s29 =	sor.u32 s20, s22;
	v12 =	vsub.s32 v6, v12;
	s26 =	sadd.s32 $0x4600, s19;
	[tilespmem:s28+$0x0] =	vst v10  }
0x1a0: {  	v11 =	vadd.s32 v11, v12;
	s30 =	sor.u32 s20, s26;
	s28 =	sadd.s32 $0x4680, s19;
	[tilespmem:s29+$0x0] =	vst v10  }
0x1a1: {  	s31 =	sor.u32 s20, s28;
	s29 =	sadd.s32 $0x4700, s19;
	[tilespmem:s30+$0x0] =	vst v10  }
0x1a2: {  	s19 =	sadd.s32 $0x4780, s19;
	s30 =	sor.u32 s20, s29;
	[tilespmem:s31+$0x0] =	vst v10  }
0x1a3: {  	s20 =	sor.u32 s20, s19;
	[tilespmem:s30+$0x0] =	vst v10  }
0x1a4: {  	[tilespmem:s20+$0x0] =	vst v10  }
0x1a5: {  	v10 =	vld.idx.msk [tilespmem:v11+s1+$0x0], $0xffff;
	_ =	sdelay $0x1  }
0x1a6: {  	s25 =	simm.s32 $0x20  }
0x1a7: {  	s0 =	sand.u32 $0x70, s0;
	v11 =	vmov s25  }
0x1a8: {  	v63 =	vor.u32 s25, v9;
	s31 =	sor.u32 s0, s21;
	v11 =	vshrl.u32 v11, $0x7  }
0x1a9: {  	v12 =	vshrl.u32 v63, $0x3;
	s21 =	sor.u32 s0, s23;
	v11 =	vsub.s32 v0, v11;
	[tilespmem:s31+$0x0] =	vst v10  }
0x1aa: {  	v12 =	vand.u32 $0xD, v12;
	s23 =	sor.u32 s0, s24;
	v11 =	vmul.u32 $0x1F, v11;
	[tilespmem:s21+$0x0] =	vst v10  }
0x1ab: {  	v12 =	vsub.s32 v6, v12;
	s24 =	sor.u32 s0, s22;
	[tilespmem:s23+$0x0] =	vst v10  }
0x1ac: {  	s26 =	sor.u32 s0, s26;
	v11 =	vadd.s32 v11, v12;
	[tilespmem:s24+$0x0] =	vst v10  }
0x1ad: {  	s30 =	sor.u32 s0, s28;
	[tilespmem:s26+$0x0] =	vst v10  }
0x1ae: {  	s22 =	simm.s32 $0x2;
	s20 =	sand.u32 $0x60, s25;
	s31 =	sor.u32 s0, s29;
	[tilespmem:s30+$0x0] =	vst v10  }
0x1af: {  	s21 =	simm.s32 $0x30;
	s23 =	sor.u32 s0, s19;
	s19 =	simm.s32 $0x30;
	[tilespmem:s31+$0x0] =	vst v10  }
.LBB2_12:
0x1b0: {  	s22 =	sadd.s32 $0x2, s22;
	[tilespmem:s23+$0x0] =	vst v10;
	s18 =	sadd.s32 $0x100, s18  }
0x1b1: {  	p0 =	slt.u32 s22, $0x7E;
	v10 =	vld.idx.msk [tilespmem:v11+s1+$0x0], $0xffff;
	_ =	sdelay $0x2  }
0x1b2: {  	s0 =	sand.u32 $0x3C00, s18  }
0x1b3: {  	v11 =	vmov s21;
	s24 =	sadd.s32 $0x4400, s0;
	s23 =	sadd.s32 $0x4500, s0  }
0x1b4: {  	v12 =	vor.u32 s21, v9;
	s26 =	sadd.s32 $0x4480, s0;
	v11 =	vshrl.u32 v11, $0x7;
	s25 =	sor.u32 s20, s24;
	s28 =	sor.u32 s20, s23  }
0x1b5: {  	v12 =	vshrl.u32 v12, $0x3;
	v11 =	vsub.s32 v0, v11;
	[tilespmem:s25+$0x0] =	vst v10;
	s25 =	sor.u32 s20, s26  }
0x1b6: {  	v12 =	vand.u32 $0xF, v12;
	v11 =	vmul.u32 $0x1F, v11;
	[tilespmem:s25+$0x0] =	vst v10;
	s25 =	sadd.s32 $0x4580, s0  }
0x1b7: {  	s29 =	sadd.s32 $0x4600, s0;
	v12 =	vsub.s32 v6, v12;
	[tilespmem:s28+$0x0] =	vst v10;
	s28 =	sor.u32 s20, s25  }
0x1b8: {  	s30 =	sadd.s32 $0x4680, s0;
	v11 =	vadd.s32 v11, v12;
	[tilespmem:s28+$0x0] =	vst v10;
	s28 =	sor.u32 s20, s29  }
0x1b9: {  	s31 =	sadd.s32 $0x4700, s0;
	[tilespmem:s28+$0x0] =	vst v10;
	s28 =	sor.u32 s20, s30  }
0x1ba: {  	s0 =	sadd.s32 $0x4780, s0;
	[tilespmem:s28+$0x0] =	vst v10;
	s28 =	sor.u32 s20, s31  }
0x1bb: {  	s20 =	sor.u32 s20, s0;
	[tilespmem:s28+$0x0] =	vst v10  }
0x1bc: {  	[tilespmem:s20+$0x0] =	vst v10  }
0x1bd: {  	v10 =	vld.idx.msk [tilespmem:v11+s1+$0x0], $0xffff;
	_ =	sdelay $0x1  }
0x1be: {  	s21 =	sadd.s32 $0x20, s21  }
0x1bf: {  	s20 =	sadd.s32 $0xFFFFFFF0, s21  }
0x1c0: {  	s28 =	sand.u32 $0x70, s19;
	s19 =	smov.u32 s21;
	v11 =	vmov s20;
	v12 =	vor.u32 s20, v9;
	s20 =	sand.u32 $0x60, s20  }
0x1c1: {  	s24 =	sor.u32 s28, s24;
	v12 =	vshrl.u32 v12, $0x3;
	v11 =	vshrl.u32 v11, $0x7  }
0x1c2: {  	v12 =	vand.u32 $0xD, v12;
	v11 =	vsub.s32 v0, v11;
	[tilespmem:s24+$0x0] =	vst v10;
	s24 =	sor.u32 s28, s26  }
0x1c3: {  	s23 =	sor.u32 s28, s23;
	v11 =	vmul.u32 $0x1F, v11;
	[tilespmem:s24+$0x0] =	vst v10  }
.Ltmp5:
0x1c4: {  	v12 =	vsub.s32 v6, v12;
	[tilespmem:s23+$0x0] =	vst v10;
	s23 =	sor.u32 s28, s25;
	(pc) =	sbr.rel @p0 .LBB2_12-.Ltmp5, $4  }
0x1c5: {  	v11 =	vadd.s32 v11, v12;
	[tilespmem:s23+$0x0] =	vst v10;
	s23 =	sor.u32 s28, s29  }
0x1c6: {  	[tilespmem:s23+$0x0] =	vst v10;
	s23 =	sor.u32 s28, s30  }
0x1c7: {  	[tilespmem:s23+$0x0] =	vst v10;
	s23 =	sor.u32 s28, s31  }
0x1c8: {  	[tilespmem:s23+$0x0] =	vst v10;
	s23 =	sor.u32 s28, s0  }
0x1c9: {  	_ =	sdelay $0x2  }
0x1ca: {  	[tilespmem:s23+$0x0] =	vst v10  }
0x1cb: {  	v10 =	vld.idx.msk [tilespmem:v11+s1+$0x0], $0xffff  }
0x1cc: {  	s0 =	sadd.s32 $0x100, s18  }
0x1cd: {  	s0 =	sand.u32 $0x3C00, s0  }
0x1ce: {  	v11 =	vmov s21;
	s18 =	sadd.s32 $0x4400, s0  }
0x1cf: {  	v12 =	vor.u32 s21, v9;
	s23 =	sadd.s32 $0x4480, s0;
	v11 =	vshrl.u32 v11, $0x7;
	s22 =	sor.u32 s20, s18  }
0x1d0: {  	v12 =	vshrl.u32 v12, $0x3;
	s21 =	sadd.s32 $0x4500, s0;
	s25 =	sor.u32 s20, s23;
	v11 =	vsub.s32 v0, v11;
	[tilespmem:s22+$0x0] =	vst v10  }
0x1d1: {  	v12 =	vand.u32 $0xF, v12;
	s24 =	sor.u32 s20, s21;
	v11 =	vmul.u32 $0x1F, v11;
	s22 =	sadd.s32 $0x4580, s0;
	[tilespmem:s25+$0x0] =	vst v10  }
0x1d2: {  	v12 =	vsub.s32 v6, v12;
	s26 =	sor.u32 s20, s22;
	s25 =	sadd.s32 $0x4600, s0;
	[tilespmem:s24+$0x0] =	vst v10  }
0x1d3: {  	v11 =	vadd.s32 v11, v12;
	s28 =	sor.u32 s20, s25;
	[tilespmem:s26+$0x0] =	vst v10;
	s26 =	sadd.s32 $0x4680, s0  }
0x1d4: {  	[tilespmem:s28+$0x0] =	vst v10;
	s29 =	sor.u32 s20, s26;
	s28 =	sadd.s32 $0x4700, s0  }
0x1d5: {  	s0 =	sadd.s32 $0x4780, s0;
	[tilespmem:s29+$0x0] =	vst v10;
	s30 =	sor.u32 s20, s28  }
0x1d6: {  	s31 =	sor.u32 s20, s0;
	[tilespmem:s30+$0x0] =	vst v10  }
0x1d7: {  	[tilespmem:s31+$0x0] =	vst v10  }
0x1d8: {  	v10 =	vld.idx.msk [tilespmem:v11+s1+$0x0], $0xffff;
	_ =	sdelay $0x2  }
0x1d9: {  	s19 =	sand.u32 $0x70, s19  }
0x1da: {  	s18 =	sor.u32 s19, s18  }
0x1db: {  	s24 =	sor.u32 s19, s23;
	[tilespmem:s18+$0x0] =	vst v10  }
0x1dc: {  	s29 =	sor.u32 s19, s21;
	s30 =	simm.s32 $0x0;
	[tilespmem:s24+$0x0] =	vst v10  }
0x1dd: {  	s31 =	sor.u32 s19, s22;
	v11 =	vmov s30;
	[tilespmem:s29+$0x0] =	vst v10  }
0x1de: {  	s21 =	sor.u32 s19, s25;
	v62 =	vor.u32 s30, v9;
	v11 =	vshrl.u32 v11, $0x7;
	[tilespmem:s31+$0x0] =	vst v10  }
0x1df: {  	s22 =	sor.u32 s19, s26;
	v12 =	vshrl.u32 v62, $0x3;
	v11 =	vsub.s32 v0, v11;
	[tilespmem:s21+$0x0] =	vst v10  }
0x1e0: {  	s23 =	sor.u32 s19, s28;
	v12 =	vand.u32 $0xD, v12;
	v11 =	vmul.u32 $0x1F, v11;
	[tilespmem:s22+$0x0] =	vst v10  }
0x1e1: {  	s0 =	sor.u32 s19, s0;
	v12 =	vsub.s32 v7, v12;
	[tilespmem:s23+$0x0] =	vst v10  }
0x1e2: {  	[tilespmem:s0+$0x0] =	vst v10;
	v10 =	vadd.s32 v11, v12  }
0x1e3: {  	_ =	swait.ge [sflag:s16], $0x4000  }
0x1e4: {  	[sflag:s16] =	ssyncset.done $0x0  }
0x1e5: {  	s24 =	simm.s32 $0x0;
	[sflag:s16] =	ssyncadd.s32 $0xFFFFC000  }
0x1e6: {  	[hbm4b:s9+s24] =	stream.linear.scatter [tilespmem:s15], [sflag:$0x1], $0x4000, $0x38;
	[tilespmem:$0x8400] =	vst v63  }
0x1e7: {  	v10 =	vld.idx.msk [tilespmem:v10+s1+$0x0], $0xffff;
	_ =	sdelay $0x1  }
0x1e8: {  	s26 =	simm.s32 $0x10;
	s28 =	sand.u32 $0x3C00, s24  }
0x1e9: {  	s20 =	sand.u32 $0x60, s30;
	s25 =	sadd.s32 $0x400, s28;
	v11 =	vmov s26  }
0x1ea: {  	v63 =	vor.u32 s26, v9;
	s18 =	sor.u32 s20, s25;
	v11 =	vshrl.u32 v11, $0x7  }
0x1eb: {  	v12 =	vshrl.u32 v63, $0x3;
	v11 =	vsub.s32 v0, v11;
	[tilespmem:s18+$0x280] =	vst v10  }
0x1ec: {  	v12 =	vand.u32 $0xF, v12;
	v11 =	vmul.u32 $0x1F, v11;
	[tilespmem:s18+$0x200] =	vst v10  }
0x1ed: {  	s29 =	sand.u32 $0x3, s24;
	v12 =	vsub.s32 v7, v12;
	[tilespmem:s18+$0x180] =	vst v10  }
0x1ee: {  	s20 =	sshll.u32 s29, $0x5;
	v11 =	vadd.s32 v11, v12;
	[tilespmem:s18+$0x100] =	vst v10  }
0x1ef: {  	s20 =	sadd.s32 $0x0, s20;
	[tilespmem:s18+$0x0] =	vst v10  }
0x1f0: {  	s30 =	sor.u32 $0x300, s20;
	[tilespmem:s18+$0x80] =	vst v10  }
0x1f1: {  	s19 =	simm.s32 $0x2;
	s31 =	sor.u32 $0x380, s20;
	[tilespmem:s30+$0x400] =	vst v10  }
0x1f2: {  	s21 =	simm.s32 $0x100;
	s22 =	simm.s32 $0x1;
	s0 =	sand.u32 $0x7, s24;
	[tilespmem:s31+$0x400] =	vst v10  }
0x1f3: {  	s20 =	simm.s32 $0x30;
	s26 =	sand.u32 $0x70, s26;
	s0 =	sshll.u32 s0, $0x4;
	v10 =	vld.idx.msk [tilespmem:v11+s1+$0x0], $0xffff  }
0x1f4: {  	s23 =	sadd.s32 $0x10, s0;
	s24 =	simm.s32 $0x2;
	s18 =	simm.s32 $0x110  }
.LBB2_14:
0x1f5: {  	s24 =	sadd.s32 $0x2, s24;
	s0 =	sand.u32 $0x7, s19;
	s28 =	sadd.s32 $0xFFFFFFF0, s20  }
0x1f6: {  	p0 =	slt.u32 s24, $0x7E;
	s0 =	sshll.u32 s0, $0x4;
	v11 =	vmov s28;
	v12 =	vor.u32 s28, v9;
	s28 =	sand.u32 $0x60, s28  }
0x1f7: {  	s25 =	sor.u32 s26, s25;
	s0 =	sadd.s32 s0, s18;
	v12 =	vshrl.u32 v12, $0x3;
	v11 =	vshrl.u32 v11, $0x7  }
0x1f8: {  	v12 =	vand.u32 $0xD, v12;
	v11 =	vsub.s32 v0, v11;
	[tilespmem:s25+$0x0] =	vst v10  }
0x1f9: {  	v11 =	vmul.u32 $0x1F, v11;
	[tilespmem:s25+$0x280] =	vst v10  }
0x1fa: {  	v12 =	vsub.s32 v7, v12;
	[tilespmem:s25+$0x200] =	vst v10  }
0x1fb: {  	v11 =	vadd.s32 v11, v12;
	[tilespmem:s25+$0x100] =	vst v10  }
0x1fc: {  	s26 =	sor.u32 $0x300, s23;
	[tilespmem:s25+$0x80] =	vst v10  }
0x1fd: {  	[tilespmem:s25+$0x180] =	vst v10;
	s25 =	sor.u32 $0x380, s23;
	s23 =	smov.u32 s0  }
0x1fe: {  	[tilespmem:s26+$0x400] =	vst v10  }
0x1ff: {  	[tilespmem:s25+$0x400] =	vst v10  }
0x200: {  	v10 =	vld.idx.msk [tilespmem:v11+s1+$0x0], $0xffff;
	_ =	sdelay $0x2  }
0x201: {  	s0 =	sand.u32 $0x3C00, s21  }
0x202: {  	s25 =	sadd.s32 $0x400, s0;
	v11 =	vmov s20  }
0x203: {  	v12 =	vor.u32 s20, v9;
	s0 =	sor.u32 s28, s25;
	v11 =	vshrl.u32 v11, $0x7  }
0x204: {  	v12 =	vshrl.u32 v12, $0x3;
	v11 =	vsub.s32 v0, v11;
	[tilespmem:s0+$0x280] =	vst v10  }
0x205: {  	v12 =	vand.u32 $0xF, v12;
	v11 =	vmul.u32 $0x1F, v11;
	[tilespmem:s0+$0x200] =	vst v10  }
0x206: {  	s26 =	sand.u32 $0x3, s22;
	v12 =	vsub.s32 v7, v12;
	[tilespmem:s0+$0x180] =	vst v10  }
0x207: {  	s26 =	sshll.u32 s26, $0x5;
	v11 =	vadd.s32 v11, v12;
	[tilespmem:s0+$0x100] =	vst v10  }
0x208: {  	s26 =	sadd.s32 s26, s21;
	[tilespmem:s0+$0x0] =	vst v10  }
0x209: {  	[tilespmem:s0+$0x80] =	vst v10;
	s0 =	sor.u32 $0x300, s26  }
.Ltmp6:
0x20a: {  	[tilespmem:s0+$0x400] =	vst v10;
	s0 =	sor.u32 $0x380, s26;
	(pc) =	sbr.rel @p0 .LBB2_14-.Ltmp6, $4  }
0x20b: {  	[tilespmem:s0+$0x400] =	vst v10  }
0x20c: {  	v10 =	vld.idx.msk [tilespmem:v11+s1+$0x0], $0xffff  }
0x20d: {  	s18 =	sadd.s32 $0x100, s18;
	s22 =	sadd.s32 $0x1, s22;
	s21 =	sadd.s32 $0x100, s21  }
0x20e: {  	s19 =	sadd.s32 $0x2, s19;
	s26 =	sand.u32 $0x70, s20;
	s20 =	sadd.s32 $0x20, s20  }
0x20f: {  	s0 =	sadd.s32 $0xFFFFFFF0, s20  }
0x210: {  	v11 =	vmov s0  }
0x211: {  	s24 =	sor.u32 s26, s25;
	v12 =	vor.u32 s0, v9;
	v11 =	vshrl.u32 v11, $0x7  }
0x212: {  	v12 =	vshrl.u32 v12, $0x3;
	[tilespmem:s24+$0x0] =	vst v10;
	v11 =	vsub.s32 v0, v11  }
0x213: {  	[tilespmem:s24+$0x280] =	vst v10;
	v12 =	vand.u32 $0xD, v12;
	v11 =	vmul.u32 $0x1F, v11  }
0x214: {  	[tilespmem:s24+$0x200] =	vst v10;
	v12 =	vsub.s32 v7, v12  }
0x215: {  	[tilespmem:s24+$0x100] =	vst v10;
	v11 =	vadd.s32 v11, v12  }
0x216: {  	[tilespmem:s24+$0x80] =	vst v10  }
0x217: {  	s26 =	sor.u32 $0x300, s23;
	[tilespmem:s24+$0x180] =	vst v10  }
0x218: {  	s28 =	sor.u32 $0x380, s23;
	[tilespmem:s26+$0x400] =	vst v10  }
0x219: {  	[tilespmem:s28+$0x400] =	vst v10  }
0x21a: {  	v10 =	vld.idx.msk [tilespmem:v11+s1+$0x0], $0xffff;
	_ =	sdelay $0x1  }
0x21b: {  	s29 =	sand.u32 $0x3C00, s21  }
0x21c: {  	s0 =	sand.u32 $0x60, s0;
	s23 =	sadd.s32 $0x400, s29;
	v11 =	vmov s20  }
0x21d: {  	v60 =	vor.u32 s20, v9;
	s0 =	sor.u32 s0, s23;
	v11 =	vshrl.u32 v11, $0x7  }
0x21e: {  	v12 =	vshrl.u32 v60, $0x3;
	v11 =	vsub.s32 v0, v11;
	[tilespmem:s0+$0x280] =	vst v10  }
0x21f: {  	v12 =	vand.u32 $0xF, v12;
	v11 =	vmul.u32 $0x1F, v11;
	[tilespmem:s0+$0x200] =	vst v10  }
0x220: {  	s22 =	sand.u32 $0x3, s22;
	v12 =	vsub.s32 v7, v12;
	[tilespmem:s0+$0x180] =	vst v10  }
0x221: {  	s22 =	sshll.u32 s22, $0x5;
	[tilespmem:s0+$0x100] =	vst v10;
	v11 =	vadd.s32 v11, v12  }
0x222: {  	s30 =	sadd.s32 s22, s21;
	[tilespmem:s0+$0x0] =	vst v10  }
0x223: {  	s31 =	sor.u32 $0x300, s30;
	[tilespmem:s0+$0x80] =	vst v10  }
0x224: {  	s21 =	sor.u32 $0x380, s30;
	[tilespmem:s31+$0x400] =	vst v10  }
0x225: {  	[tilespmem:s21+$0x400] =	vst v10  }
0x226: {  	v10 =	vld.idx.msk [tilespmem:v11+s1+$0x0], $0xffff;
	_ =	sdelay $0x2  }
0x227: {  	s22 =	sand.u32 $0x70, s20  }
0x228: {  	s0 =	sor.u32 s22, s23  }
0x229: {  	[tilespmem:s0+$0x0] =	vst v10  }
0x22a: {  	s23 =	simm.s32 $0x0;
	[tilespmem:s0+$0x280] =	vst v10  }
0x22b: {  	s19 =	sand.u32 $0x7, s19;
	v11 =	vmov s23;
	[tilespmem:s0+$0x200] =	vst v10  }
0x22c: {  	s19 =	sshll.u32 s19, $0x4;
	v61 =	vor.u32 s23, v9;
	v11 =	vshrl.u32 v11, $0x7;
	[tilespmem:s0+$0x100] =	vst v10  }
0x22d: {  	s18 =	sadd.s32 s19, s18;
	v12 =	vshrl.u32 v61, $0x3;
	v11 =	vsub.s32 v0, v11;
	[tilespmem:s0+$0x80] =	vst v10  }
0x22e: {  	s19 =	sor.u32 $0x300, s18;
	v12 =	vand.u32 $0xD, v12;
	v11 =	vmul.u32 $0x1F, v11;
	[tilespmem:s0+$0x180] =	vst v10  }
0x22f: {  	s24 =	sor.u32 $0x380, s18;
	v12 =	vsub.s32 v8, v12;
	[tilespmem:s19+$0x400] =	vst v10  }
0x230: {  	[tilespmem:s24+$0x400] =	vst v10;
	v10 =	vadd.s32 v11, v12  }
0x231: {  	_ =	swait.ge [sflag:s16], $0x4000  }
0x232: {  	[sflag:s16] =	ssyncset.done $0x0  }
0x233: {  	s18 =	simm.s32 $0x0;
	[sflag:s16] =	ssyncadd.s32 $0xFFFFC000  }
0x234: {  	[hbm4b:s10+s18] =	stream.linear.scatter [tilespmem:s14], [sflag:$0x1], $0x4000, $0x38;
	[tilespmem:$0x8400] =	vst v63  }
0x235: {  	v10 =	vld.idx.msk [tilespmem:v10+s1+$0x0], $0xffff;
	_ =	sdelay $0x1  }
0x236: {  	s0 =	simm.s32 $0x10;
	s19 =	sand.u32 $0x3C00, s18  }
0x237: {  	s20 =	sand.u32 $0x60, s23;
	s21 =	sadd.s32 $0x4400, s19;
	v11 =	vmov s0  }
0x238: {  	v62 =	vor.u32 s0, v9;
	s23 =	sadd.s32 $0x4480, s19;
	s25 =	sor.u32 s20, s21;
	v11 =	vshrl.u32 v11, $0x7  }
0x239: {  	s24 =	sadd.s32 $0x4500, s19;
	v12 =	vshrl.u32 v62, $0x3;
	s26 =	sor.u32 s20, s23;
	v11 =	vsub.s32 v0, v11;
	[tilespmem:s25+$0x0] =	vst v10  }
0x23a: {  	s22 =	sadd.s32 $0x4580, s19;
	s28 =	sor.u32 s20, s24;
	v12 =	vand.u32 $0xF, v12;
	v11 =	vmul.u32 $0x1F, v11;
	[tilespmem:s26+$0x0] =	vst v10  }
0x23b: {  	s29 =	sor.u32 s20, s22;
	v12 =	vsub.s32 v8, v12;
	s26 =	sadd.s32 $0x4600, s19;
	[tilespmem:s28+$0x0] =	vst v10  }
0x23c: {  	v11 =	vadd.s32 v11, v12;
	s30 =	sor.u32 s20, s26;
	s28 =	sadd.s32 $0x4680, s19;
	[tilespmem:s29+$0x0] =	vst v10  }
0x23d: {  	s31 =	sor.u32 s20, s28;
	s29 =	sadd.s32 $0x4700, s19;
	[tilespmem:s30+$0x0] =	vst v10  }
0x23e: {  	s19 =	sadd.s32 $0x4780, s19;
	s30 =	sor.u32 s20, s29;
	[tilespmem:s31+$0x0] =	vst v10  }
0x23f: {  	s20 =	sor.u32 s20, s19;
	[tilespmem:s30+$0x0] =	vst v10  }
0x240: {  	[tilespmem:s20+$0x0] =	vst v10  }
0x241: {  	v10 =	vld.idx.msk [tilespmem:v11+s1+$0x0], $0xffff;
	_ =	sdelay $0x1  }
0x242: {  	s25 =	simm.s32 $0x20  }
0x243: {  	s0 =	sand.u32 $0x70, s0;
	v11 =	vmov s25  }
0x244: {  	v63 =	vor.u32 s25, v9;
	s31 =	sor.u32 s0, s21;
	v11 =	vshrl.u32 v11, $0x7  }
0x245: {  	v12 =	vshrl.u32 v63, $0x3;
	s21 =	sor.u32 s0, s23;
	v11 =	vsub.s32 v0, v11;
	[tilespmem:s31+$0x0] =	vst v10  }
0x246: {  	v12 =	vand.u32 $0xD, v12;
	s23 =	sor.u32 s0, s24;
	v11 =	vmul.u32 $0x1F, v11;
	[tilespmem:s21+$0x0] =	vst v10  }
0x247: {  	v12 =	vsub.s32 v8, v12;
	s24 =	sor.u32 s0, s22;
	[tilespmem:s23+$0x0] =	vst v10  }
0x248: {  	s26 =	sor.u32 s0, s26;
	v11 =	vadd.s32 v11, v12;
	[tilespmem:s24+$0x0] =	vst v10  }
0x249: {  	s30 =	sor.u32 s0, s28;
	[tilespmem:s26+$0x0] =	vst v10  }
0x24a: {  	s22 =	simm.s32 $0x2;
	s20 =	sand.u32 $0x60, s25;
	s31 =	sor.u32 s0, s29;
	[tilespmem:s30+$0x0] =	vst v10  }
0x24b: {  	s21 =	simm.s32 $0x30;
	s23 =	sor.u32 s0, s19;
	s19 =	simm.s32 $0x30;
	[tilespmem:s31+$0x0] =	vst v10  }
.LBB2_16:
0x24c: {  	s22 =	sadd.s32 $0x2, s22;
	[tilespmem:s23+$0x0] =	vst v10;
	s18 =	sadd.s32 $0x100, s18  }
0x24d: {  	p0 =	slt.u32 s22, $0x7E;
	v10 =	vld.idx.msk [tilespmem:v11+s1+$0x0], $0xffff;
	_ =	sdelay $0x2  }
0x24e: {  	s0 =	sand.u32 $0x3C00, s18  }
0x24f: {  	v11 =	vmov s21;
	s24 =	sadd.s32 $0x4400, s0;
	s23 =	sadd.s32 $0x4500, s0  }
0x250: {  	v12 =	vor.u32 s21, v9;
	s26 =	sadd.s32 $0x4480, s0;
	v11 =	vshrl.u32 v11, $0x7;
	s25 =	sor.u32 s20, s24;
	s28 =	sor.u32 s20, s23  }
0x251: {  	v12 =	vshrl.u32 v12, $0x3;
	v11 =	vsub.s32 v0, v11;
	[tilespmem:s25+$0x0] =	vst v10;
	s25 =	sor.u32 s20, s26  }
0x252: {  	v12 =	vand.u32 $0xF, v12;
	v11 =	vmul.u32 $0x1F, v11;
	[tilespmem:s25+$0x0] =	vst v10;
	s25 =	sadd.s32 $0x4580, s0  }
0x253: {  	s29 =	sadd.s32 $0x4600, s0;
	v12 =	vsub.s32 v8, v12;
	[tilespmem:s28+$0x0] =	vst v10;
	s28 =	sor.u32 s20, s25  }
0x254: {  	s30 =	sadd.s32 $0x4680, s0;
	v11 =	vadd.s32 v11, v12;
	[tilespmem:s28+$0x0] =	vst v10;
	s28 =	sor.u32 s20, s29  }
0x255: {  	s31 =	sadd.s32 $0x4700, s0;
	[tilespmem:s28+$0x0] =	vst v10;
	s28 =	sor.u32 s20, s30  }
0x256: {  	s0 =	sadd.s32 $0x4780, s0;
	[tilespmem:s28+$0x0] =	vst v10;
	s28 =	sor.u32 s20, s31  }
0x257: {  	s20 =	sor.u32 s20, s0;
	[tilespmem:s28+$0x0] =	vst v10  }
0x258: {  	[tilespmem:s20+$0x0] =	vst v10  }
0x259: {  	v10 =	vld.idx.msk [tilespmem:v11+s1+$0x0], $0xffff;
	_ =	sdelay $0x1  }
0x25a: {  	s21 =	sadd.s32 $0x20, s21  }
0x25b: {  	s20 =	sadd.s32 $0xFFFFFFF0, s21  }
0x25c: {  	s28 =	sand.u32 $0x70, s19;
	s19 =	smov.u32 s21;
	v11 =	vmov s20;
	v12 =	vor.u32 s20, v9;
	s20 =	sand.u32 $0x60, s20  }
0x25d: {  	s24 =	sor.u32 s28, s24;
	v12 =	vshrl.u32 v12, $0x3;
	v11 =	vshrl.u32 v11, $0x7  }
0x25e: {  	v12 =	vand.u32 $0xD, v12;
	v11 =	vsub.s32 v0, v11;
	[tilespmem:s24+$0x0] =	vst v10;
	s24 =	sor.u32 s28, s26  }
0x25f: {  	s23 =	sor.u32 s28, s23;
	v11 =	vmul.u32 $0x1F, v11;
	[tilespmem:s24+$0x0] =	vst v10  }
.Ltmp7:
0x260: {  	v12 =	vsub.s32 v8, v12;
	[tilespmem:s23+$0x0] =	vst v10;
	s23 =	sor.u32 s28, s25;
	(pc) =	sbr.rel @p0 .LBB2_16-.Ltmp7, $4  }
0x261: {  	v11 =	vadd.s32 v11, v12;
	[tilespmem:s23+$0x0] =	vst v10;
	s23 =	sor.u32 s28, s29  }
0x262: {  	[tilespmem:s23+$0x0] =	vst v10;
	s23 =	sor.u32 s28, s30  }
0x263: {  	[tilespmem:s23+$0x0] =	vst v10;
	s23 =	sor.u32 s28, s31  }
0x264: {  	[tilespmem:s23+$0x0] =	vst v10;
	s23 =	sor.u32 s28, s0  }
0x265: {  	_ =	sdelay $0x2  }
0x266: {  	[tilespmem:s23+$0x0] =	vst v10  }
0x267: {  	v10 =	vld.idx.msk [tilespmem:v11+s1+$0x0], $0xffff  }
0x268: {  	s0 =	sadd.s32 $0x100, s18  }
0x269: {  	s0 =	sand.u32 $0x3C00, s0  }
0x26a: {  	v11 =	vmov s21;
	s18 =	sadd.s32 $0x4400, s0  }
0x26b: {  	v12 =	vor.u32 s21, v9;
	s23 =	sadd.s32 $0x4480, s0;
	v11 =	vshrl.u32 v11, $0x7;
	s22 =	sor.u32 s20, s18  }
0x26c: {  	v12 =	vshrl.u32 v12, $0x3;
	s21 =	sadd.s32 $0x4500, s0;
	s25 =	sor.u32 s20, s23;
	v11 =	vsub.s32 v0, v11;
	[tilespmem:s22+$0x0] =	vst v10  }
0x26d: {  	v12 =	vand.u32 $0xF, v12;
	s24 =	sor.u32 s20, s21;
	v11 =	vmul.u32 $0x1F, v11;
	s22 =	sadd.s32 $0x4580, s0;
	[tilespmem:s25+$0x0] =	vst v10  }
0x26e: {  	v12 =	vsub.s32 v8, v12;
	s26 =	sor.u32 s20, s22;
	s25 =	sadd.s32 $0x4600, s0;
	[tilespmem:s24+$0x0] =	vst v10  }
0x26f: {  	v11 =	vadd.s32 v11, v12;
	s28 =	sor.u32 s20, s25;
	[tilespmem:s26+$0x0] =	vst v10;
	s26 =	sadd.s32 $0x4680, s0  }
0x270: {  	[tilespmem:s28+$0x0] =	vst v10;
	s29 =	sor.u32 s20, s26;
	s28 =	sadd.s32 $0x4700, s0  }
0x271: {  	s0 =	sadd.s32 $0x4780, s0;
	[tilespmem:s29+$0x0] =	vst v10;
	s30 =	sor.u32 s20, s28  }
0x272: {  	s31 =	sor.u32 s20, s0;
	[tilespmem:s30+$0x0] =	vst v10  }
0x273: {  	[tilespmem:s31+$0x0] =	vst v10  }
0x274: {  	v10 =	vld.idx.msk [tilespmem:v11+s1+$0x0], $0xffff;
	_ =	sdelay $0x2  }
0x275: {  	s19 =	sand.u32 $0x70, s19  }
0x276: {  	s18 =	sor.u32 s19, s18  }
0x277: {  	s20 =	sor.u32 s19, s23;
	[tilespmem:s18+$0x0] =	vst v10  }
0x278: {  	s23 =	sor.u32 s19, s21;
	[tilespmem:s20+$0x0] =	vst v10  }
0x279: {  	s24 =	sor.u32 s19, s22;
	[tilespmem:s23+$0x0] =	vst v10  }
0x27a: {  	s29 =	sor.u32 s19, s25;
	[tilespmem:s24+$0x0] =	vst v10  }
0x27b: {  	s30 =	sor.u32 s19, s26;
	[tilespmem:s29+$0x0] =	vst v10  }
0x27c: {  	s31 =	sor.u32 s19, s28;
	[tilespmem:s30+$0x0] =	vst v10  }
0x27d: {  	s0 =	sor.u32 s19, s0;
	[tilespmem:s31+$0x0] =	vst v10  }
0x27e: {  	[tilespmem:s0+$0x0] =	vst v10  }
0x27f: {  	_ =	swait.ge [sflag:s16], $0x4000  }
0x280: {  	[sflag:s16] =	ssyncset.done $0x0  }
0x281: {  	s17 =	sadd.s32 $0x1, s17;
	[sflag:s16] =	ssyncadd.s32 $0xFFFFC000  }
0x282: {  	[hbm4b:s11+s1] =	stream.linear.scatter [tilespmem:s15], [sflag:$0x1], $0x4000, $0x38;
	[tilespmem:$0x8400] =	vst v63  }
0x283: {  	p0 =	sne.s32 s17, s12;
	_ =	swait.ge [sflag:s16], $0x4000  }
.Ltmp8:
0x284: {  	[sflag:s16] =	ssyncset.done $0x0;
	(pc) =	sbr.rel @p0 .LBB2_1-.Ltmp8, $4  }
0x285: {  	[sflag:s16] =	ssyncadd.s32 $0xFFFFC000  }
0x286: {  	_ =	swait.ge [sflag:s16], $0x4000  }
0x287: {  	[sflag:s16] =	ssyncset.done $0x0  }
0x288: {  	[sflag:s16] =	ssyncadd.s32 $0xFFFFC000  }
0x289: {  	_ =	sfence.sel $0x180000  }
0x28a: {  	[bflag:$0x0] =	sbarrier.arrive $0xFFFF  }
0x28b: {  	_ =	strace $0x90000047  }
0x28c: {  	[bflag:$0x2] =	sbarrier.arrive $0xFFFF  }
0x28d: {  	p0 =	sne.s32 s2, $0x0;
	s0 =	rddreg [dreg:$0x2]  }
0x28e: {  	s0 =	sadd.s32 @!p0 $0x100000, s0  }
0x28f: {  	[sflag:s0] =	ssyncadd.tile.s32 @!p0 $0x1;
	_ =	shalt  }
.Lfunc_end2:
_tile_overlayer_lowered:
.L_overlay_start_2:
0x290: {  	(tag) =	ssettag $0x2  }
0x291: {  	s0 =	rddreg [dreg:$0x0];
	s2 =	stileid.u32  }
0x292: {  	s1 =	rddreg [dreg:$0x1];
	p0 =	sne.s32 s2, $0x0  }
0x293: {  	s3 =	rddreg [dreg:$0x2];
	[bflag:$0x3] =	sbarrier.arrive $0xFFFF;
	s2 =	simm.s32 @!p0 $0x1C02  }
0x294: {  	[timem:s3], [sflag:s2] =	dma.local @!p0 [hbm:s0], s1  }
0x295: {  	s0 =	simm.s32 @!p0 $0x2  }
0x296: {  	_ =	swait.ge @!p0 [sflag:s0], s1  }
0x297: {  	s1 =	ssub.s32 @!p0 $0x0, s1;
	[sflag:s0] =	ssyncset.done @!p0 $0x0  }
0x298: {  	[sflag:s0] =	ssyncadd.s32 @!p0 s1  }
0x299: {  	[bflag:$0x3] =	sbarrier.arrive $0xFFFF  }
0x29a: {  	_ =	shalt  }

</sc_bundles>
